<compile_context>
chip_gen: v7x
topology: tpu7x:2x2x1
jax: 0.10.2.dev20260603
libtpu: 0.0.44.dev20260713+nightly
codegen_flags: <defaults>
</compile_context>

<pallas_src>
import functools

import jax
import jax.numpy as jnp
from jax import lax
from jax.experimental import pallas as pl
from jax.experimental.pallas import tpu as pltpu
from jax.experimental.pallas import tpu_sc as plsc

_N = 10000
_E = 320000
_D = 128
_H = 256
_O = 128

_NC = 2
_NS = 16
_NW = _NC * _NS
_CHUNK = 128
_NCH_TOT = _E // _CHUNK
_NCH = _NCH_TOT // _NW
_NEXTRA = _NCH_TOT - _NCH * _NW
_RPT = (_N // _NS) // 8 * 8
_TAIL = _N - _NS * _RPT

_sc_mesh = plsc.VectorSubcoreMesh(core_axis_name="c", subcore_axis_name="s")


_NR = 3
_NI = 6


@functools.partial(
    pl.kernel,
    out_type=jax.ShapeDtypeStruct((_NC, _N, _D), jnp.float32),
    mesh=_sc_mesh,
    scratch_types=[
        [pltpu.VMEM((_CHUNK,), jnp.int32) for _ in range(_NI)],
        [pltpu.VMEM((_CHUNK,), jnp.int32) for _ in range(_NI)],
        [pltpu.VMEM((_CHUNK, _D), jnp.float32) for _ in range(_NR)],
        pltpu.VMEM_SHARED((_N, _D), jnp.float32),
        [pltpu.SemaphoreType.DMA for _ in range(_NI)],
        [pltpu.SemaphoreType.DMA for _ in range(_NR)],
        [pltpu.SemaphoreType.DMA for _ in range(_NR)],
        pltpu.VMEM((_CHUNK,), jnp.int32),
        pltpu.VMEM((_CHUNK,), jnp.int32),
        pltpu.SemaphoreType.DMA,
    ],
)
def _sc_aggregate(x_hbm, zero_hbm, src_hbm, dst_hbm, out_hbm, sidx, didx, rows,
                  accum, semi, semg, sems, sidx_e, didx_e, semi_e):
    c = lax.axis_index("c")
    s = lax.axis_index("s")
    r0 = pl.multiple_of(s * _RPT, 8)
    t0 = _NS * _RPT
    wid = c * _NS + s
    first = wid * _NCH

    def _idx_copies(chunk, q):
        off = pl.multiple_of(chunk * _CHUNK, _CHUNK)
        return (
            pltpu.make_async_copy(src_hbm.at[pl.ds(off, _CHUNK)], sidx[q], semi[q]),
            pltpu.make_async_copy(dst_hbm.at[pl.ds(off, _CHUNK)], didx[q], semi[q]),
        )

    def _gather(b, q):
        return pltpu.make_async_copy(x_hbm.at[sidx[q]], rows[b], semg[b])

    def _scatter_start(b, q):
        pltpu.async_copy(rows[b], accum.at[didx[q]], sems[b], add=True)

    def _scatter_wait(b, q):
        pltpu.make_async_copy(rows[b], accum.at[didx[q]], sems[b]).wait()

    def _extra_copies():
        off = pl.multiple_of((_NCH * _NW + wid) * _CHUNK, _CHUNK)
        return (
            pltpu.make_async_copy(src_hbm.at[pl.ds(off, _CHUNK)], sidx_e, semi_e),
            pltpu.make_async_copy(dst_hbm.at[pl.ds(off, _CHUNK)], didx_e, semi_e),
        )

    def _gather_e():
        return pltpu.make_async_copy(x_hbm.at[sidx_e], rows[0], semg[0])

    for ch in range(4):
        for cp in _idx_copies(first + ch, ch):
            cp.start()

    @pl.when(wid < _NEXTRA)
    def _():
        for cp in _extra_copies():
            cp.start()

    @pl.when(c == 0)
    def _():
        pltpu.sync_copy(x_hbm.at[pl.ds(r0, _RPT)], accum.at[pl.ds(r0, _RPT)])

        @pl.when(s == _NS - 1)
        def _():
            pltpu.sync_copy(x_hbm.at[pl.ds(t0, _TAIL)], accum.at[pl.ds(t0, _TAIL)])

    @pl.when(c == 1)
    def _():
        pltpu.sync_copy(zero_hbm.at[pl.ds(r0, _RPT)], accum.at[pl.ds(r0, _RPT)])

        @pl.when(s == _NS - 1)
        def _():
            pltpu.sync_copy(zero_hbm.at[pl.ds(t0, _TAIL)],
                            accum.at[pl.ds(t0, _TAIL)])

    for cp in _idx_copies(first, 0):
        cp.wait()
    _gather(0, 0).start()
    plsc.subcore_barrier()

    def body(k, carry):
        for u in range(_NI):
            i = k * _NI + u
            b, q = u % _NR, u
            b1, q1 = (u + 1) % _NR, (u + 1) % _NI

            @pl.when(i + 1 < _NCH)
            def _():
                @pl.when(i >= 2)
                def _():
                    _scatter_wait(b1, (u - 2) % _NI)

                for cp in _idx_copies(first + i + 1, q1):
                    cp.wait()
                _gather(b1, q1).start()

            _gather(b, q).wait()
            _scatter_start(b, q)

            @pl.when(i + 4 < _NCH)
            def _():
                for cp in _idx_copies(first + i + 4, (u + 4) % _NI):
                    cp.start()
        return carry

    lax.fori_loop(0, _NCH // _NI, body, 0)

    for i in range(_NCH - _NR, _NCH):
        _scatter_wait(i % _NR, i % _NI)

    @pl.when(wid < _NEXTRA)
    def _():
        for cp in _extra_copies():
            cp.wait()
        g = _gather_e()
        g.start()
        g.wait()
        pltpu.sync_copy(rows[0], accum.at[didx_e], add=True)

    plsc.subcore_barrier()
    pltpu.sync_copy(accum.at[pl.ds(r0, _RPT)], out_hbm.at[c, pl.ds(r0, _RPT)])

    @pl.when(s == _NS - 1)
    def _():
        pltpu.sync_copy(accum.at[pl.ds(t0, _TAIL)], out_hbm.at[c, pl.ds(t0, _TAIL)])


_BLK = 2000


def _mlp_body(p0_ref, p1_ref, w1_ref, b1_ref, w2_ref, b2_ref, w5_ref, z_ref):
    bf = jnp.bfloat16
    s = p0_ref[0] + p1_ref[0]
    h = jnp.maximum(
        jnp.dot(s.astype(bf), w1_ref[...].astype(bf),
                preferred_element_type=jnp.float32) + b1_ref[...], 0.0)
    h = jnp.maximum(
        jnp.dot(h.astype(bf), w2_ref[...].astype(bf),
                preferred_element_type=jnp.float32) + b2_ref[...], 0.0)
    z_ref[...] = jnp.dot(h.astype(bf), w5_ref[...].astype(bf),
                         preferred_element_type=jnp.float32)


def _final_body(q0_ref, q1_ref, b5_ref, o_ref):
    pre = q0_ref[0] + q1_ref[0] + b5_ref[...]
    m = jnp.max(pre, axis=-1, keepdims=True)
    e = jnp.exp(pre - m)
    lse = jnp.log(jnp.sum(e, axis=-1, keepdims=True))
    o_ref[...] = pre - m - lse


def kernel(x, edge_index, W1, b1, W2, b2, W5, b5):
    src = edge_index[0]
    dst = edge_index[1]
    b1r = b1.reshape(1, _H)
    b2r = b2.reshape(1, _H)
    b5r = b5.reshape(1, _O)
    zeros = jnp.zeros((_N, _D), jnp.float32)

    p = _sc_aggregate(x, zeros, src, dst)

    grid = _N // _BLK
    row_spec = lambda d: pl.BlockSpec((_BLK, d), lambda i: (i, 0))
    part_spec = lambda c, d: pl.BlockSpec((1, _BLK, d), lambda i, c=c: (c, i, 0))
    full_spec = lambda r, cdim: pl.BlockSpec((r, cdim), lambda i: (0, 0))

    z = pl.pallas_call(
        _mlp_body,
        grid=(grid,),
        in_specs=[
            part_spec(0, _D), part_spec(1, _D),
            full_spec(_D, _H), full_spec(1, _H),
            full_spec(_H, _H), full_spec(1, _H),
            full_spec(_H, _O),
        ],
        out_specs=row_spec(_O),
        out_shape=jax.ShapeDtypeStruct((_N, _O), jnp.float32),
    )(p, p, W1, b1r, W2, b2r, W5)

    q = _sc_aggregate(z, zeros, src, dst)

    out = pl.pallas_call(
        _final_body,
        grid=(grid,),
        in_specs=[
            part_spec(0, _O), part_spec(1, _O),
            full_spec(1, _O),
        ],
        out_specs=row_spec(_O),
        out_shape=jax.ShapeDtypeStruct((_N, _O), jnp.float32),
    )(q, q, b5r)
    return out

# --- scband reference (transcript-rebuilt; emitter-appended) ---
"""Pipeline reference for scband-net-18811956756715 (READ-ONLY COPY).

The authoritative reference and input builder live on the scoring server;
editing this copy changes nothing except your own understanding.
"""

import jax, jax.numpy as jnp
import numpy as np

N = 10000
E = 320000
D = 128
H = 256
O = 128


def setup_inputs(seed: int = 0) -> dict:
    key = jax.random.key(seed)
    ks = jax.random.split(key, 8)
    x = jax.random.normal(ks[0], (N, D), dtype=jnp.float32)
    edge_index = jax.random.randint(ks[1], (2, E), 0, N, dtype=jnp.int32)
    # conv1 MLP: Linear(D,H) -> ReLU -> Linear(H,H) -> ReLU
    W1 = jax.random.normal(ks[2], (D, H), dtype=jnp.float32) * (1.0 / np.sqrt(D))
    b1 = jnp.zeros((H,), dtype=jnp.float32)
    W2 = jax.random.normal(ks[3], (H, H), dtype=jnp.float32) * (1.0 / np.sqrt(H))
    b2 = jnp.zeros((H,), dtype=jnp.float32)
    # conv5 MLP: Linear(H,O)
    W5 = jax.random.normal(ks[4], (H, O), dtype=jnp.float32) * (1.0 / np.sqrt(H))
    b5 = jnp.zeros((O,), dtype=jnp.float32)
    return {"x": x, "edge_index": edge_index, "W1": W1, "b1": b1, "W2": W2, "b2": b2, "W5": W5, "b5": b5}


def _gin_aggregate(h, src, dst):
    # GINConv (eps=0, train_eps=False): (1+eps)*x_i + sum_{j in N(i)} x_j
    aggr = jnp.zeros_like(h).at[dst].add(h[src])
    return h + aggr


def reference(x, edge_index, W1, b1, W2, b2, W5, b5):
    src = edge_index[0]
    dst = edge_index[1]
    # conv1
    s = _gin_aggregate(x, src, dst)
    h = jax.nn.relu(s @ W1 + b1)
    h = jax.nn.relu(h @ W2 + b2)
    # dropout(p=0.5) in eval mode -> identity
    # conv5
    s2 = _gin_aggregate(h, src, dst)
    out = s2 @ W5 + b5
    return jax.nn.log_softmax(out, axis=-1)

if __name__ == "__main__":
    import jax
    _d = setup_inputs()
    print(jax.jit(kernel)(*tuple(_d.values())))

</pallas_src>

<mosaic_0001>
#map = affine_map<(d0, d1) -> (0, 0)>
#map1 = affine_map<(d0, d1) -> (0)>
#map2 = affine_map<(d0, d1) -> (0, 0, 0)>
module attributes {stable_mosaic.version = 14 : i64} {
  func.func @_sc_aggregate(%arg0: i32, %arg1: i32, %arg2: memref<10000x128xf32, #tpu.memory_space<hbm>>, %arg3: memref<10000x128xf32, #tpu.memory_space<hbm>>, %arg4: memref<320000xi32, #tpu.memory_space<hbm>>, %arg5: memref<320000xi32, #tpu.memory_space<hbm>>, %arg6: memref<2x10000x128xf32, #tpu.memory_space<hbm>>, %arg7: memref<128xi32, #tpu.memory_space<vmem>>, %arg8: memref<128xi32, #tpu.memory_space<vmem>>, %arg9: memref<128xi32, #tpu.memory_space<vmem>>, %arg10: memref<128xi32, #tpu.memory_space<vmem>>, %arg11: memref<128xi32, #tpu.memory_space<vmem>>, %arg12: memref<128xi32, #tpu.memory_space<vmem>>, %arg13: memref<128xi32, #tpu.memory_space<vmem>>, %arg14: memref<128xi32, #tpu.memory_space<vmem>>, %arg15: memref<128xi32, #tpu.memory_space<vmem>>, %arg16: memref<128xi32, #tpu.memory_space<vmem>>, %arg17: memref<128xi32, #tpu.memory_space<vmem>>, %arg18: memref<128xi32, #tpu.memory_space<vmem>>, %arg19: memref<128x128xf32, #tpu.memory_space<vmem>>, %arg20: memref<128x128xf32, #tpu.memory_space<vmem>>, %arg21: memref<128x128xf32, #tpu.memory_space<vmem>>, %arg22: memref<10000x128xf32, #tpu.memory_space<vmem_shared>>, %arg23: memref<!tpu.dma_semaphore, #tpu.memory_space<semaphore_mem>>, %arg24: memref<!tpu.dma_semaphore, #tpu.memory_space<semaphore_mem>>, %arg25: memref<!tpu.dma_semaphore, #tpu.memory_space<semaphore_mem>>, %arg26: memref<!tpu.dma_semaphore, #tpu.memory_space<semaphore_mem>>, %arg27: memref<!tpu.dma_semaphore, #tpu.memory_space<semaphore_mem>>, %arg28: memref<!tpu.dma_semaphore, #tpu.memory_space<semaphore_mem>>, %arg29: memref<!tpu.dma_semaphore, #tpu.memory_space<semaphore_mem>>, %arg30: memref<!tpu.dma_semaphore, #tpu.memory_space<semaphore_mem>>, %arg31: memref<!tpu.dma_semaphore, #tpu.memory_space<semaphore_mem>>, %arg32: memref<!tpu.dma_semaphore, #tpu.memory_space<semaphore_mem>>, %arg33: memref<!tpu.dma_semaphore, #tpu.memory_space<semaphore_mem>>, %arg34: memref<!tpu.dma_semaphore, #tpu.memory_space<semaphore_mem>>, %arg35: memref<128xi32, #tpu.memory_space<vmem>>, %arg36: memref<128xi32, #tpu.memory_space<vmem>>, %arg37: memref<!tpu.dma_semaphore, #tpu.memory_space<semaphore_mem>>) attributes {dimension_semantics = [#tpu.dimension_semantics<core_parallel>, #tpu.dimension_semantics<subcore_parallel>], iteration_bounds = array<i64: 2, 16>, scalar_prefetch = 0 : i64, scratch_operands = 31 : i64, tpu.core_type = #tpu.core_type<sc_vector_subcore>, window_params = [{transform_indices = #map}, {transform_indices = #map}, {transform_indices = #map1}, {transform_indices = #map1}, {transform_indices = #map2}]} {
    %mul3A = arith.constant 624 : i32
    %mul3A_0 = arith.muli %arg1, %mul3A : i32
    %multiple_of3A = tpu.assume_multiple %mul3A_0, 8 : i32
    %mul3A_1 = arith.constant 16 : i32
    %mul3A_2 = arith.muli %arg0, %mul3A_1 : i32
    %add3A = arith.addi %mul3A_2, %arg1 : i32
    %mul3A_3 = arith.constant 78 : i32
    %mul3A_4 = arith.muli %add3A, %mul3A_3 : i32
    %add3A_5 = arith.constant 0 : i32
    %add3A_6 = arith.addi %mul3A_4, %add3A_5 : i32
    %mul3A_7 = arith.constant 128 : i32
    %mul3A_8 = arith.muli %add3A_6, %mul3A_7 : i32
    %multiple_of3A_9 = tpu.assume_multiple %mul3A_8, 128 : i32
    %dma_start3A = tpu.memref_slice %arg4[%multiple_of3A_9] : memref<320000xi32, #tpu.memory_space<hbm>> -> memref<128xi32, #tpu.memory_space<hbm>>
    %dma_start3A_10 = tpu.memref_slice %arg4[%multiple_of3A_9] : memref<320000xi32, #tpu.memory_space<hbm>> -> memref<128xi32, #tpu.memory_space<hbm>>
    tpu.enqueue_dma source(%dma_start3A_10 : memref<128xi32, #tpu.memory_space<hbm>>) target(%arg7 : memref<128xi32, #tpu.memory_space<vmem>>) target_semaphore(%arg23 : memref<!tpu.dma_semaphore, #tpu.memory_space<semaphore_mem>>)
    %dma_start3A_11 = tpu.memref_slice %arg5[%multiple_of3A_9] : memref<320000xi32, #tpu.memory_space<hbm>> -> memref<128xi32, #tpu.memory_space<hbm>>
    %dma_start3A_12 = tpu.memref_slice %arg5[%multiple_of3A_9] : memref<320000xi32, #tpu.memory_space<hbm>> -> memref<128xi32, #tpu.memory_space<hbm>>
    tpu.enqueue_dma source(%dma_start3A_12 : memref<128xi32, #tpu.memory_space<hbm>>) target(%arg13 : memref<128xi32, #tpu.memory_space<vmem>>) target_semaphore(%arg23 : memref<!tpu.dma_semaphore, #tpu.memory_space<semaphore_mem>>)
    %add3A_13 = arith.constant 1 : i32
    %add3A_14 = arith.addi %mul3A_4, %add3A_13 : i32
    %mul3A_15 = arith.constant 128 : i32
    %mul3A_16 = arith.muli %add3A_14, %mul3A_15 : i32
    %multiple_of3A_17 = tpu.assume_multiple %mul3A_16, 128 : i32
    %dma_start3A_18 = tpu.memref_slice %arg4[%multiple_of3A_17] : memref<320000xi32, #tpu.memory_space<hbm>> -> memref<128xi32, #tpu.memory_space<hbm>>
    %dma_start3A_19 = tpu.memref_slice %arg4[%multiple_of3A_17] : memref<320000xi32, #tpu.memory_space<hbm>> -> memref<128xi32, #tpu.memory_space<hbm>>
    tpu.enqueue_dma source(%dma_start3A_19 : memref<128xi32, #tpu.memory_space<hbm>>) target(%arg8 : memref<128xi32, #tpu.memory_space<vmem>>) target_semaphore(%arg24 : memref<!tpu.dma_semaphore, #tpu.memory_space<semaphore_mem>>)
    %dma_start3A_20 = tpu.memref_slice %arg5[%multiple_of3A_17] : memref<320000xi32, #tpu.memory_space<hbm>> -> memref<128xi32, #tpu.memory_space<hbm>>
    %dma_start3A_21 = tpu.memref_slice %arg5[%multiple_of3A_17] : memref<320000xi32, #tpu.memory_space<hbm>> -> memref<128xi32, #tpu.memory_space<hbm>>
    tpu.enqueue_dma source(%dma_start3A_21 : memref<128xi32, #tpu.memory_space<hbm>>) target(%arg14 : memref<128xi32, #tpu.memory_space<vmem>>) target_semaphore(%arg24 : memref<!tpu.dma_semaphore, #tpu.memory_space<semaphore_mem>>)
    %add3A_22 = arith.constant 2 : i32
    %add3A_23 = arith.addi %mul3A_4, %add3A_22 : i32
    %mul3A_24 = arith.constant 128 : i32
    %mul3A_25 = arith.muli %add3A_23, %mul3A_24 : i32
    %multiple_of3A_26 = tpu.assume_multiple %mul3A_25, 128 : i32
    %dma_start3A_27 = tpu.memref_slice %arg4[%multiple_of3A_26] : memref<320000xi32, #tpu.memory_space<hbm>> -> memref<128xi32, #tpu.memory_space<hbm>>
    %dma_start3A_28 = tpu.memref_slice %arg4[%multiple_of3A_26] : memref<320000xi32, #tpu.memory_space<hbm>> -> memref<128xi32, #tpu.memory_space<hbm>>
    tpu.enqueue_dma source(%dma_start3A_28 : memref<128xi32, #tpu.memory_space<hbm>>) target(%arg9 : memref<128xi32, #tpu.memory_space<vmem>>) target_semaphore(%arg25 : memref<!tpu.dma_semaphore, #tpu.memory_space<semaphore_mem>>)
    %dma_start3A_29 = tpu.memref_slice %arg5[%multiple_of3A_26] : memref<320000xi32, #tpu.memory_space<hbm>> -> memref<128xi32, #tpu.memory_space<hbm>>
    %dma_start3A_30 = tpu.memref_slice %arg5[%multiple_of3A_26] : memref<320000xi32, #tpu.memory_space<hbm>> -> memref<128xi32, #tpu.memory_space<hbm>>
    tpu.enqueue_dma source(%dma_start3A_30 : memref<128xi32, #tpu.memory_space<hbm>>) target(%arg15 : memref<128xi32, #tpu.memory_space<vmem>>) target_semaphore(%arg25 : memref<!tpu.dma_semaphore, #tpu.memory_space<semaphore_mem>>)
    %add3A_31 = arith.constant 3 : i32
    %add3A_32 = arith.addi %mul3A_4, %add3A_31 : i32
    %mul3A_33 = arith.constant 128 : i32
    %mul3A_34 = arith.muli %add3A_32, %mul3A_33 : i32
    %multiple_of3A_35 = tpu.assume_multiple %mul3A_34, 128 : i32
    %dma_start3A_36 = tpu.memref_slice %arg4[%multiple_of3A_35] : memref<320000xi32, #tpu.memory_space<hbm>> -> memref<128xi32, #tpu.memory_space<hbm>>
    %dma_start3A_37 = tpu.memref_slice %arg4[%multiple_of3A_35] : memref<320000xi32, #tpu.memory_space<hbm>> -> memref<128xi32, #tpu.memory_space<hbm>>
    tpu.enqueue_dma source(%dma_start3A_37 : memref<128xi32, #tpu.memory_space<hbm>>) target(%arg10 : memref<128xi32, #tpu.memory_space<vmem>>) target_semaphore(%arg26 : memref<!tpu.dma_semaphore, #tpu.memory_space<semaphore_mem>>)
    %dma_start3A_38 = tpu.memref_slice %arg5[%multiple_of3A_35] : memref<320000xi32, #tpu.memory_space<hbm>> -> memref<128xi32, #tpu.memory_space<hbm>>
    %dma_start3A_39 = tpu.memref_slice %arg5[%multiple_of3A_35] : memref<320000xi32, #tpu.memory_space<hbm>> -> memref<128xi32, #tpu.memory_space<hbm>>
    tpu.enqueue_dma source(%dma_start3A_39 : memref<128xi32, #tpu.memory_space<hbm>>) target(%arg16 : memref<128xi32, #tpu.memory_space<vmem>>) target_semaphore(%arg26 : memref<!tpu.dma_semaphore, #tpu.memory_space<semaphore_mem>>)
    %lt3A = arith.constant 4 : i32
    %lt3A_40 = arith.cmpi slt, %add3A, %lt3A : i32
    %convert_element_type3A = arith.extui %lt3A_40 : i1 to i32
    %cond3A = arith.constant 0 : i32
    %cond3A_41 = arith.cmpi ne, %convert_element_type3A, %cond3A : i32
    scf.if %cond3A_41 {
      %add3A_85 = arith.constant 2496 : i32
      %add3A_86 = arith.addi %add3A_85, %add3A : i32
      %mul3A_87 = arith.constant 128 : i32
      %mul3A_88 = arith.muli %add3A_86, %mul3A_87 : i32
      %multiple_of3A_89 = tpu.assume_multiple %mul3A_88, 128 : i32
      %dma_start3A_90 = tpu.memref_slice %arg4[%multiple_of3A_89] : memref<320000xi32, #tpu.memory_space<hbm>> -> memref<128xi32, #tpu.memory_space<hbm>>
      %dma_start3A_91 = tpu.memref_slice %arg4[%multiple_of3A_89] : memref<320000xi32, #tpu.memory_space<hbm>> -> memref<128xi32, #tpu.memory_space<hbm>>
      tpu.enqueue_dma source(%dma_start3A_91 : memref<128xi32, #tpu.memory_space<hbm>>) target(%arg35 : memref<128xi32, #tpu.memory_space<vmem>>) target_semaphore(%arg37 : memref<!tpu.dma_semaphore, #tpu.memory_space<semaphore_mem>>)
      %dma_start3A_92 = tpu.memref_slice %arg5[%multiple_of3A_89] : memref<320000xi32, #tpu.memory_space<hbm>> -> memref<128xi32, #tpu.memory_space<hbm>>
      %dma_start3A_93 = tpu.memref_slice %arg5[%multiple_of3A_89] : memref<320000xi32, #tpu.memory_space<hbm>> -> memref<128xi32, #tpu.memory_space<hbm>>
      tpu.enqueue_dma source(%dma_start3A_93 : memref<128xi32, #tpu.memory_space<hbm>>) target(%arg36 : memref<128xi32, #tpu.memory_space<vmem>>) target_semaphore(%arg37 : memref<!tpu.dma_semaphore, #tpu.memory_space<semaphore_mem>>)
    } else {
    }
    %eq3A = arith.constant 0 : i32
    %eq3A_42 = arith.cmpi eq, %arg0, %eq3A : i32
    %convert_element_type3A_43 = arith.extui %eq3A_42 : i1 to i32
    %cond3A_44 = arith.constant 0 : i32
    %cond3A_45 = arith.cmpi ne, %convert_element_type3A_43, %cond3A_44 : i32
    scf.if %cond3A_45 {
      "tpu.region"() ({
        %run_scoped3A = tpu.sem_alloc : memref<!tpu.dma_semaphore, #tpu.memory_space<semaphore_mem>>
        %dma_start3A_90 = arith.constant 0 : i32
        %dma_start3A_91 = tpu.memref_slice %arg22[%multiple_of3A, %dma_start3A_90] : memref<10000x128xf32, #tpu.memory_space<vmem_shared>> -> memref<624x128xf32, #tpu.memory_space<vmem_shared>>
        %dma_start3A_92 = arith.constant 0 : i32
        %dma_start3A_93 = tpu.memref_slice %arg2[%multiple_of3A, %dma_start3A_92] : memref<10000x128xf32, #tpu.memory_space<hbm>> -> memref<624x128xf32, #tpu.memory_space<hbm>>
        tpu.enqueue_dma source(%dma_start3A_93 : memref<624x128xf32, #tpu.memory_space<hbm>>) target(%dma_start3A_91 : memref<624x128xf32, #tpu.memory_space<vmem_shared>>) target_semaphore(%run_scoped3A : memref<!tpu.dma_semaphore, #tpu.memory_space<semaphore_mem>>)
        %dma_wait3A_94 = arith.constant 0 : i32
        %dma_wait3A_95 = tpu.memref_slice %arg22[%multiple_of3A, %dma_wait3A_94] : memref<10000x128xf32, #tpu.memory_space<vmem_shared>> -> memref<624x128xf32, #tpu.memory_space<vmem_shared>>
        %dma_wait3A_96 = arith.constant 0 : i32
        %dma_wait3A_97 = tpu.memref_slice %arg2[%multiple_of3A, %dma_wait3A_96] : memref<10000x128xf32, #tpu.memory_space<hbm>> -> memref<624x128xf32, #tpu.memory_space<hbm>>
        tpu.wait_dma2 semaphore(%run_scoped3A : memref<!tpu.dma_semaphore, #tpu.memory_space<semaphore_mem>>) src(%dma_wait3A_97 : memref<624x128xf32, #tpu.memory_space<hbm>>) dst(%dma_wait3A_95 : memref<624x128xf32, #tpu.memory_space<vmem_shared>>)
        tpu.yield
      }) : () -> ()
      %eq3A_85 = arith.constant 15 : i32
      %eq3A_86 = arith.cmpi eq, %arg1, %eq3A_85 : i32
      %convert_element_type3A_87 = arith.extui %eq3A_86 : i1 to i32
      %cond3A_88 = arith.constant 0 : i32
      %cond3A_89 = arith.cmpi ne, %convert_element_type3A_87, %cond3A_88 : i32
      scf.if %cond3A_89 {
        "tpu.region"() ({
          %run_scoped3A = tpu.sem_alloc : memref<!tpu.dma_semaphore, #tpu.memory_space<semaphore_mem>>
          %dma_start3A_90 = arith.constant 9984 : i32
          %dma_start3A_91 = arith.constant 0 : i32
          %dma_start3A_92 = tpu.memref_slice %arg22[%dma_start3A_90, %dma_start3A_91] : memref<10000x128xf32, #tpu.memory_space<vmem_shared>> -> memref<16x128xf32, #tpu.memory_space<vmem_shared>>
          %dma_start3A_93 = arith.constant 9984 : i32
          %dma_start3A_94 = arith.constant 0 : i32
          %dma_start3A_95 = tpu.memref_slice %arg2[%dma_start3A_93, %dma_start3A_94] : memref<10000x128xf32, #tpu.memory_space<hbm>> -> memref<16x128xf32, #tpu.memory_space<hbm>>
          tpu.enqueue_dma source(%dma_start3A_95 : memref<16x128xf32, #tpu.memory_space<hbm>>) target(%dma_start3A_92 : memref<16x128xf32, #tpu.memory_space<vmem_shared>>) target_semaphore(%run_scoped3A : memref<!tpu.dma_semaphore, #tpu.memory_space<semaphore_mem>>)
          %dma_wait3A_96 = arith.constant 9984 : i32
          %dma_wait3A_97 = arith.constant 0 : i32
          %dma_wait3A_98 = tpu.memref_slice %arg22[%dma_wait3A_96, %dma_wait3A_97] : memref<10000x128xf32, #tpu.memory_space<vmem_shared>> -> memref<16x128xf32, #tpu.memory_space<vmem_shared>>
          %dma_wait3A_99 = arith.constant 9984 : i32
          %dma_wait3A_100 = arith.constant 0 : i32
          %dma_wait3A_101 = tpu.memref_slice %arg2[%dma_wait3A_99, %dma_wait3A_100] : memref<10000x128xf32, #tpu.memory_space<hbm>> -> memref<16x128xf32, #tpu.memory_space<hbm>>
          tpu.wait_dma2 semaphore(%run_scoped3A : memref<!tpu.dma_semaphore, #tpu.memory_space<semaphore_mem>>) src(%dma_wait3A_101 : memref<16x128xf32, #tpu.memory_space<hbm>>) dst(%dma_wait3A_98 : memref<16x128xf32, #tpu.memory_space<vmem_shared>>)
          tpu.yield
        }) : () -> ()
      } else {
      }
    } else {
    }
    %eq3A_46 = arith.constant 1 : i32
    %eq3A_47 = arith.cmpi eq, %arg0, %eq3A_46 : i32
    %convert_element_type3A_48 = arith.extui %eq3A_47 : i1 to i32
    %cond3A_49 = arith.constant 0 : i32
    %cond3A_50 = arith.cmpi ne, %convert_element_type3A_48, %cond3A_49 : i32
    scf.if %cond3A_50 {
      "tpu.region"() ({
        %run_scoped3A = tpu.sem_alloc : memref<!tpu.dma_semaphore, #tpu.memory_space<semaphore_mem>>
        %dma_start3A_90 = arith.constant 0 : i32
        %dma_start3A_91 = tpu.memref_slice %arg22[%multiple_of3A, %dma_start3A_90] : memref<10000x128xf32, #tpu.memory_space<vmem_shared>> -> memref<624x128xf32, #tpu.memory_space<vmem_shared>>
        %dma_start3A_92 = arith.constant 0 : i32
        %dma_start3A_93 = tpu.memref_slice %arg3[%multiple_of3A, %dma_start3A_92] : memref<10000x128xf32, #tpu.memory_space<hbm>> -> memref<624x128xf32, #tpu.memory_space<hbm>>
        tpu.enqueue_dma source(%dma_start3A_93 : memref<624x128xf32, #tpu.memory_space<hbm>>) target(%dma_start3A_91 : memref<624x128xf32, #tpu.memory_space<vmem_shared>>) target_semaphore(%run_scoped3A : memref<!tpu.dma_semaphore, #tpu.memory_space<semaphore_mem>>)
        %dma_wait3A_94 = arith.constant 0 : i32
        %dma_wait3A_95 = tpu.memref_slice %arg22[%multiple_of3A, %dma_wait3A_94] : memref<10000x128xf32, #tpu.memory_space<vmem_shared>> -> memref<624x128xf32, #tpu.memory_space<vmem_shared>>
        %dma_wait3A_96 = arith.constant 0 : i32
        %dma_wait3A_97 = tpu.memref_slice %arg3[%multiple_of3A, %dma_wait3A_96] : memref<10000x128xf32, #tpu.memory_space<hbm>> -> memref<624x128xf32, #tpu.memory_space<hbm>>
        tpu.wait_dma2 semaphore(%run_scoped3A : memref<!tpu.dma_semaphore, #tpu.memory_space<semaphore_mem>>) src(%dma_wait3A_97 : memref<624x128xf32, #tpu.memory_space<hbm>>) dst(%dma_wait3A_95 : memref<624x128xf32, #tpu.memory_space<vmem_shared>>)
        tpu.yield
      }) : () -> ()
      %eq3A_85 = arith.constant 15 : i32
      %eq3A_86 = arith.cmpi eq, %arg1, %eq3A_85 : i32
      %convert_element_type3A_87 = arith.extui %eq3A_86 : i1 to i32
      %cond3A_88 = arith.constant 0 : i32
      %cond3A_89 = arith.cmpi ne, %convert_element_type3A_87, %cond3A_88 : i32
      scf.if %cond3A_89 {
        "tpu.region"() ({
          %run_scoped3A = tpu.sem_alloc : memref<!tpu.dma_semaphore, #tpu.memory_space<semaphore_mem>>
          %dma_start3A_90 = arith.constant 9984 : i32
          %dma_start3A_91 = arith.constant 0 : i32
          %dma_start3A_92 = tpu.memref_slice %arg22[%dma_start3A_90, %dma_start3A_91] : memref<10000x128xf32, #tpu.memory_space<vmem_shared>> -> memref<16x128xf32, #tpu.memory_space<vmem_shared>>
          %dma_start3A_93 = arith.constant 9984 : i32
          %dma_start3A_94 = arith.constant 0 : i32
          %dma_start3A_95 = tpu.memref_slice %arg3[%dma_start3A_93, %dma_start3A_94] : memref<10000x128xf32, #tpu.memory_space<hbm>> -> memref<16x128xf32, #tpu.memory_space<hbm>>
          tpu.enqueue_dma source(%dma_start3A_95 : memref<16x128xf32, #tpu.memory_space<hbm>>) target(%dma_start3A_92 : memref<16x128xf32, #tpu.memory_space<vmem_shared>>) target_semaphore(%run_scoped3A : memref<!tpu.dma_semaphore, #tpu.memory_space<semaphore_mem>>)
          %dma_wait3A_96 = arith.constant 9984 : i32
          %dma_wait3A_97 = arith.constant 0 : i32
          %dma_wait3A_98 = tpu.memref_slice %arg22[%dma_wait3A_96, %dma_wait3A_97] : memref<10000x128xf32, #tpu.memory_space<vmem_shared>> -> memref<16x128xf32, #tpu.memory_space<vmem_shared>>
          %dma_wait3A_99 = arith.constant 9984 : i32
          %dma_wait3A_100 = arith.constant 0 : i32
          %dma_wait3A_101 = tpu.memref_slice %arg3[%dma_wait3A_99, %dma_wait3A_100] : memref<10000x128xf32, #tpu.memory_space<hbm>> -> memref<16x128xf32, #tpu.memory_space<hbm>>
          tpu.wait_dma2 semaphore(%run_scoped3A : memref<!tpu.dma_semaphore, #tpu.memory_space<semaphore_mem>>) src(%dma_wait3A_101 : memref<16x128xf32, #tpu.memory_space<hbm>>) dst(%dma_wait3A_98 : memref<16x128xf32, #tpu.memory_space<vmem_shared>>)
          tpu.yield
        }) : () -> ()
      } else {
      }
    } else {
    }
    %mul3A_51 = arith.constant 128 : i32
    %mul3A_52 = arith.muli %mul3A_4, %mul3A_51 : i32
    %multiple_of3A_53 = tpu.assume_multiple %mul3A_52, 128 : i32
    %dma_wait3A = tpu.memref_slice %arg4[%multiple_of3A_53] : memref<320000xi32, #tpu.memory_space<hbm>> -> memref<128xi32, #tpu.memory_space<hbm>>
    %dma_wait3A_54 = tpu.memref_slice %arg4[%multiple_of3A_53] : memref<320000xi32, #tpu.memory_space<hbm>> -> memref<128xi32, #tpu.memory_space<hbm>>
    tpu.wait_dma2 semaphore(%arg23 : memref<!tpu.dma_semaphore, #tpu.memory_space<semaphore_mem>>) src(%dma_wait3A_54 : memref<128xi32, #tpu.memory_space<hbm>>) dst(%arg7 : memref<128xi32, #tpu.memory_space<vmem>>)
    %dma_wait3A_55 = tpu.memref_slice %arg5[%multiple_of3A_53] : memref<320000xi32, #tpu.memory_space<hbm>> -> memref<128xi32, #tpu.memory_space<hbm>>
    %dma_wait3A_56 = tpu.memref_slice %arg5[%multiple_of3A_53] : memref<320000xi32, #tpu.memory_space<hbm>> -> memref<128xi32, #tpu.memory_space<hbm>>
    tpu.wait_dma2 semaphore(%arg23 : memref<!tpu.dma_semaphore, #tpu.memory_space<semaphore_mem>>) src(%dma_wait3A_56 : memref<128xi32, #tpu.memory_space<hbm>>) dst(%arg13 : memref<128xi32, #tpu.memory_space<vmem>>)
    %dma_start3A_57 = arith.constant 0 : i32
    %dma_start3A_58 = arith.constant 0 : i32
    %dma_start3A_59 = tpu.memref_slice %arg2[%dma_start3A_57, %dma_start3A_58] : memref<10000x128xf32, #tpu.memory_space<hbm>> -> memref<10000x128xf32, #tpu.memory_space<hbm>>
    tpu.enqueue_indirect_dma source(%dma_start3A_59 : memref<10000x128xf32, #tpu.memory_space<hbm>>) target(%arg19 : memref<128x128xf32, #tpu.memory_space<vmem>>) offsets(%arg7 : memref<128xi32, #tpu.memory_space<vmem>>) semaphore(%arg29 : memref<!tpu.dma_semaphore, #tpu.memory_space<semaphore_mem>>)
    %barrier3A = arith.constant 0 : index
    tpu.barrier barrier_id(%barrier3A)
    %scan3A = arith.constant 0 : i32
    %scan3A_60 = arith.constant 0 : i32
    %scan3A_61 = arith.constant 13 : i32
    %scan3A_62 = arith.addi %scan3A_60, %scan3A_61 : i32
    %scan3A_63 = arith.constant 1 : i32
    scf.for %scan3A_85 = %scan3A_60 to %scan3A_62 step %scan3A_63  : i32 {
      %mul3A_86 = arith.constant 6 : i32
      %mul3A_87 = arith.muli %scan3A_85, %mul3A_86 : i32
      %add3A_88 = arith.constant 0 : i32
      %add3A_89 = arith.addi %mul3A_87, %add3A_88 : i32
      %add3A_90 = arith.constant 1 : i32
      %add3A_91 = arith.addi %add3A_89, %add3A_90 : i32
      %lt3A_92 = arith.constant 78 : i32
      %lt3A_93 = arith.cmpi slt, %add3A_91, %lt3A_92 : i32
      %convert_element_type3A_94 = arith.extui %lt3A_93 : i1 to i32
      %cond3A_95 = arith.constant 0 : i32
      %cond3A_96 = arith.cmpi ne, %convert_element_type3A_94, %cond3A_95 : i32
      scf.if %cond3A_96 {
        %ge3A = arith.constant 2 : i32
        %ge3A_230 = arith.cmpi sge, %add3A_89, %ge3A : i32
        %convert_element_type3A_231 = arith.extui %ge3A_230 : i1 to i32
        %cond3A_232 = arith.constant 0 : i32
        %cond3A_233 = arith.cmpi ne, %convert_element_type3A_231, %cond3A_232 : i32
        scf.if %cond3A_233 {
          %dma_wait3A_247 = arith.constant 0 : i32
          %dma_wait3A_248 = arith.constant 0 : i32
          %dma_wait3A_249 = tpu.memref_slice %arg22[%dma_wait3A_247, %dma_wait3A_248] : memref<10000x128xf32, #tpu.memory_space<vmem_shared>> -> memref<10000x128xf32, #tpu.memory_space<vmem_shared>>
          tpu.wait_indirect_dma semaphore(%arg33 : memref<!tpu.dma_semaphore, #tpu.memory_space<semaphore_mem>>) src(%arg20 : memref<128x128xf32, #tpu.memory_space<vmem>>) dst(%dma_wait3A_249 : memref<10000x128xf32, #tpu.memory_space<vmem_shared>>)
        } else {
        }
        %add3A_234 = arith.addi %mul3A_4, %add3A_89 : i32
        %add3A_235 = arith.constant 1 : i32
        %add3A_236 = arith.addi %add3A_234, %add3A_235 : i32
        %mul3A_237 = arith.constant 128 : i32
        %mul3A_238 = arith.muli %add3A_236, %mul3A_237 : i32
        %multiple_of3A_239 = tpu.assume_multiple %mul3A_238, 128 : i32
        %dma_wait3A_240 = tpu.memref_slice %arg4[%multiple_of3A_239] : memref<320000xi32, #tpu.memory_space<hbm>> -> memref<128xi32, #tpu.memory_space<hbm>>
        %dma_wait3A_241 = tpu.memref_slice %arg4[%multiple_of3A_239] : memref<320000xi32, #tpu.memory_space<hbm>> -> memref<128xi32, #tpu.memory_space<hbm>>
        tpu.wait_dma2 semaphore(%arg24 : memref<!tpu.dma_semaphore, #tpu.memory_space<semaphore_mem>>) src(%dma_wait3A_241 : memref<128xi32, #tpu.memory_space<hbm>>) dst(%arg8 : memref<128xi32, #tpu.memory_space<vmem>>)
        %dma_wait3A_242 = tpu.memref_slice %arg5[%multiple_of3A_239] : memref<320000xi32, #tpu.memory_space<hbm>> -> memref<128xi32, #tpu.memory_space<hbm>>
        %dma_wait3A_243 = tpu.memref_slice %arg5[%multiple_of3A_239] : memref<320000xi32, #tpu.memory_space<hbm>> -> memref<128xi32, #tpu.memory_space<hbm>>
        tpu.wait_dma2 semaphore(%arg24 : memref<!tpu.dma_semaphore, #tpu.memory_space<semaphore_mem>>) src(%dma_wait3A_243 : memref<128xi32, #tpu.memory_space<hbm>>) dst(%arg14 : memref<128xi32, #tpu.memory_space<vmem>>)
        %dma_start3A_244 = arith.constant 0 : i32
        %dma_start3A_245 = arith.constant 0 : i32
        %dma_start3A_246 = tpu.memref_slice %arg2[%dma_start3A_244, %dma_start3A_245] : memref<10000x128xf32, #tpu.memory_space<hbm>> -> memref<10000x128xf32, #tpu.memory_space<hbm>>
        tpu.enqueue_indirect_dma source(%dma_start3A_246 : memref<10000x128xf32, #tpu.memory_space<hbm>>) target(%arg20 : memref<128x128xf32, #tpu.memory_space<vmem>>) offsets(%arg8 : memref<128xi32, #tpu.memory_space<vmem>>) semaphore(%arg30 : memref<!tpu.dma_semaphore, #tpu.memory_space<semaphore_mem>>)
      } else {
      }
      %dma_wait3A_97 = arith.constant 0 : i32
      %dma_wait3A_98 = arith.constant 0 : i32
      %dma_wait3A_99 = tpu.memref_slice %arg2[%dma_wait3A_97, %dma_wait3A_98] : memref<10000x128xf32, #tpu.memory_space<hbm>> -> memref<10000x128xf32, #tpu.memory_space<hbm>>
      tpu.wait_indirect_dma semaphore(%arg29 : memref<!tpu.dma_semaphore, #tpu.memory_space<semaphore_mem>>) src(%dma_wait3A_99 : memref<10000x128xf32, #tpu.memory_space<hbm>>) dst(%arg19 : memref<128x128xf32, #tpu.memory_space<vmem>>)
      %dma_start3A_100 = arith.constant 0 : i32
      %dma_start3A_101 = arith.constant 0 : i32
      %dma_start3A_102 = tpu.memref_slice %arg22[%dma_start3A_100, %dma_start3A_101] : memref<10000x128xf32, #tpu.memory_space<vmem_shared>> -> memref<10000x128xf32, #tpu.memory_space<vmem_shared>>
      tpu.enqueue_indirect_dma source(%arg19 : memref<128x128xf32, #tpu.memory_space<vmem>>) target(%dma_start3A_102 : memref<10000x128xf32, #tpu.memory_space<vmem_shared>>) offsets(%arg13 : memref<128xi32, #tpu.memory_space<vmem>>) semaphore(%arg32 : memref<!tpu.dma_semaphore, #tpu.memory_space<semaphore_mem>>) {add = true}
      %add3A_103 = arith.constant 4 : i32
      %add3A_104 = arith.addi %add3A_89, %add3A_103 : i32
      %lt3A_105 = arith.constant 78 : i32
      %lt3A_106 = arith.cmpi slt, %add3A_104, %lt3A_105 : i32
      %convert_element_type3A_107 = arith.extui %lt3A_106 : i1 to i32
      %cond3A_108 = arith.constant 0 : i32
      %cond3A_109 = arith.cmpi ne, %convert_element_type3A_107, %cond3A_108 : i32
      scf.if %cond3A_109 {
        %add3A_230 = arith.addi %mul3A_4, %add3A_89 : i32
        %add3A_231 = arith.constant 4 : i32
        %add3A_232 = arith.addi %add3A_230, %add3A_231 : i32
        %mul3A_233 = arith.constant 128 : i32
        %mul3A_234 = arith.muli %add3A_232, %mul3A_233 : i32
        %multiple_of3A_235 = tpu.assume_multiple %mul3A_234, 128 : i32
        %dma_start3A_236 = tpu.memref_slice %arg4[%multiple_of3A_235] : memref<320000xi32, #tpu.memory_space<hbm>> -> memref<128xi32, #tpu.memory_space<hbm>>
        %dma_start3A_237 = tpu.memref_slice %arg4[%multiple_of3A_235] : memref<320000xi32, #tpu.memory_space<hbm>> -> memref<128xi32, #tpu.memory_space<hbm>>
        tpu.enqueue_dma source(%dma_start3A_237 : memref<128xi32, #tpu.memory_space<hbm>>) target(%arg11 : memref<128xi32, #tpu.memory_space<vmem>>) target_semaphore(%arg27 : memref<!tpu.dma_semaphore, #tpu.memory_space<semaphore_mem>>)
        %dma_start3A_238 = tpu.memref_slice %arg5[%multiple_of3A_235] : memref<320000xi32, #tpu.memory_space<hbm>> -> memref<128xi32, #tpu.memory_space<hbm>>
        %dma_start3A_239 = tpu.memref_slice %arg5[%multiple_of3A_235] : memref<320000xi32, #tpu.memory_space<hbm>> -> memref<128xi32, #tpu.memory_space<hbm>>
        tpu.enqueue_dma source(%dma_start3A_239 : memref<128xi32, #tpu.memory_space<hbm>>) target(%arg17 : memref<128xi32, #tpu.memory_space<vmem>>) target_semaphore(%arg27 : memref<!tpu.dma_semaphore, #tpu.memory_space<semaphore_mem>>)
      } else {
      }
      %mul3A_110 = arith.constant 6 : i32
      %mul3A_111 = arith.muli %scan3A_85, %mul3A_110 : i32
      %add3A_112 = arith.constant 1 : i32
      %add3A_113 = arith.addi %mul3A_111, %add3A_112 : i32
      %add3A_114 = arith.constant 1 : i32
      %add3A_115 = arith.addi %add3A_113, %add3A_114 : i32
      %lt3A_116 = arith.constant 78 : i32
      %lt3A_117 = arith.cmpi slt, %add3A_115, %lt3A_116 : i32
      %convert_element_type3A_118 = arith.extui %lt3A_117 : i1 to i32
      %cond3A_119 = arith.constant 0 : i32
      %cond3A_120 = arith.cmpi ne, %convert_element_type3A_118, %cond3A_119 : i32
      scf.if %cond3A_120 {
        %ge3A = arith.constant 2 : i32
        %ge3A_230 = arith.cmpi sge, %add3A_113, %ge3A : i32
        %convert_element_type3A_231 = arith.extui %ge3A_230 : i1 to i32
        %cond3A_232 = arith.constant 0 : i32
        %cond3A_233 = arith.cmpi ne, %convert_element_type3A_231, %cond3A_232 : i32
        scf.if %cond3A_233 {
          %dma_wait3A_247 = arith.constant 0 : i32
          %dma_wait3A_248 = arith.constant 0 : i32
          %dma_wait3A_249 = tpu.memref_slice %arg22[%dma_wait3A_247, %dma_wait3A_248] : memref<10000x128xf32, #tpu.memory_space<vmem_shared>> -> memref<10000x128xf32, #tpu.memory_space<vmem_shared>>
          tpu.wait_indirect_dma semaphore(%arg34 : memref<!tpu.dma_semaphore, #tpu.memory_space<semaphore_mem>>) src(%arg21 : memref<128x128xf32, #tpu.memory_space<vmem>>) dst(%dma_wait3A_249 : memref<10000x128xf32, #tpu.memory_space<vmem_shared>>)
        } else {
        }
        %add3A_234 = arith.addi %mul3A_4, %add3A_113 : i32
        %add3A_235 = arith.constant 1 : i32
        %add3A_236 = arith.addi %add3A_234, %add3A_235 : i32
        %mul3A_237 = arith.constant 128 : i32
        %mul3A_238 = arith.muli %add3A_236, %mul3A_237 : i32
        %multiple_of3A_239 = tpu.assume_multiple %mul3A_238, 128 : i32
        %dma_wait3A_240 = tpu.memref_slice %arg4[%multiple_of3A_239] : memref<320000xi32, #tpu.memory_space<hbm>> -> memref<128xi32, #tpu.memory_space<hbm>>
        %dma_wait3A_241 = tpu.memref_slice %arg4[%multiple_of3A_239] : memref<320000xi32, #tpu.memory_space<hbm>> -> memref<128xi32, #tpu.memory_space<hbm>>
        tpu.wait_dma2 semaphore(%arg25 : memref<!tpu.dma_semaphore, #tpu.memory_space<semaphore_mem>>) src(%dma_wait3A_241 : memref<128xi32, #tpu.memory_space<hbm>>) dst(%arg9 : memref<128xi32, #tpu.memory_space<vmem>>)
        %dma_wait3A_242 = tpu.memref_slice %arg5[%multiple_of3A_239] : memref<320000xi32, #tpu.memory_space<hbm>> -> memref<128xi32, #tpu.memory_space<hbm>>
        %dma_wait3A_243 = tpu.memref_slice %arg5[%multiple_of3A_239] : memref<320000xi32, #tpu.memory_space<hbm>> -> memref<128xi32, #tpu.memory_space<hbm>>
        tpu.wait_dma2 semaphore(%arg25 : memref<!tpu.dma_semaphore, #tpu.memory_space<semaphore_mem>>) src(%dma_wait3A_243 : memref<128xi32, #tpu.memory_space<hbm>>) dst(%arg15 : memref<128xi32, #tpu.memory_space<vmem>>)
        %dma_start3A_244 = arith.constant 0 : i32
        %dma_start3A_245 = arith.constant 0 : i32
        %dma_start3A_246 = tpu.memref_slice %arg2[%dma_start3A_244, %dma_start3A_245] : memref<10000x128xf32, #tpu.memory_space<hbm>> -> memref<10000x128xf32, #tpu.memory_space<hbm>>
        tpu.enqueue_indirect_dma source(%dma_start3A_246 : memref<10000x128xf32, #tpu.memory_space<hbm>>) target(%arg21 : memref<128x128xf32, #tpu.memory_space<vmem>>) offsets(%arg9 : memref<128xi32, #tpu.memory_space<vmem>>) semaphore(%arg31 : memref<!tpu.dma_semaphore, #tpu.memory_space<semaphore_mem>>)
      } else {
      }
      %dma_wait3A_121 = arith.constant 0 : i32
      %dma_wait3A_122 = arith.constant 0 : i32
      %dma_wait3A_123 = tpu.memref_slice %arg2[%dma_wait3A_121, %dma_wait3A_122] : memref<10000x128xf32, #tpu.memory_space<hbm>> -> memref<10000x128xf32, #tpu.memory_space<hbm>>
      tpu.wait_indirect_dma semaphore(%arg30 : memref<!tpu.dma_semaphore, #tpu.memory_space<semaphore_mem>>) src(%dma_wait3A_123 : memref<10000x128xf32, #tpu.memory_space<hbm>>) dst(%arg20 : memref<128x128xf32, #tpu.memory_space<vmem>>)
      %dma_start3A_124 = arith.constant 0 : i32
      %dma_start3A_125 = arith.constant 0 : i32
      %dma_start3A_126 = tpu.memref_slice %arg22[%dma_start3A_124, %dma_start3A_125] : memref<10000x128xf32, #tpu.memory_space<vmem_shared>> -> memref<10000x128xf32, #tpu.memory_space<vmem_shared>>
      tpu.enqueue_indirect_dma source(%arg20 : memref<128x128xf32, #tpu.memory_space<vmem>>) target(%dma_start3A_126 : memref<10000x128xf32, #tpu.memory_space<vmem_shared>>) offsets(%arg14 : memref<128xi32, #tpu.memory_space<vmem>>) semaphore(%arg33 : memref<!tpu.dma_semaphore, #tpu.memory_space<semaphore_mem>>) {add = true}
      %add3A_127 = arith.constant 4 : i32
      %add3A_128 = arith.addi %add3A_113, %add3A_127 : i32
      %lt3A_129 = arith.constant 78 : i32
      %lt3A_130 = arith.cmpi slt, %add3A_128, %lt3A_129 : i32
      %convert_element_type3A_131 = arith.extui %lt3A_130 : i1 to i32
      %cond3A_132 = arith.constant 0 : i32
      %cond3A_133 = arith.cmpi ne, %convert_element_type3A_131, %cond3A_132 : i32
      scf.if %cond3A_133 {
        %add3A_230 = arith.addi %mul3A_4, %add3A_113 : i32
        %add3A_231 = arith.constant 4 : i32
        %add3A_232 = arith.addi %add3A_230, %add3A_231 : i32
        %mul3A_233 = arith.constant 128 : i32
        %mul3A_234 = arith.muli %add3A_232, %mul3A_233 : i32
        %multiple_of3A_235 = tpu.assume_multiple %mul3A_234, 128 : i32
        %dma_start3A_236 = tpu.memref_slice %arg4[%multiple_of3A_235] : memref<320000xi32, #tpu.memory_space<hbm>> -> memref<128xi32, #tpu.memory_space<hbm>>
        %dma_start3A_237 = tpu.memref_slice %arg4[%multiple_of3A_235] : memref<320000xi32, #tpu.memory_space<hbm>> -> memref<128xi32, #tpu.memory_space<hbm>>
        tpu.enqueue_dma source(%dma_start3A_237 : memref<128xi32, #tpu.memory_space<hbm>>) target(%arg12 : memref<128xi32, #tpu.memory_space<vmem>>) target_semaphore(%arg28 : memref<!tpu.dma_semaphore, #tpu.memory_space<semaphore_mem>>)
        %dma_start3A_238 = tpu.memref_slice %arg5[%multiple_of3A_235] : memref<320000xi32, #tpu.memory_space<hbm>> -> memref<128xi32, #tpu.memory_space<hbm>>
        %dma_start3A_239 = tpu.memref_slice %arg5[%multiple_of3A_235] : memref<320000xi32, #tpu.memory_space<hbm>> -> memref<128xi32, #tpu.memory_space<hbm>>
        tpu.enqueue_dma source(%dma_start3A_239 : memref<128xi32, #tpu.memory_space<hbm>>) target(%arg18 : memref<128xi32, #tpu.memory_space<vmem>>) target_semaphore(%arg28 : memref<!tpu.dma_semaphore, #tpu.memory_space<semaphore_mem>>)
      } else {
      }
      %mul3A_134 = arith.constant 6 : i32
      %mul3A_135 = arith.muli %scan3A_85, %mul3A_134 : i32
      %add3A_136 = arith.constant 2 : i32
      %add3A_137 = arith.addi %mul3A_135, %add3A_136 : i32
      %add3A_138 = arith.constant 1 : i32
      %add3A_139 = arith.addi %add3A_137, %add3A_138 : i32
      %lt3A_140 = arith.constant 78 : i32
      %lt3A_141 = arith.cmpi slt, %add3A_139, %lt3A_140 : i32
      %convert_element_type3A_142 = arith.extui %lt3A_141 : i1 to i32
      %cond3A_143 = arith.constant 0 : i32
      %cond3A_144 = arith.cmpi ne, %convert_element_type3A_142, %cond3A_143 : i32
      scf.if %cond3A_144 {
        %ge3A = arith.constant 2 : i32
        %ge3A_230 = arith.cmpi sge, %add3A_137, %ge3A : i32
        %convert_element_type3A_231 = arith.extui %ge3A_230 : i1 to i32
        %cond3A_232 = arith.constant 0 : i32
        %cond3A_233 = arith.cmpi ne, %convert_element_type3A_231, %cond3A_232 : i32
        scf.if %cond3A_233 {
          %dma_wait3A_247 = arith.constant 0 : i32
          %dma_wait3A_248 = arith.constant 0 : i32
          %dma_wait3A_249 = tpu.memref_slice %arg22[%dma_wait3A_247, %dma_wait3A_248] : memref<10000x128xf32, #tpu.memory_space<vmem_shared>> -> memref<10000x128xf32, #tpu.memory_space<vmem_shared>>
          tpu.wait_indirect_dma semaphore(%arg32 : memref<!tpu.dma_semaphore, #tpu.memory_space<semaphore_mem>>) src(%arg19 : memref<128x128xf32, #tpu.memory_space<vmem>>) dst(%dma_wait3A_249 : memref<10000x128xf32, #tpu.memory_space<vmem_shared>>)
        } else {
        }
        %add3A_234 = arith.addi %mul3A_4, %add3A_137 : i32
        %add3A_235 = arith.constant 1 : i32
        %add3A_236 = arith.addi %add3A_234, %add3A_235 : i32
        %mul3A_237 = arith.constant 128 : i32
        %mul3A_238 = arith.muli %add3A_236, %mul3A_237 : i32
        %multiple_of3A_239 = tpu.assume_multiple %mul3A_238, 128 : i32
        %dma_wait3A_240 = tpu.memref_slice %arg4[%multiple_of3A_239] : memref<320000xi32, #tpu.memory_space<hbm>> -> memref<128xi32, #tpu.memory_space<hbm>>
        %dma_wait3A_241 = tpu.memref_slice %arg4[%multiple_of3A_239] : memref<320000xi32, #tpu.memory_space<hbm>> -> memref<128xi32, #tpu.memory_space<hbm>>
        tpu.wait_dma2 semaphore(%arg26 : memref<!tpu.dma_semaphore, #tpu.memory_space<semaphore_mem>>) src(%dma_wait3A_241 : memref<128xi32, #tpu.memory_space<hbm>>) dst(%arg10 : memref<128xi32, #tpu.memory_space<vmem>>)
        %dma_wait3A_242 = tpu.memref_slice %arg5[%multiple_of3A_239] : memref<320000xi32, #tpu.memory_space<hbm>> -> memref<128xi32, #tpu.memory_space<hbm>>
        %dma_wait3A_243 = tpu.memref_slice %arg5[%multiple_of3A_239] : memref<320000xi32, #tpu.memory_space<hbm>> -> memref<128xi32, #tpu.memory_space<hbm>>
        tpu.wait_dma2 semaphore(%arg26 : memref<!tpu.dma_semaphore, #tpu.memory_space<semaphore_mem>>) src(%dma_wait3A_243 : memref<128xi32, #tpu.memory_space<hbm>>) dst(%arg16 : memref<128xi32, #tpu.memory_space<vmem>>)
        %dma_start3A_244 = arith.constant 0 : i32
        %dma_start3A_245 = arith.constant 0 : i32
        %dma_start3A_246 = tpu.memref_slice %arg2[%dma_start3A_244, %dma_start3A_245] : memref<10000x128xf32, #tpu.memory_space<hbm>> -> memref<10000x128xf32, #tpu.memory_space<hbm>>
        tpu.enqueue_indirect_dma source(%dma_start3A_246 : memref<10000x128xf32, #tpu.memory_space<hbm>>) target(%arg19 : memref<128x128xf32, #tpu.memory_space<vmem>>) offsets(%arg10 : memref<128xi32, #tpu.memory_space<vmem>>) semaphore(%arg29 : memref<!tpu.dma_semaphore, #tpu.memory_space<semaphore_mem>>)
      } else {
      }
      %dma_wait3A_145 = arith.constant 0 : i32
      %dma_wait3A_146 = arith.constant 0 : i32
      %dma_wait3A_147 = tpu.memref_slice %arg2[%dma_wait3A_145, %dma_wait3A_146] : memref<10000x128xf32, #tpu.memory_space<hbm>> -> memref<10000x128xf32, #tpu.memory_space<hbm>>
      tpu.wait_indirect_dma semaphore(%arg31 : memref<!tpu.dma_semaphore, #tpu.memory_space<semaphore_mem>>) src(%dma_wait3A_147 : memref<10000x128xf32, #tpu.memory_space<hbm>>) dst(%arg21 : memref<128x128xf32, #tpu.memory_space<vmem>>)
      %dma_start3A_148 = arith.constant 0 : i32
      %dma_start3A_149 = arith.constant 0 : i32
      %dma_start3A_150 = tpu.memref_slice %arg22[%dma_start3A_148, %dma_start3A_149] : memref<10000x128xf32, #tpu.memory_space<vmem_shared>> -> memref<10000x128xf32, #tpu.memory_space<vmem_shared>>
      tpu.enqueue_indirect_dma source(%arg21 : memref<128x128xf32, #tpu.memory_space<vmem>>) target(%dma_start3A_150 : memref<10000x128xf32, #tpu.memory_space<vmem_shared>>) offsets(%arg15 : memref<128xi32, #tpu.memory_space<vmem>>) semaphore(%arg34 : memref<!tpu.dma_semaphore, #tpu.memory_space<semaphore_mem>>) {add = true}
      %add3A_151 = arith.constant 4 : i32
      %add3A_152 = arith.addi %add3A_137, %add3A_151 : i32
      %lt3A_153 = arith.constant 78 : i32
      %lt3A_154 = arith.cmpi slt, %add3A_152, %lt3A_153 : i32
      %convert_element_type3A_155 = arith.extui %lt3A_154 : i1 to i32
      %cond3A_156 = arith.constant 0 : i32
      %cond3A_157 = arith.cmpi ne, %convert_element_type3A_155, %cond3A_156 : i32
      scf.if %cond3A_157 {
        %add3A_230 = arith.addi %mul3A_4, %add3A_137 : i32
        %add3A_231 = arith.constant 4 : i32
        %add3A_232 = arith.addi %add3A_230, %add3A_231 : i32
        %mul3A_233 = arith.constant 128 : i32
        %mul3A_234 = arith.muli %add3A_232, %mul3A_233 : i32
        %multiple_of3A_235 = tpu.assume_multiple %mul3A_234, 128 : i32
        %dma_start3A_236 = tpu.memref_slice %arg4[%multiple_of3A_235] : memref<320000xi32, #tpu.memory_space<hbm>> -> memref<128xi32, #tpu.memory_space<hbm>>
        %dma_start3A_237 = tpu.memref_slice %arg4[%multiple_of3A_235] : memref<320000xi32, #tpu.memory_space<hbm>> -> memref<128xi32, #tpu.memory_space<hbm>>
        tpu.enqueue_dma source(%dma_start3A_237 : memref<128xi32, #tpu.memory_space<hbm>>) target(%arg7 : memref<128xi32, #tpu.memory_space<vmem>>) target_semaphore(%arg23 : memref<!tpu.dma_semaphore, #tpu.memory_space<semaphore_mem>>)
        %dma_start3A_238 = tpu.memref_slice %arg5[%multiple_of3A_235] : memref<320000xi32, #tpu.memory_space<hbm>> -> memref<128xi32, #tpu.memory_space<hbm>>
        %dma_start3A_239 = tpu.memref_slice %arg5[%multiple_of3A_235] : memref<320000xi32, #tpu.memory_space<hbm>> -> memref<128xi32, #tpu.memory_space<hbm>>
        tpu.enqueue_dma source(%dma_start3A_239 : memref<128xi32, #tpu.memory_space<hbm>>) target(%arg13 : memref<128xi32, #tpu.memory_space<vmem>>) target_semaphore(%arg23 : memref<!tpu.dma_semaphore, #tpu.memory_space<semaphore_mem>>)
      } else {
      }
      %mul3A_158 = arith.constant 6 : i32
      %mul3A_159 = arith.muli %scan3A_85, %mul3A_158 : i32
      %add3A_160 = arith.constant 3 : i32
      %add3A_161 = arith.addi %mul3A_159, %add3A_160 : i32
      %add3A_162 = arith.constant 1 : i32
      %add3A_163 = arith.addi %add3A_161, %add3A_162 : i32
      %lt3A_164 = arith.constant 78 : i32
      %lt3A_165 = arith.cmpi slt, %add3A_163, %lt3A_164 : i32
      %convert_element_type3A_166 = arith.extui %lt3A_165 : i1 to i32
      %cond3A_167 = arith.constant 0 : i32
      %cond3A_168 = arith.cmpi ne, %convert_element_type3A_166, %cond3A_167 : i32
      scf.if %cond3A_168 {
        %ge3A = arith.constant 2 : i32
        %ge3A_230 = arith.cmpi sge, %add3A_161, %ge3A : i32
        %convert_element_type3A_231 = arith.extui %ge3A_230 : i1 to i32
        %cond3A_232 = arith.constant 0 : i32
        %cond3A_233 = arith.cmpi ne, %convert_element_type3A_231, %cond3A_232 : i32
        scf.if %cond3A_233 {
          %dma_wait3A_247 = arith.constant 0 : i32
          %dma_wait3A_248 = arith.constant 0 : i32
          %dma_wait3A_249 = tpu.memref_slice %arg22[%dma_wait3A_247, %dma_wait3A_248] : memref<10000x128xf32, #tpu.memory_space<vmem_shared>> -> memref<10000x128xf32, #tpu.memory_space<vmem_shared>>
          tpu.wait_indirect_dma semaphore(%arg33 : memref<!tpu.dma_semaphore, #tpu.memory_space<semaphore_mem>>) src(%arg20 : memref<128x128xf32, #tpu.memory_space<vmem>>) dst(%dma_wait3A_249 : memref<10000x128xf32, #tpu.memory_space<vmem_shared>>)
        } else {
        }
        %add3A_234 = arith.addi %mul3A_4, %add3A_161 : i32
        %add3A_235 = arith.constant 1 : i32
        %add3A_236 = arith.addi %add3A_234, %add3A_235 : i32
        %mul3A_237 = arith.constant 128 : i32
        %mul3A_238 = arith.muli %add3A_236, %mul3A_237 : i32
        %multiple_of3A_239 = tpu.assume_multiple %mul3A_238, 128 : i32
        %dma_wait3A_240 = tpu.memref_slice %arg4[%multiple_of3A_239] : memref<320000xi32, #tpu.memory_space<hbm>> -> memref<128xi32, #tpu.memory_space<hbm>>
        %dma_wait3A_241 = tpu.memref_slice %arg4[%multiple_of3A_239] : memref<320000xi32, #tpu.memory_space<hbm>> -> memref<128xi32, #tpu.memory_space<hbm>>
        tpu.wait_dma2 semaphore(%arg27 : memref<!tpu.dma_semaphore, #tpu.memory_space<semaphore_mem>>) src(%dma_wait3A_241 : memref<128xi32, #tpu.memory_space<hbm>>) dst(%arg11 : memref<128xi32, #tpu.memory_space<vmem>>)
        %dma_wait3A_242 = tpu.memref_slice %arg5[%multiple_of3A_239] : memref<320000xi32, #tpu.memory_space<hbm>> -> memref<128xi32, #tpu.memory_space<hbm>>
        %dma_wait3A_243 = tpu.memref_slice %arg5[%multiple_of3A_239] : memref<320000xi32, #tpu.memory_space<hbm>> -> memref<128xi32, #tpu.memory_space<hbm>>
        tpu.wait_dma2 semaphore(%arg27 : memref<!tpu.dma_semaphore, #tpu.memory_space<semaphore_mem>>) src(%dma_wait3A_243 : memref<128xi32, #tpu.memory_space<hbm>>) dst(%arg17 : memref<128xi32, #tpu.memory_space<vmem>>)
        %dma_start3A_244 = arith.constant 0 : i32
        %dma_start3A_245 = arith.constant 0 : i32
        %dma_start3A_246 = tpu.memref_slice %arg2[%dma_start3A_244, %dma_start3A_245] : memref<10000x128xf32, #tpu.memory_space<hbm>> -> memref<10000x128xf32, #tpu.memory_space<hbm>>
        tpu.enqueue_indirect_dma source(%dma_start3A_246 : memref<10000x128xf32, #tpu.memory_space<hbm>>) target(%arg20 : memref<128x128xf32, #tpu.memory_space<vmem>>) offsets(%arg11 : memref<128xi32, #tpu.memory_space<vmem>>) semaphore(%arg30 : memref<!tpu.dma_semaphore, #tpu.memory_space<semaphore_mem>>)
      } else {
      }
      %dma_wait3A_169 = arith.constant 0 : i32
      %dma_wait3A_170 = arith.constant 0 : i32
      %dma_wait3A_171 = tpu.memref_slice %arg2[%dma_wait3A_169, %dma_wait3A_170] : memref<10000x128xf32, #tpu.memory_space<hbm>> -> memref<10000x128xf32, #tpu.memory_space<hbm>>
      tpu.wait_indirect_dma semaphore(%arg29 : memref<!tpu.dma_semaphore, #tpu.memory_space<semaphore_mem>>) src(%dma_wait3A_171 : memref<10000x128xf32, #tpu.memory_space<hbm>>) dst(%arg19 : memref<128x128xf32, #tpu.memory_space<vmem>>)
      %dma_start3A_172 = arith.constant 0 : i32
      %dma_start3A_173 = arith.constant 0 : i32
      %dma_start3A_174 = tpu.memref_slice %arg22[%dma_start3A_172, %dma_start3A_173] : memref<10000x128xf32, #tpu.memory_space<vmem_shared>> -> memref<10000x128xf32, #tpu.memory_space<vmem_shared>>
      tpu.enqueue_indirect_dma source(%arg19 : memref<128x128xf32, #tpu.memory_space<vmem>>) target(%dma_start3A_174 : memref<10000x128xf32, #tpu.memory_space<vmem_shared>>) offsets(%arg16 : memref<128xi32, #tpu.memory_space<vmem>>) semaphore(%arg32 : memref<!tpu.dma_semaphore, #tpu.memory_space<semaphore_mem>>) {add = true}
      %add3A_175 = arith.constant 4 : i32
      %add3A_176 = arith.addi %add3A_161, %add3A_175 : i32
      %lt3A_177 = arith.constant 78 : i32
      %lt3A_178 = arith.cmpi slt, %add3A_176, %lt3A_177 : i32
      %convert_element_type3A_179 = arith.extui %lt3A_178 : i1 to i32
      %cond3A_180 = arith.constant 0 : i32
      %cond3A_181 = arith.cmpi ne, %convert_element_type3A_179, %cond3A_180 : i32
      scf.if %cond3A_181 {
        %add3A_230 = arith.addi %mul3A_4, %add3A_161 : i32
        %add3A_231 = arith.constant 4 : i32
        %add3A_232 = arith.addi %add3A_230, %add3A_231 : i32
        %mul3A_233 = arith.constant 128 : i32
        %mul3A_234 = arith.muli %add3A_232, %mul3A_233 : i32
        %multiple_of3A_235 = tpu.assume_multiple %mul3A_234, 128 : i32
        %dma_start3A_236 = tpu.memref_slice %arg4[%multiple_of3A_235] : memref<320000xi32, #tpu.memory_space<hbm>> -> memref<128xi32, #tpu.memory_space<hbm>>
        %dma_start3A_237 = tpu.memref_slice %arg4[%multiple_of3A_235] : memref<320000xi32, #tpu.memory_space<hbm>> -> memref<128xi32, #tpu.memory_space<hbm>>
        tpu.enqueue_dma source(%dma_start3A_237 : memref<128xi32, #tpu.memory_space<hbm>>) target(%arg8 : memref<128xi32, #tpu.memory_space<vmem>>) target_semaphore(%arg24 : memref<!tpu.dma_semaphore, #tpu.memory_space<semaphore_mem>>)
        %dma_start3A_238 = tpu.memref_slice %arg5[%multiple_of3A_235] : memref<320000xi32, #tpu.memory_space<hbm>> -> memref<128xi32, #tpu.memory_space<hbm>>
        %dma_start3A_239 = tpu.memref_slice %arg5[%multiple_of3A_235] : memref<320000xi32, #tpu.memory_space<hbm>> -> memref<128xi32, #tpu.memory_space<hbm>>
        tpu.enqueue_dma source(%dma_start3A_239 : memref<128xi32, #tpu.memory_space<hbm>>) target(%arg14 : memref<128xi32, #tpu.memory_space<vmem>>) target_semaphore(%arg24 : memref<!tpu.dma_semaphore, #tpu.memory_space<semaphore_mem>>)
      } else {
      }
      %mul3A_182 = arith.constant 6 : i32
      %mul3A_183 = arith.muli %scan3A_85, %mul3A_182 : i32
      %add3A_184 = arith.constant 4 : i32
      %add3A_185 = arith.addi %mul3A_183, %add3A_184 : i32
      %add3A_186 = arith.constant 1 : i32
      %add3A_187 = arith.addi %add3A_185, %add3A_186 : i32
      %lt3A_188 = arith.constant 78 : i32
      %lt3A_189 = arith.cmpi slt, %add3A_187, %lt3A_188 : i32
      %convert_element_type3A_190 = arith.extui %lt3A_189 : i1 to i32
      %cond3A_191 = arith.constant 0 : i32
      %cond3A_192 = arith.cmpi ne, %convert_element_type3A_190, %cond3A_191 : i32
      scf.if %cond3A_192 {
        %ge3A = arith.constant 2 : i32
        %ge3A_230 = arith.cmpi sge, %add3A_185, %ge3A : i32
        %convert_element_type3A_231 = arith.extui %ge3A_230 : i1 to i32
        %cond3A_232 = arith.constant 0 : i32
        %cond3A_233 = arith.cmpi ne, %convert_element_type3A_231, %cond3A_232 : i32
        scf.if %cond3A_233 {
          %dma_wait3A_247 = arith.constant 0 : i32
          %dma_wait3A_248 = arith.constant 0 : i32
          %dma_wait3A_249 = tpu.memref_slice %arg22[%dma_wait3A_247, %dma_wait3A_248] : memref<10000x128xf32, #tpu.memory_space<vmem_shared>> -> memref<10000x128xf32, #tpu.memory_space<vmem_shared>>
          tpu.wait_indirect_dma semaphore(%arg34 : memref<!tpu.dma_semaphore, #tpu.memory_space<semaphore_mem>>) src(%arg21 : memref<128x128xf32, #tpu.memory_space<vmem>>) dst(%dma_wait3A_249 : memref<10000x128xf32, #tpu.memory_space<vmem_shared>>)
        } else {
        }
        %add3A_234 = arith.addi %mul3A_4, %add3A_185 : i32
        %add3A_235 = arith.constant 1 : i32
        %add3A_236 = arith.addi %add3A_234, %add3A_235 : i32
        %mul3A_237 = arith.constant 128 : i32
        %mul3A_238 = arith.muli %add3A_236, %mul3A_237 : i32
        %multiple_of3A_239 = tpu.assume_multiple %mul3A_238, 128 : i32
        %dma_wait3A_240 = tpu.memref_slice %arg4[%multiple_of3A_239] : memref<320000xi32, #tpu.memory_space<hbm>> -> memref<128xi32, #tpu.memory_space<hbm>>
        %dma_wait3A_241 = tpu.memref_slice %arg4[%multiple_of3A_239] : memref<320000xi32, #tpu.memory_space<hbm>> -> memref<128xi32, #tpu.memory_space<hbm>>
        tpu.wait_dma2 semaphore(%arg28 : memref<!tpu.dma_semaphore, #tpu.memory_space<semaphore_mem>>) src(%dma_wait3A_241 : memref<128xi32, #tpu.memory_space<hbm>>) dst(%arg12 : memref<128xi32, #tpu.memory_space<vmem>>)
        %dma_wait3A_242 = tpu.memref_slice %arg5[%multiple_of3A_239] : memref<320000xi32, #tpu.memory_space<hbm>> -> memref<128xi32, #tpu.memory_space<hbm>>
        %dma_wait3A_243 = tpu.memref_slice %arg5[%multiple_of3A_239] : memref<320000xi32, #tpu.memory_space<hbm>> -> memref<128xi32, #tpu.memory_space<hbm>>
        tpu.wait_dma2 semaphore(%arg28 : memref<!tpu.dma_semaphore, #tpu.memory_space<semaphore_mem>>) src(%dma_wait3A_243 : memref<128xi32, #tpu.memory_space<hbm>>) dst(%arg18 : memref<128xi32, #tpu.memory_space<vmem>>)
        %dma_start3A_244 = arith.constant 0 : i32
        %dma_start3A_245 = arith.constant 0 : i32
        %dma_start3A_246 = tpu.memref_slice %arg2[%dma_start3A_244, %dma_start3A_245] : memref<10000x128xf32, #tpu.memory_space<hbm>> -> memref<10000x128xf32, #tpu.memory_space<hbm>>
        tpu.enqueue_indirect_dma source(%dma_start3A_246 : memref<10000x128xf32, #tpu.memory_space<hbm>>) target(%arg21 : memref<128x128xf32, #tpu.memory_space<vmem>>) offsets(%arg12 : memref<128xi32, #tpu.memory_space<vmem>>) semaphore(%arg31 : memref<!tpu.dma_semaphore, #tpu.memory_space<semaphore_mem>>)
      } else {
      }
      %dma_wait3A_193 = arith.constant 0 : i32
      %dma_wait3A_194 = arith.constant 0 : i32
      %dma_wait3A_195 = tpu.memref_slice %arg2[%dma_wait3A_193, %dma_wait3A_194] : memref<10000x128xf32, #tpu.memory_space<hbm>> -> memref<10000x128xf32, #tpu.memory_space<hbm>>
      tpu.wait_indirect_dma semaphore(%arg30 : memref<!tpu.dma_semaphore, #tpu.memory_space<semaphore_mem>>) src(%dma_wait3A_195 : memref<10000x128xf32, #tpu.memory_space<hbm>>) dst(%arg20 : memref<128x128xf32, #tpu.memory_space<vmem>>)
      %dma_start3A_196 = arith.constant 0 : i32
      %dma_start3A_197 = arith.constant 0 : i32
      %dma_start3A_198 = tpu.memref_slice %arg22[%dma_start3A_196, %dma_start3A_197] : memref<10000x128xf32, #tpu.memory_space<vmem_shared>> -> memref<10000x128xf32, #tpu.memory_space<vmem_shared>>
      tpu.enqueue_indirect_dma source(%arg20 : memref<128x128xf32, #tpu.memory_space<vmem>>) target(%dma_start3A_198 : memref<10000x128xf32, #tpu.memory_space<vmem_shared>>) offsets(%arg17 : memref<128xi32, #tpu.memory_space<vmem>>) semaphore(%arg33 : memref<!tpu.dma_semaphore, #tpu.memory_space<semaphore_mem>>) {add = true}
      %add3A_199 = arith.constant 4 : i32
      %add3A_200 = arith.addi %add3A_185, %add3A_199 : i32
      %lt3A_201 = arith.constant 78 : i32
      %lt3A_202 = arith.cmpi slt, %add3A_200, %lt3A_201 : i32
      %convert_element_type3A_203 = arith.extui %lt3A_202 : i1 to i32
      %cond3A_204 = arith.constant 0 : i32
      %cond3A_205 = arith.cmpi ne, %convert_element_type3A_203, %cond3A_204 : i32
      scf.if %cond3A_205 {
        %add3A_230 = arith.addi %mul3A_4, %add3A_185 : i32
        %add3A_231 = arith.constant 4 : i32
        %add3A_232 = arith.addi %add3A_230, %add3A_231 : i32
        %mul3A_233 = arith.constant 128 : i32
        %mul3A_234 = arith.muli %add3A_232, %mul3A_233 : i32
        %multiple_of3A_235 = tpu.assume_multiple %mul3A_234, 128 : i32
        %dma_start3A_236 = tpu.memref_slice %arg4[%multiple_of3A_235] : memref<320000xi32, #tpu.memory_space<hbm>> -> memref<128xi32, #tpu.memory_space<hbm>>
        %dma_start3A_237 = tpu.memref_slice %arg4[%multiple_of3A_235] : memref<320000xi32, #tpu.memory_space<hbm>> -> memref<128xi32, #tpu.memory_space<hbm>>
        tpu.enqueue_dma source(%dma_start3A_237 : memref<128xi32, #tpu.memory_space<hbm>>) target(%arg9 : memref<128xi32, #tpu.memory_space<vmem>>) target_semaphore(%arg25 : memref<!tpu.dma_semaphore, #tpu.memory_space<semaphore_mem>>)
        %dma_start3A_238 = tpu.memref_slice %arg5[%multiple_of3A_235] : memref<320000xi32, #tpu.memory_space<hbm>> -> memref<128xi32, #tpu.memory_space<hbm>>
        %dma_start3A_239 = tpu.memref_slice %arg5[%multiple_of3A_235] : memref<320000xi32, #tpu.memory_space<hbm>> -> memref<128xi32, #tpu.memory_space<hbm>>
        tpu.enqueue_dma source(%dma_start3A_239 : memref<128xi32, #tpu.memory_space<hbm>>) target(%arg15 : memref<128xi32, #tpu.memory_space<vmem>>) target_semaphore(%arg25 : memref<!tpu.dma_semaphore, #tpu.memory_space<semaphore_mem>>)
      } else {
      }
      %mul3A_206 = arith.constant 6 : i32
      %mul3A_207 = arith.muli %scan3A_85, %mul3A_206 : i32
      %add3A_208 = arith.constant 5 : i32
      %add3A_209 = arith.addi %mul3A_207, %add3A_208 : i32
      %add3A_210 = arith.constant 1 : i32
      %add3A_211 = arith.addi %add3A_209, %add3A_210 : i32
      %lt3A_212 = arith.constant 78 : i32
      %lt3A_213 = arith.cmpi slt, %add3A_211, %lt3A_212 : i32
      %convert_element_type3A_214 = arith.extui %lt3A_213 : i1 to i32
      %cond3A_215 = arith.constant 0 : i32
      %cond3A_216 = arith.cmpi ne, %convert_element_type3A_214, %cond3A_215 : i32
      scf.if %cond3A_216 {
        %ge3A = arith.constant 2 : i32
        %ge3A_230 = arith.cmpi sge, %add3A_209, %ge3A : i32
        %convert_element_type3A_231 = arith.extui %ge3A_230 : i1 to i32
        %cond3A_232 = arith.constant 0 : i32
        %cond3A_233 = arith.cmpi ne, %convert_element_type3A_231, %cond3A_232 : i32
        scf.if %cond3A_233 {
          %dma_wait3A_247 = arith.constant 0 : i32
          %dma_wait3A_248 = arith.constant 0 : i32
          %dma_wait3A_249 = tpu.memref_slice %arg22[%dma_wait3A_247, %dma_wait3A_248] : memref<10000x128xf32, #tpu.memory_space<vmem_shared>> -> memref<10000x128xf32, #tpu.memory_space<vmem_shared>>
          tpu.wait_indirect_dma semaphore(%arg32 : memref<!tpu.dma_semaphore, #tpu.memory_space<semaphore_mem>>) src(%arg19 : memref<128x128xf32, #tpu.memory_space<vmem>>) dst(%dma_wait3A_249 : memref<10000x128xf32, #tpu.memory_space<vmem_shared>>)
        } else {
        }
        %add3A_234 = arith.addi %mul3A_4, %add3A_209 : i32
        %add3A_235 = arith.constant 1 : i32
        %add3A_236 = arith.addi %add3A_234, %add3A_235 : i32
        %mul3A_237 = arith.constant 128 : i32
        %mul3A_238 = arith.muli %add3A_236, %mul3A_237 : i32
        %multiple_of3A_239 = tpu.assume_multiple %mul3A_238, 128 : i32
        %dma_wait3A_240 = tpu.memref_slice %arg4[%multiple_of3A_239] : memref<320000xi32, #tpu.memory_space<hbm>> -> memref<128xi32, #tpu.memory_space<hbm>>
        %dma_wait3A_241 = tpu.memref_slice %arg4[%multiple_of3A_239] : memref<320000xi32, #tpu.memory_space<hbm>> -> memref<128xi32, #tpu.memory_space<hbm>>
        tpu.wait_dma2 semaphore(%arg23 : memref<!tpu.dma_semaphore, #tpu.memory_space<semaphore_mem>>) src(%dma_wait3A_241 : memref<128xi32, #tpu.memory_space<hbm>>) dst(%arg7 : memref<128xi32, #tpu.memory_space<vmem>>)
        %dma_wait3A_242 = tpu.memref_slice %arg5[%multiple_of3A_239] : memref<320000xi32, #tpu.memory_space<hbm>> -> memref<128xi32, #tpu.memory_space<hbm>>
        %dma_wait3A_243 = tpu.memref_slice %arg5[%multiple_of3A_239] : memref<320000xi32, #tpu.memory_space<hbm>> -> memref<128xi32, #tpu.memory_space<hbm>>
        tpu.wait_dma2 semaphore(%arg23 : memref<!tpu.dma_semaphore, #tpu.memory_space<semaphore_mem>>) src(%dma_wait3A_243 : memref<128xi32, #tpu.memory_space<hbm>>) dst(%arg13 : memref<128xi32, #tpu.memory_space<vmem>>)
        %dma_start3A_244 = arith.constant 0 : i32
        %dma_start3A_245 = arith.constant 0 : i32
        %dma_start3A_246 = tpu.memref_slice %arg2[%dma_start3A_244, %dma_start3A_245] : memref<10000x128xf32, #tpu.memory_space<hbm>> -> memref<10000x128xf32, #tpu.memory_space<hbm>>
        tpu.enqueue_indirect_dma source(%dma_start3A_246 : memref<10000x128xf32, #tpu.memory_space<hbm>>) target(%arg19 : memref<128x128xf32, #tpu.memory_space<vmem>>) offsets(%arg7 : memref<128xi32, #tpu.memory_space<vmem>>) semaphore(%arg29 : memref<!tpu.dma_semaphore, #tpu.memory_space<semaphore_mem>>)
      } else {
      }
      %dma_wait3A_217 = arith.constant 0 : i32
      %dma_wait3A_218 = arith.constant 0 : i32
      %dma_wait3A_219 = tpu.memref_slice %arg2[%dma_wait3A_217, %dma_wait3A_218] : memref<10000x128xf32, #tpu.memory_space<hbm>> -> memref<10000x128xf32, #tpu.memory_space<hbm>>
      tpu.wait_indirect_dma semaphore(%arg31 : memref<!tpu.dma_semaphore, #tpu.memory_space<semaphore_mem>>) src(%dma_wait3A_219 : memref<10000x128xf32, #tpu.memory_space<hbm>>) dst(%arg21 : memref<128x128xf32, #tpu.memory_space<vmem>>)
      %dma_start3A_220 = arith.constant 0 : i32
      %dma_start3A_221 = arith.constant 0 : i32
      %dma_start3A_222 = tpu.memref_slice %arg22[%dma_start3A_220, %dma_start3A_221] : memref<10000x128xf32, #tpu.memory_space<vmem_shared>> -> memref<10000x128xf32, #tpu.memory_space<vmem_shared>>
      tpu.enqueue_indirect_dma source(%arg21 : memref<128x128xf32, #tpu.memory_space<vmem>>) target(%dma_start3A_222 : memref<10000x128xf32, #tpu.memory_space<vmem_shared>>) offsets(%arg18 : memref<128xi32, #tpu.memory_space<vmem>>) semaphore(%arg34 : memref<!tpu.dma_semaphore, #tpu.memory_space<semaphore_mem>>) {add = true}
      %add3A_223 = arith.constant 4 : i32
      %add3A_224 = arith.addi %add3A_209, %add3A_223 : i32
      %lt3A_225 = arith.constant 78 : i32
      %lt3A_226 = arith.cmpi slt, %add3A_224, %lt3A_225 : i32
      %convert_element_type3A_227 = arith.extui %lt3A_226 : i1 to i32
      %cond3A_228 = arith.constant 0 : i32
      %cond3A_229 = arith.cmpi ne, %convert_element_type3A_227, %cond3A_228 : i32
      scf.if %cond3A_229 {
        %add3A_230 = arith.addi %mul3A_4, %add3A_209 : i32
        %add3A_231 = arith.constant 4 : i32
        %add3A_232 = arith.addi %add3A_230, %add3A_231 : i32
        %mul3A_233 = arith.constant 128 : i32
        %mul3A_234 = arith.muli %add3A_232, %mul3A_233 : i32
        %multiple_of3A_235 = tpu.assume_multiple %mul3A_234, 128 : i32
        %dma_start3A_236 = tpu.memref_slice %arg4[%multiple_of3A_235] : memref<320000xi32, #tpu.memory_space<hbm>> -> memref<128xi32, #tpu.memory_space<hbm>>
        %dma_start3A_237 = tpu.memref_slice %arg4[%multiple_of3A_235] : memref<320000xi32, #tpu.memory_space<hbm>> -> memref<128xi32, #tpu.memory_space<hbm>>
        tpu.enqueue_dma source(%dma_start3A_237 : memref<128xi32, #tpu.memory_space<hbm>>) target(%arg10 : memref<128xi32, #tpu.memory_space<vmem>>) target_semaphore(%arg26 : memref<!tpu.dma_semaphore, #tpu.memory_space<semaphore_mem>>)
        %dma_start3A_238 = tpu.memref_slice %arg5[%multiple_of3A_235] : memref<320000xi32, #tpu.memory_space<hbm>> -> memref<128xi32, #tpu.memory_space<hbm>>
        %dma_start3A_239 = tpu.memref_slice %arg5[%multiple_of3A_235] : memref<320000xi32, #tpu.memory_space<hbm>> -> memref<128xi32, #tpu.memory_space<hbm>>
        tpu.enqueue_dma source(%dma_start3A_239 : memref<128xi32, #tpu.memory_space<hbm>>) target(%arg16 : memref<128xi32, #tpu.memory_space<vmem>>) target_semaphore(%arg26 : memref<!tpu.dma_semaphore, #tpu.memory_space<semaphore_mem>>)
      } else {
      }
    }
    %scan3A_64 = arith.constant 13 : i32
    %dma_wait3A_65 = arith.constant 0 : i32
    %dma_wait3A_66 = arith.constant 0 : i32
    %dma_wait3A_67 = tpu.memref_slice %arg22[%dma_wait3A_65, %dma_wait3A_66] : memref<10000x128xf32, #tpu.memory_space<vmem_shared>> -> memref<10000x128xf32, #tpu.memory_space<vmem_shared>>
    tpu.wait_indirect_dma semaphore(%arg32 : memref<!tpu.dma_semaphore, #tpu.memory_space<semaphore_mem>>) src(%arg19 : memref<128x128xf32, #tpu.memory_space<vmem>>) dst(%dma_wait3A_67 : memref<10000x128xf32, #tpu.memory_space<vmem_shared>>)
    %dma_wait3A_68 = arith.constant 0 : i32
    %dma_wait3A_69 = arith.constant 0 : i32
    %dma_wait3A_70 = tpu.memref_slice %arg22[%dma_wait3A_68, %dma_wait3A_69] : memref<10000x128xf32, #tpu.memory_space<vmem_shared>> -> memref<10000x128xf32, #tpu.memory_space<vmem_shared>>
    tpu.wait_indirect_dma semaphore(%arg33 : memref<!tpu.dma_semaphore, #tpu.memory_space<semaphore_mem>>) src(%arg20 : memref<128x128xf32, #tpu.memory_space<vmem>>) dst(%dma_wait3A_70 : memref<10000x128xf32, #tpu.memory_space<vmem_shared>>)
    %dma_wait3A_71 = arith.constant 0 : i32
    %dma_wait3A_72 = arith.constant 0 : i32
    %dma_wait3A_73 = tpu.memref_slice %arg22[%dma_wait3A_71, %dma_wait3A_72] : memref<10000x128xf32, #tpu.memory_space<vmem_shared>> -> memref<10000x128xf32, #tpu.memory_space<vmem_shared>>
    tpu.wait_indirect_dma semaphore(%arg34 : memref<!tpu.dma_semaphore, #tpu.memory_space<semaphore_mem>>) src(%arg21 : memref<128x128xf32, #tpu.memory_space<vmem>>) dst(%dma_wait3A_73 : memref<10000x128xf32, #tpu.memory_space<vmem_shared>>)
    %lt3A_74 = arith.constant 4 : i32
    %lt3A_75 = arith.cmpi slt, %add3A, %lt3A_74 : i32
    %convert_element_type3A_76 = arith.extui %lt3A_75 : i1 to i32
    %cond3A_77 = arith.constant 0 : i32
    %cond3A_78 = arith.cmpi ne, %convert_element_type3A_76, %cond3A_77 : i32
    scf.if %cond3A_78 {
      %add3A_85 = arith.constant 2496 : i32
      %add3A_86 = arith.addi %add3A_85, %add3A : i32
      %mul3A_87 = arith.constant 128 : i32
      %mul3A_88 = arith.muli %add3A_86, %mul3A_87 : i32
      %multiple_of3A_89 = tpu.assume_multiple %mul3A_88, 128 : i32
      %dma_wait3A_90 = tpu.memref_slice %arg4[%multiple_of3A_89] : memref<320000xi32, #tpu.memory_space<hbm>> -> memref<128xi32, #tpu.memory_space<hbm>>
      %dma_wait3A_91 = tpu.memref_slice %arg4[%multiple_of3A_89] : memref<320000xi32, #tpu.memory_space<hbm>> -> memref<128xi32, #tpu.memory_space<hbm>>
      tpu.wait_dma2 semaphore(%arg37 : memref<!tpu.dma_semaphore, #tpu.memory_space<semaphore_mem>>) src(%dma_wait3A_91 : memref<128xi32, #tpu.memory_space<hbm>>) dst(%arg35 : memref<128xi32, #tpu.memory_space<vmem>>)
      %dma_wait3A_92 = tpu.memref_slice %arg5[%multiple_of3A_89] : memref<320000xi32, #tpu.memory_space<hbm>> -> memref<128xi32, #tpu.memory_space<hbm>>
      %dma_wait3A_93 = tpu.memref_slice %arg5[%multiple_of3A_89] : memref<320000xi32, #tpu.memory_space<hbm>> -> memref<128xi32, #tpu.memory_space<hbm>>
      tpu.wait_dma2 semaphore(%arg37 : memref<!tpu.dma_semaphore, #tpu.memory_space<semaphore_mem>>) src(%dma_wait3A_93 : memref<128xi32, #tpu.memory_space<hbm>>) dst(%arg36 : memref<128xi32, #tpu.memory_space<vmem>>)
      %dma_start3A_94 = arith.constant 0 : i32
      %dma_start3A_95 = arith.constant 0 : i32
      %dma_start3A_96 = tpu.memref_slice %arg2[%dma_start3A_94, %dma_start3A_95] : memref<10000x128xf32, #tpu.memory_space<hbm>> -> memref<10000x128xf32, #tpu.memory_space<hbm>>
      tpu.enqueue_indirect_dma source(%dma_start3A_96 : memref<10000x128xf32, #tpu.memory_space<hbm>>) target(%arg19 : memref<128x128xf32, #tpu.memory_space<vmem>>) offsets(%arg35 : memref<128xi32, #tpu.memory_space<vmem>>) semaphore(%arg29 : memref<!tpu.dma_semaphore, #tpu.memory_space<semaphore_mem>>)
      %dma_wait3A_97 = arith.constant 0 : i32
      %dma_wait3A_98 = arith.constant 0 : i32
      %dma_wait3A_99 = tpu.memref_slice %arg2[%dma_wait3A_97, %dma_wait3A_98] : memref<10000x128xf32, #tpu.memory_space<hbm>> -> memref<10000x128xf32, #tpu.memory_space<hbm>>
      tpu.wait_indirect_dma semaphore(%arg29 : memref<!tpu.dma_semaphore, #tpu.memory_space<semaphore_mem>>) src(%dma_wait3A_99 : memref<10000x128xf32, #tpu.memory_space<hbm>>) dst(%arg19 : memref<128x128xf32, #tpu.memory_space<vmem>>)
      "tpu.region"() ({
        %run_scoped3A = tpu.sem_alloc : memref<!tpu.dma_semaphore, #tpu.memory_space<semaphore_mem>>
        %dma_start3A_100 = arith.constant 0 : i32
        %dma_start3A_101 = arith.constant 0 : i32
        %dma_start3A_102 = tpu.memref_slice %arg22[%dma_start3A_100, %dma_start3A_101] : memref<10000x128xf32, #tpu.memory_space<vmem_shared>> -> memref<10000x128xf32, #tpu.memory_space<vmem_shared>>
        tpu.enqueue_indirect_dma source(%arg19 : memref<128x128xf32, #tpu.memory_space<vmem>>) target(%dma_start3A_102 : memref<10000x128xf32, #tpu.memory_space<vmem_shared>>) offsets(%arg36 : memref<128xi32, #tpu.memory_space<vmem>>) semaphore(%run_scoped3A : memref<!tpu.dma_semaphore, #tpu.memory_space<semaphore_mem>>) {add = true}
        %dma_wait3A_103 = arith.constant 0 : i32
        %dma_wait3A_104 = arith.constant 0 : i32
        %dma_wait3A_105 = tpu.memref_slice %arg22[%dma_wait3A_103, %dma_wait3A_104] : memref<10000x128xf32, #tpu.memory_space<vmem_shared>> -> memref<10000x128xf32, #tpu.memory_space<vmem_shared>>
        tpu.wait_indirect_dma semaphore(%run_scoped3A : memref<!tpu.dma_semaphore, #tpu.memory_space<semaphore_mem>>) src(%arg19 : memref<128x128xf32, #tpu.memory_space<vmem>>) dst(%dma_wait3A_105 : memref<10000x128xf32, #tpu.memory_space<vmem_shared>>)
        tpu.yield
      }) : () -> ()
    } else {
    }
    %barrier3A_79 = arith.constant 0 : index
    tpu.barrier barrier_id(%barrier3A_79)
    "tpu.region"() ({
      %run_scoped3A = tpu.sem_alloc : memref<!tpu.dma_semaphore, #tpu.memory_space<semaphore_mem>>
      %dma_start3A_85 = arith.constant 0 : i32
      %dma_start3A_86 = tpu.memref_slice %arg6[%arg0, %multiple_of3A, %dma_start3A_85] : memref<2x10000x128xf32, #tpu.memory_space<hbm>> -> memref<1x624x128xf32, #tpu.memory_space<hbm>>
      %dma_start3A_87 = tpu.memref_squeeze %dma_start3A_86 : memref<1x624x128xf32, #tpu.memory_space<hbm>> -> memref<624x128xf32, #tpu.memory_space<hbm>>
      %dma_start3A_88 = arith.constant 0 : i32
      %dma_start3A_89 = tpu.memref_slice %arg22[%multiple_of3A, %dma_start3A_88] : memref<10000x128xf32, #tpu.memory_space<vmem_shared>> -> memref<624x128xf32, #tpu.memory_space<vmem_shared>>
      tpu.enqueue_dma source(%dma_start3A_89 : memref<624x128xf32, #tpu.memory_space<vmem_shared>>) target(%dma_start3A_87 : memref<624x128xf32, #tpu.memory_space<hbm>>) target_semaphore(%run_scoped3A : memref<!tpu.dma_semaphore, #tpu.memory_space<semaphore_mem>>)
      %dma_wait3A_90 = arith.constant 0 : i32
      %dma_wait3A_91 = tpu.memref_slice %arg6[%arg0, %multiple_of3A, %dma_wait3A_90] : memref<2x10000x128xf32, #tpu.memory_space<hbm>> -> memref<1x624x128xf32, #tpu.memory_space<hbm>>
      %dma_wait3A_92 = tpu.memref_squeeze %dma_wait3A_91 : memref<1x624x128xf32, #tpu.memory_space<hbm>> -> memref<624x128xf32, #tpu.memory_space<hbm>>
      %dma_wait3A_93 = arith.constant 0 : i32
      %dma_wait3A_94 = tpu.memref_slice %arg22[%multiple_of3A, %dma_wait3A_93] : memref<10000x128xf32, #tpu.memory_space<vmem_shared>> -> memref<624x128xf32, #tpu.memory_space<vmem_shared>>
      tpu.wait_dma2 semaphore(%run_scoped3A : memref<!tpu.dma_semaphore, #tpu.memory_space<semaphore_mem>>) src(%dma_wait3A_94 : memref<624x128xf32, #tpu.memory_space<vmem_shared>>) dst(%dma_wait3A_92 : memref<624x128xf32, #tpu.memory_space<hbm>>)
      tpu.yield
    }) : () -> ()
    %eq3A_80 = arith.constant 15 : i32
    %eq3A_81 = arith.cmpi eq, %arg1, %eq3A_80 : i32
    %convert_element_type3A_82 = arith.extui %eq3A_81 : i1 to i32
    %cond3A_83 = arith.constant 0 : i32
    %cond3A_84 = arith.cmpi ne, %convert_element_type3A_82, %cond3A_83 : i32
    scf.if %cond3A_84 {
      "tpu.region"() ({
        %run_scoped3A = tpu.sem_alloc : memref<!tpu.dma_semaphore, #tpu.memory_space<semaphore_mem>>
        %dma_start3A_85 = arith.constant 9984 : i32
        %dma_start3A_86 = arith.constant 0 : i32
        %dma_start3A_87 = tpu.memref_slice %arg6[%arg0, %dma_start3A_85, %dma_start3A_86] : memref<2x10000x128xf32, #tpu.memory_space<hbm>> -> memref<1x16x128xf32, #tpu.memory_space<hbm>>
        %dma_start3A_88 = tpu.memref_squeeze %dma_start3A_87 : memref<1x16x128xf32, #tpu.memory_space<hbm>> -> memref<16x128xf32, #tpu.memory_space<hbm>>
        %dma_start3A_89 = arith.constant 9984 : i32
        %dma_start3A_90 = arith.constant 0 : i32
        %dma_start3A_91 = tpu.memref_slice %arg22[%dma_start3A_89, %dma_start3A_90] : memref<10000x128xf32, #tpu.memory_space<vmem_shared>> -> memref<16x128xf32, #tpu.memory_space<vmem_shared>>
        tpu.enqueue_dma source(%dma_start3A_91 : memref<16x128xf32, #tpu.memory_space<vmem_shared>>) target(%dma_start3A_88 : memref<16x128xf32, #tpu.memory_space<hbm>>) target_semaphore(%run_scoped3A : memref<!tpu.dma_semaphore, #tpu.memory_space<semaphore_mem>>)
        %dma_wait3A_92 = arith.constant 9984 : i32
        %dma_wait3A_93 = arith.constant 0 : i32
        %dma_wait3A_94 = tpu.memref_slice %arg6[%arg0, %dma_wait3A_92, %dma_wait3A_93] : memref<2x10000x128xf32, #tpu.memory_space<hbm>> -> memref<1x16x128xf32, #tpu.memory_space<hbm>>
        %dma_wait3A_95 = tpu.memref_squeeze %dma_wait3A_94 : memref<1x16x128xf32, #tpu.memory_space<hbm>> -> memref<16x128xf32, #tpu.memory_space<hbm>>
        %dma_wait3A_96 = arith.constant 9984 : i32
        %dma_wait3A_97 = arith.constant 0 : i32
        %dma_wait3A_98 = tpu.memref_slice %arg22[%dma_wait3A_96, %dma_wait3A_97] : memref<10000x128xf32, #tpu.memory_space<vmem_shared>> -> memref<16x128xf32, #tpu.memory_space<vmem_shared>>
        tpu.wait_dma2 semaphore(%run_scoped3A : memref<!tpu.dma_semaphore, #tpu.memory_space<semaphore_mem>>) src(%dma_wait3A_98 : memref<16x128xf32, #tpu.memory_space<vmem_shared>>) dst(%dma_wait3A_95 : memref<16x128xf32, #tpu.memory_space<hbm>>)
        tpu.yield
      }) : () -> ()
    } else {
    }
    return
  }
}

#map = affine_map<(d0, d1) -> (0, 0)>
#map1 = affine_map<(d0, d1) -> (0)>
#map2 = affine_map<(d0, d1) -> (0, 0, 0)>
module attributes {stable_mosaic.version = 14 : i64} {
  func.func @_sc_aggregate(%arg0: i32, %arg1: i32, %arg2: memref<10000x128xf32, #tpu.memory_space<hbm>>, %arg3: memref<10000x128xf32, #tpu.memory_space<hbm>>, %arg4: memref<320000xi32, #tpu.memory_space<hbm>>, %arg5: memref<320000xi32, #tpu.memory_space<hbm>>, %arg6: memref<2x10000x128xf32, #tpu.memory_space<hbm>>, %arg7: memref<128xi32, #tpu.memory_space<vmem>>, %arg8: memref<128xi32, #tpu.memory_space<vmem>>, %arg9: memref<128xi32, #tpu.memory_space<vmem>>, %arg10: memref<128xi32, #tpu.memory_space<vmem>>, %arg11: memref<128xi32, #tpu.memory_space<vmem>>, %arg12: memref<128xi32, #tpu.memory_space<vmem>>, %arg13: memref<128xi32, #tpu.memory_space<vmem>>, %arg14: memref<128xi32, #tpu.memory_space<vmem>>, %arg15: memref<128xi32, #tpu.memory_space<vmem>>, %arg16: memref<128xi32, #tpu.memory_space<vmem>>, %arg17: memref<128xi32, #tpu.memory_space<vmem>>, %arg18: memref<128xi32, #tpu.memory_space<vmem>>, %arg19: memref<128x128xf32, #tpu.memory_space<vmem>>, %arg20: memref<128x128xf32, #tpu.memory_space<vmem>>, %arg21: memref<128x128xf32, #tpu.memory_space<vmem>>, %arg22: memref<10000x128xf32, #tpu.memory_space<vmem_shared>>, %arg23: memref<!tpu.dma_semaphore, #tpu.memory_space<semaphore_mem>>, %arg24: memref<!tpu.dma_semaphore, #tpu.memory_space<semaphore_mem>>, %arg25: memref<!tpu.dma_semaphore, #tpu.memory_space<semaphore_mem>>, %arg26: memref<!tpu.dma_semaphore, #tpu.memory_space<semaphore_mem>>, %arg27: memref<!tpu.dma_semaphore, #tpu.memory_space<semaphore_mem>>, %arg28: memref<!tpu.dma_semaphore, #tpu.memory_space<semaphore_mem>>, %arg29: memref<!tpu.dma_semaphore, #tpu.memory_space<semaphore_mem>>, %arg30: memref<!tpu.dma_semaphore, #tpu.memory_space<semaphore_mem>>, %arg31: memref<!tpu.dma_semaphore, #tpu.memory_space<semaphore_mem>>, %arg32: memref<!tpu.dma_semaphore, #tpu.memory_space<semaphore_mem>>, %arg33: memref<!tpu.dma_semaphore, #tpu.memory_space<semaphore_mem>>, %arg34: memref<!tpu.dma_semaphore, #tpu.memory_space<semaphore_mem>>, %arg35: memref<128xi32, #tpu.memory_space<vmem>>, %arg36: memref<128xi32, #tpu.memory_space<vmem>>, %arg37: memref<!tpu.dma_semaphore, #tpu.memory_space<semaphore_mem>>) attributes {dimension_semantics = [#tpu.dimension_semantics<core_parallel>, #tpu.dimension_semantics<subcore_parallel>], iteration_bounds = array<i64: 2, 16>, scalar_prefetch = 0 : i64, scratch_operands = 31 : i64, tpu.core_type = #tpu.core_type<sc_vector_subcore>, window_params = [{transform_indices = #map}, {transform_indices = #map}, {transform_indices = #map1}, {transform_indices = #map1}, {transform_indices = #map2}]} {
    %mul3A = arith.constant 624 : i32
    %mul3A_0 = arith.muli %arg1, %mul3A : i32
    %multiple_of3A = tpu.assume_multiple %mul3A_0, 8 : i32
    %mul3A_1 = arith.constant 16 : i32
    %mul3A_2 = arith.muli %arg0, %mul3A_1 : i32
    %add3A = arith.addi %mul3A_2, %arg1 : i32
    %mul3A_3 = arith.constant 78 : i32
    %mul3A_4 = arith.muli %add3A, %mul3A_3 : i32
    %add3A_5 = arith.constant 0 : i32
    %add3A_6 = arith.addi %mul3A_4, %add3A_5 : i32
    %mul3A_7 = arith.constant 128 : i32
    %mul3A_8 = arith.muli %add3A_6, %mul3A_7 : i32
    %multiple_of3A_9 = tpu.assume_multiple %mul3A_8, 128 : i32
    %dma_start3A = tpu.memref_slice %arg4[%multiple_of3A_9] : memref<320000xi32, #tpu.memory_space<hbm>> -> memref<128xi32, #tpu.memory_space<hbm>>
    %dma_start3A_10 = tpu.memref_slice %arg4[%multiple_of3A_9] : memref<320000xi32, #tpu.memory_space<hbm>> -> memref<128xi32, #tpu.memory_space<hbm>>
    tpu.enqueue_dma source(%dma_start3A_10 : memref<128xi32, #tpu.memory_space<hbm>>) target(%arg7 : memref<128xi32, #tpu.memory_space<vmem>>) target_semaphore(%arg23 : memref<!tpu.dma_semaphore, #tpu.memory_space<semaphore_mem>>)
    %dma_start3A_11 = tpu.memref_slice %arg5[%multiple_of3A_9] : memref<320000xi32, #tpu.memory_space<hbm>> -> memref<128xi32, #tpu.memory_space<hbm>>
    %dma_start3A_12 = tpu.memref_slice %arg5[%multiple_of3A_9] : memref<320000xi32, #tpu.memory_space<hbm>> -> memref<128xi32, #tpu.memory_space<hbm>>
    tpu.enqueue_dma source(%dma_start3A_12 : memref<128xi32, #tpu.memory_space<hbm>>) target(%arg13 : memref<128xi32, #tpu.memory_space<vmem>>) target_semaphore(%arg23 : memref<!tpu.dma_semaphore, #tpu.memory_space<semaphore_mem>>)
    %add3A_13 = arith.constant 1 : i32
    %add3A_14 = arith.addi %mul3A_4, %add3A_13 : i32
    %mul3A_15 = arith.constant 128 : i32
    %mul3A_16 = arith.muli %add3A_14, %mul3A_15 : i32
    %multiple_of3A_17 = tpu.assume_multiple %mul3A_16, 128 : i32
    %dma_start3A_18 = tpu.memref_slice %arg4[%multiple_of3A_17] : memref<320000xi32, #tpu.memory_space<hbm>> -> memref<128xi32, #tpu.memory_space<hbm>>
    %dma_start3A_19 = tpu.memref_slice %arg4[%multiple_of3A_17] : memref<320000xi32, #tpu.memory_space<hbm>> -> memref<128xi32, #tpu.memory_space<hbm>>
    tpu.enqueue_dma source(%dma_start3A_19 : memref<128xi32, #tpu.memory_space<hbm>>) target(%arg8 : memref<128xi32, #tpu.memory_space<vmem>>) target_semaphore(%arg24 : memref<!tpu.dma_semaphore, #tpu.memory_space<semaphore_mem>>)
    %dma_start3A_20 = tpu.memref_slice %arg5[%multiple_of3A_17] : memref<320000xi32, #tpu.memory_space<hbm>> -> memref<128xi32, #tpu.memory_space<hbm>>
    %dma_start3A_21 = tpu.memref_slice %arg5[%multiple_of3A_17] : memref<320000xi32, #tpu.memory_space<hbm>> -> memref<128xi32, #tpu.memory_space<hbm>>
    tpu.enqueue_dma source(%dma_start3A_21 : memref<128xi32, #tpu.memory_space<hbm>>) target(%arg14 : memref<128xi32, #tpu.memory_space<vmem>>) target_semaphore(%arg24 : memref<!tpu.dma_semaphore, #tpu.memory_space<semaphore_mem>>)
    %add3A_22 = arith.constant 2 : i32
    %add3A_23 = arith.addi %mul3A_4, %add3A_22 : i32
    %mul3A_24 = arith.constant 128 : i32
    %mul3A_25 = arith.muli %add3A_23, %mul3A_24 : i32
    %multiple_of3A_26 = tpu.assume_multiple %mul3A_25, 128 : i32
    %dma_start3A_27 = tpu.memref_slice %arg4[%multiple_of3A_26] : memref<320000xi32, #tpu.memory_space<hbm>> -> memref<128xi32, #tpu.memory_space<hbm>>
    %dma_start3A_28 = tpu.memref_slice %arg4[%multiple_of3A_26] : memref<320000xi32, #tpu.memory_space<hbm>> -> memref<128xi32, #tpu.memory_space<hbm>>
    tpu.enqueue_dma source(%dma_start3A_28 : memref<128xi32, #tpu.memory_space<hbm>>) target(%arg9 : memref<128xi32, #tpu.memory_space<vmem>>) target_semaphore(%arg25 : memref<!tpu.dma_semaphore, #tpu.memory_space<semaphore_mem>>)
    %dma_start3A_29 = tpu.memref_slice %arg5[%multiple_of3A_26] : memref<320000xi32, #tpu.memory_space<hbm>> -> memref<128xi32, #tpu.memory_space<hbm>>
    %dma_start3A_30 = tpu.memref_slice %arg5[%multiple_of3A_26] : memref<320000xi32, #tpu.memory_space<hbm>> -> memref<128xi32, #tpu.memory_space<hbm>>
    tpu.enqueue_dma source(%dma_start3A_30 : memref<128xi32, #tpu.memory_space<hbm>>) target(%arg15 : memref<128xi32, #tpu.memory_space<vmem>>) target_semaphore(%arg25 : memref<!tpu.dma_semaphore, #tpu.memory_space<semaphore_mem>>)
    %add3A_31 = arith.constant 3 : i32
    %add3A_32 = arith.addi %mul3A_4, %add3A_31 : i32
    %mul3A_33 = arith.constant 128 : i32
    %mul3A_34 = arith.muli %add3A_32, %mul3A_33 : i32
    %multiple_of3A_35 = tpu.assume_multiple %mul3A_34, 128 : i32
    %dma_start3A_36 = tpu.memref_slice %arg4[%multiple_of3A_35] : memref<320000xi32, #tpu.memory_space<hbm>> -> memref<128xi32, #tpu.memory_space<hbm>>
    %dma_start3A_37 = tpu.memref_slice %arg4[%multiple_of3A_35] : memref<320000xi32, #tpu.memory_space<hbm>> -> memref<128xi32, #tpu.memory_space<hbm>>
    tpu.enqueue_dma source(%dma_start3A_37 : memref<128xi32, #tpu.memory_space<hbm>>) target(%arg10 : memref<128xi32, #tpu.memory_space<vmem>>) target_semaphore(%arg26 : memref<!tpu.dma_semaphore, #tpu.memory_space<semaphore_mem>>)
    %dma_start3A_38 = tpu.memref_slice %arg5[%multiple_of3A_35] : memref<320000xi32, #tpu.memory_space<hbm>> -> memref<128xi32, #tpu.memory_space<hbm>>
    %dma_start3A_39 = tpu.memref_slice %arg5[%multiple_of3A_35] : memref<320000xi32, #tpu.memory_space<hbm>> -> memref<128xi32, #tpu.memory_space<hbm>>
    tpu.enqueue_dma source(%dma_start3A_39 : memref<128xi32, #tpu.memory_space<hbm>>) target(%arg16 : memref<128xi32, #tpu.memory_space<vmem>>) target_semaphore(%arg26 : memref<!tpu.dma_semaphore, #tpu.memory_space<semaphore_mem>>)
    %lt3A = arith.constant 4 : i32
    %lt3A_40 = arith.cmpi slt, %add3A, %lt3A : i32
    %convert_element_type3A = arith.extui %lt3A_40 : i1 to i32
    %cond3A = arith.constant 0 : i32
    %cond3A_41 = arith.cmpi ne, %convert_element_type3A, %cond3A : i32
    scf.if %cond3A_41 {
      %add3A_85 = arith.constant 2496 : i32
      %add3A_86 = arith.addi %add3A_85, %add3A : i32
      %mul3A_87 = arith.constant 128 : i32
      %mul3A_88 = arith.muli %add3A_86, %mul3A_87 : i32
      %multiple_of3A_89 = tpu.assume_multiple %mul3A_88, 128 : i32
      %dma_start3A_90 = tpu.memref_slice %arg4[%multiple_of3A_89] : memref<320000xi32, #tpu.memory_space<hbm>> -> memref<128xi32, #tpu.memory_space<hbm>>
      %dma_start3A_91 = tpu.memref_slice %arg4[%multiple_of3A_89] : memref<320000xi32, #tpu.memory_space<hbm>> -> memref<128xi32, #tpu.memory_space<hbm>>
      tpu.enqueue_dma source(%dma_start3A_91 : memref<128xi32, #tpu.memory_space<hbm>>) target(%arg35 : memref<128xi32, #tpu.memory_space<vmem>>) target_semaphore(%arg37 : memref<!tpu.dma_semaphore, #tpu.memory_space<semaphore_mem>>)
      %dma_start3A_92 = tpu.memref_slice %arg5[%multiple_of3A_89] : memref<320000xi32, #tpu.memory_space<hbm>> -> memref<128xi32, #tpu.memory_space<hbm>>
      %dma_start3A_93 = tpu.memref_slice %arg5[%multiple_of3A_89] : memref<320000xi32, #tpu.memory_space<hbm>> -> memref<128xi32, #tpu.memory_space<hbm>>
      tpu.enqueue_dma source(%dma_start3A_93 : memref<128xi32, #tpu.memory_space<hbm>>) target(%arg36 : memref<128xi32, #tpu.memory_space<vmem>>) target_semaphore(%arg37 : memref<!tpu.dma_semaphore, #tpu.memory_space<semaphore_mem>>)
    } else {
    }
    %eq3A = arith.constant 0 : i32
    %eq3A_42 = arith.cmpi eq, %arg0, %eq3A : i32
    %convert_element_type3A_43 = arith.extui %eq3A_42 : i1 to i32
    %cond3A_44 = arith.constant 0 : i32
    %cond3A_45 = arith.cmpi ne, %convert_element_type3A_43, %cond3A_44 : i32
    scf.if %cond3A_45 {
      "tpu.region"() ({
        %run_scoped3A = tpu.sem_alloc : memref<!tpu.dma_semaphore, #tpu.memory_space<semaphore_mem>>
        %dma_start3A_90 = arith.constant 0 : i32
        %dma_start3A_91 = tpu.memref_slice %arg22[%multiple_of3A, %dma_start3A_90] : memref<10000x128xf32, #tpu.memory_space<vmem_shared>> -> memref<624x128xf32, #tpu.memory_space<vmem_shared>>
        %dma_start3A_92 = arith.constant 0 : i32
        %dma_start3A_93 = tpu.memref_slice %arg2[%multiple_of3A, %dma_start3A_92] : memref<10000x128xf32, #tpu.memory_space<hbm>> -> memref<624x128xf32, #tpu.memory_space<hbm>>
        tpu.enqueue_dma source(%dma_start3A_93 : memref<624x128xf32, #tpu.memory_space<hbm>>) target(%dma_start3A_91 : memref<624x128xf32, #tpu.memory_space<vmem_shared>>) target_semaphore(%run_scoped3A : memref<!tpu.dma_semaphore, #tpu.memory_space<semaphore_mem>>)
        %dma_wait3A_94 = arith.constant 0 : i32
        %dma_wait3A_95 = tpu.memref_slice %arg22[%multiple_of3A, %dma_wait3A_94] : memref<10000x128xf32, #tpu.memory_space<vmem_shared>> -> memref<624x128xf32, #tpu.memory_space<vmem_shared>>
        %dma_wait3A_96 = arith.constant 0 : i32
        %dma_wait3A_97 = tpu.memref_slice %arg2[%multiple_of3A, %dma_wait3A_96] : memref<10000x128xf32, #tpu.memory_space<hbm>> -> memref<624x128xf32, #tpu.memory_space<hbm>>
        tpu.wait_dma2 semaphore(%run_scoped3A : memref<!tpu.dma_semaphore, #tpu.memory_space<semaphore_mem>>) src(%dma_wait3A_97 : memref<624x128xf32, #tpu.memory_space<hbm>>) dst(%dma_wait3A_95 : memref<624x128xf32, #tpu.memory_space<vmem_shared>>)
        tpu.yield
      }) : () -> ()
      %eq3A_85 = arith.constant 15 : i32
      %eq3A_86 = arith.cmpi eq, %arg1, %eq3A_85 : i32
      %convert_element_type3A_87 = arith.extui %eq3A_86 : i1 to i32
      %cond3A_88 = arith.constant 0 : i32
      %cond3A_89 = arith.cmpi ne, %convert_element_type3A_87, %cond3A_88 : i32
      scf.if %cond3A_89 {
        "tpu.region"() ({
          %run_scoped3A = tpu.sem_alloc : memref<!tpu.dma_semaphore, #tpu.memory_space<semaphore_mem>>
          %dma_start3A_90 = arith.constant 9984 : i32
          %dma_start3A_91 = arith.constant 0 : i32
          %dma_start3A_92 = tpu.memref_slice %arg22[%dma_start3A_90, %dma_start3A_91] : memref<10000x128xf32, #tpu.memory_space<vmem_shared>> -> memref<16x128xf32, #tpu.memory_space<vmem_shared>>
          %dma_start3A_93 = arith.constant 9984 : i32
          %dma_start3A_94 = arith.constant 0 : i32
          %dma_start3A_95 = tpu.memref_slice %arg2[%dma_start3A_93, %dma_start3A_94] : memref<10000x128xf32, #tpu.memory_space<hbm>> -> memref<16x128xf32, #tpu.memory_space<hbm>>
          tpu.enqueue_dma source(%dma_start3A_95 : memref<16x128xf32, #tpu.memory_space<hbm>>) target(%dma_start3A_92 : memref<16x128xf32, #tpu.memory_space<vmem_shared>>) target_semaphore(%run_scoped3A : memref<!tpu.dma_semaphore, #tpu.memory_space<semaphore_mem>>)
          %dma_wait3A_96 = arith.constant 9984 : i32
          %dma_wait3A_97 = arith.constant 0 : i32
          %dma_wait3A_98 = tpu.memref_slice %arg22[%dma_wait3A_96, %dma_wait3A_97] : memref<10000x128xf32, #tpu.memory_space<vmem_shared>> -> memref<16x128xf32, #tpu.memory_space<vmem_shared>>
          %dma_wait3A_99 = arith.constant 9984 : i32
          %dma_wait3A_100 = arith.constant 0 : i32
          %dma_wait3A_101 = tpu.memref_slice %arg2[%dma_wait3A_99, %dma_wait3A_100] : memref<10000x128xf32, #tpu.memory_space<hbm>> -> memref<16x128xf32, #tpu.memory_space<hbm>>
          tpu.wait_dma2 semaphore(%run_scoped3A : memref<!tpu.dma_semaphore, #tpu.memory_space<semaphore_mem>>) src(%dma_wait3A_101 : memref<16x128xf32, #tpu.memory_space<hbm>>) dst(%dma_wait3A_98 : memref<16x128xf32, #tpu.memory_space<vmem_shared>>)
          tpu.yield
        }) : () -> ()
      } else {
      }
    } else {
    }
    %eq3A_46 = arith.constant 1 : i32
    %eq3A_47 = arith.cmpi eq, %arg0, %eq3A_46 : i32
    %convert_element_type3A_48 = arith.extui %eq3A_47 : i1 to i32
    %cond3A_49 = arith.constant 0 : i32
    %cond3A_50 = arith.cmpi ne, %convert_element_type3A_48, %cond3A_49 : i32
    scf.if %cond3A_50 {
      "tpu.region"() ({
        %run_scoped3A = tpu.sem_alloc : memref<!tpu.dma_semaphore, #tpu.memory_space<semaphore_mem>>
        %dma_start3A_90 = arith.constant 0 : i32
        %dma_start3A_91 = tpu.memref_slice %arg22[%multiple_of3A, %dma_start3A_90] : memref<10000x128xf32, #tpu.memory_space<vmem_shared>> -> memref<624x128xf32, #tpu.memory_space<vmem_shared>>
        %dma_start3A_92 = arith.constant 0 : i32
        %dma_start3A_93 = tpu.memref_slice %arg3[%multiple_of3A, %dma_start3A_92] : memref<10000x128xf32, #tpu.memory_space<hbm>> -> memref<624x128xf32, #tpu.memory_space<hbm>>
        tpu.enqueue_dma source(%dma_start3A_93 : memref<624x128xf32, #tpu.memory_space<hbm>>) target(%dma_start3A_91 : memref<624x128xf32, #tpu.memory_space<vmem_shared>>) target_semaphore(%run_scoped3A : memref<!tpu.dma_semaphore, #tpu.memory_space<semaphore_mem>>)
        %dma_wait3A_94 = arith.constant 0 : i32
        %dma_wait3A_95 = tpu.memref_slice %arg22[%multiple_of3A, %dma_wait3A_94] : memref<10000x128xf32, #tpu.memory_space<vmem_shared>> -> memref<624x128xf32, #tpu.memory_space<vmem_shared>>
        %dma_wait3A_96 = arith.constant 0 : i32
        %dma_wait3A_97 = tpu.memref_slice %arg3[%multiple_of3A, %dma_wait3A_96] : memref<10000x128xf32, #tpu.memory_space<hbm>> -> memref<624x128xf32, #tpu.memory_space<hbm>>
        tpu.wait_dma2 semaphore(%run_scoped3A : memref<!tpu.dma_semaphore, #tpu.memory_space<semaphore_mem>>) src(%dma_wait3A_97 : memref<624x128xf32, #tpu.memory_space<hbm>>) dst(%dma_wait3A_95 : memref<624x128xf32, #tpu.memory_space<vmem_shared>>)
        tpu.yield
      }) : () -> ()
      %eq3A_85 = arith.constant 15 : i32
      %eq3A_86 = arith.cmpi eq, %arg1, %eq3A_85 : i32
      %convert_element_type3A_87 = arith.extui %eq3A_86 : i1 to i32
      %cond3A_88 = arith.constant 0 : i32
      %cond3A_89 = arith.cmpi ne, %convert_element_type3A_87, %cond3A_88 : i32
      scf.if %cond3A_89 {
        "tpu.region"() ({
          %run_scoped3A = tpu.sem_alloc : memref<!tpu.dma_semaphore, #tpu.memory_space<semaphore_mem>>
          %dma_start3A_90 = arith.constant 9984 : i32
          %dma_start3A_91 = arith.constant 0 : i32
          %dma_start3A_92 = tpu.memref_slice %arg22[%dma_start3A_90, %dma_start3A_91] : memref<10000x128xf32, #tpu.memory_space<vmem_shared>> -> memref<16x128xf32, #tpu.memory_space<vmem_shared>>
          %dma_start3A_93 = arith.constant 9984 : i32
          %dma_start3A_94 = arith.constant 0 : i32
          %dma_start3A_95 = tpu.memref_slice %arg3[%dma_start3A_93, %dma_start3A_94] : memref<10000x128xf32, #tpu.memory_space<hbm>> -> memref<16x128xf32, #tpu.memory_space<hbm>>
          tpu.enqueue_dma source(%dma_start3A_95 : memref<16x128xf32, #tpu.memory_space<hbm>>) target(%dma_start3A_92 : memref<16x128xf32, #tpu.memory_space<vmem_shared>>) target_semaphore(%run_scoped3A : memref<!tpu.dma_semaphore, #tpu.memory_space<semaphore_mem>>)
          %dma_wait3A_96 = arith.constant 9984 : i32
          %dma_wait3A_97 = arith.constant 0 : i32
          %dma_wait3A_98 = tpu.memref_slice %arg22[%dma_wait3A_96, %dma_wait3A_97] : memref<10000x128xf32, #tpu.memory_space<vmem_shared>> -> memref<16x128xf32, #tpu.memory_space<vmem_shared>>
          %dma_wait3A_99 = arith.constant 9984 : i32
          %dma_wait3A_100 = arith.constant 0 : i32
          %dma_wait3A_101 = tpu.memref_slice %arg3[%dma_wait3A_99, %dma_wait3A_100] : memref<10000x128xf32, #tpu.memory_space<hbm>> -> memref<16x128xf32, #tpu.memory_space<hbm>>
          tpu.wait_dma2 semaphore(%run_scoped3A : memref<!tpu.dma_semaphore, #tpu.memory_space<semaphore_mem>>) src(%dma_wait3A_101 : memref<16x128xf32, #tpu.memory_space<hbm>>) dst(%dma_wait3A_98 : memref<16x128xf32, #tpu.memory_space<vmem_shared>>)
          tpu.yield
        }) : () -> ()
      } else {
      }
    } else {
    }
    %mul3A_51 = arith.constant 128 : i32
    %mul3A_52 = arith.muli %mul3A_4, %mul3A_51 : i32
    %multiple_of3A_53 = tpu.assume_multiple %mul3A_52, 128 : i32
    %dma_wait3A = tpu.memref_slice %arg4[%multiple_of3A_53] : memref<320000xi32, #tpu.memory_space<hbm>> -> memref<128xi32, #tpu.memory_space<hbm>>
    %dma_wait3A_54 = tpu.memref_slice %arg4[%multiple_of3A_53] : memref<320000xi32, #tpu.memory_space<hbm>> -> memref<128xi32, #tpu.memory_space<hbm>>
    tpu.wait_dma2 semaphore(%arg23 : memref<!tpu.dma_semaphore, #tpu.memory_space<semaphore_mem>>) src(%dma_wait3A_54 : memref<128xi32, #tpu.memory_space<hbm>>) dst(%arg7 : memref<128xi32, #tpu.memory_space<vmem>>)
    %dma_wait3A_55 = tpu.memref_slice %arg5[%multiple_of3A_53] : memref<320000xi32, #tpu.memory_space<hbm>> -> memref<128xi32, #tpu.memory_space<hbm>>
    %dma_wait3A_56 = tpu.memref_slice %arg5[%multiple_of3A_53] : memref<320000xi32, #tpu.memory_space<hbm>> -> memref<128xi32, #tpu.memory_space<hbm>>
    tpu.wait_dma2 semaphore(%arg23 : memref<!tpu.dma_semaphore, #tpu.memory_space<semaphore_mem>>) src(%dma_wait3A_56 : memref<128xi32, #tpu.memory_space<hbm>>) dst(%arg13 : memref<128xi32, #tpu.memory_space<vmem>>)
    %dma_start3A_57 = arith.constant 0 : i32
    %dma_start3A_58 = arith.constant 0 : i32
    %dma_start3A_59 = tpu.memref_slice %arg2[%dma_start3A_57, %dma_start3A_58] : memref<10000x128xf32, #tpu.memory_space<hbm>> -> memref<10000x128xf32, #tpu.memory_space<hbm>>
    tpu.enqueue_indirect_dma source(%dma_start3A_59 : memref<10000x128xf32, #tpu.memory_space<hbm>>) target(%arg19 : memref<128x128xf32, #tpu.memory_space<vmem>>) offsets(%arg7 : memref<128xi32, #tpu.memory_space<vmem>>) semaphore(%arg29 : memref<!tpu.dma_semaphore, #tpu.memory_space<semaphore_mem>>)
    %barrier3A = arith.constant 0 : index
    tpu.barrier barrier_id(%barrier3A)
    %scan3A = arith.constant 0 : i32
    %scan3A_60 = arith.constant 0 : i32
    %scan3A_61 = arith.constant 13 : i32
    %scan3A_62 = arith.addi %scan3A_60, %scan3A_61 : i32
    %scan3A_63 = arith.constant 1 : i32
    scf.for %scan3A_85 = %scan3A_60 to %scan3A_62 step %scan3A_63  : i32 {
      %mul3A_86 = arith.constant 6 : i32
      %mul3A_87 = arith.muli %scan3A_85, %mul3A_86 : i32
      %add3A_88 = arith.constant 0 : i32
      %add3A_89 = arith.addi %mul3A_87, %add3A_88 : i32
      %add3A_90 = arith.constant 1 : i32
      %add3A_91 = arith.addi %add3A_89, %add3A_90 : i32
      %lt3A_92 = arith.constant 78 : i32
      %lt3A_93 = arith.cmpi slt, %add3A_91, %lt3A_92 : i32
      %convert_element_type3A_94 = arith.extui %lt3A_93 : i1 to i32
      %cond3A_95 = arith.constant 0 : i32
      %cond3A_96 = arith.cmpi ne, %convert_element_type3A_94, %cond3A_95 : i32
      scf.if %cond3A_96 {
        %ge3A = arith.constant 2 : i32
        %ge3A_230 = arith.cmpi sge, %add3A_89, %ge3A : i32
        %convert_element_type3A_231 = arith.extui %ge3A_230 : i1 to i32
        %cond3A_232 = arith.constant 0 : i32
        %cond3A_233 = arith.cmpi ne, %convert_element_type3A_231, %cond3A_232 : i32
        scf.if %cond3A_233 {
          %dma_wait3A_247 = arith.constant 0 : i32
          %dma_wait3A_248 = arith.constant 0 : i32
          %dma_wait3A_249 = tpu.memref_slice %arg22[%dma_wait3A_247, %dma_wait3A_248] : memref<10000x128xf32, #tpu.memory_space<vmem_shared>> -> memref<10000x128xf32, #tpu.memory_space<vmem_shared>>
          tpu.wait_indirect_dma semaphore(%arg33 : memref<!tpu.dma_semaphore, #tpu.memory_space<semaphore_mem>>) src(%arg20 : memref<128x128xf32, #tpu.memory_space<vmem>>) dst(%dma_wait3A_249 : memref<10000x128xf32, #tpu.memory_space<vmem_shared>>)
        } else {
        }
        %add3A_234 = arith.addi %mul3A_4, %add3A_89 : i32
        %add3A_235 = arith.constant 1 : i32
        %add3A_236 = arith.addi %add3A_234, %add3A_235 : i32
        %mul3A_237 = arith.constant 128 : i32
        %mul3A_238 = arith.muli %add3A_236, %mul3A_237 : i32
        %multiple_of3A_239 = tpu.assume_multiple %mul3A_238, 128 : i32
        %dma_wait3A_240 = tpu.memref_slice %arg4[%multiple_of3A_239] : memref<320000xi32, #tpu.memory_space<hbm>> -> memref<128xi32, #tpu.memory_space<hbm>>
        %dma_wait3A_241 = tpu.memref_slice %arg4[%multiple_of3A_239] : memref<320000xi32, #tpu.memory_space<hbm>> -> memref<128xi32, #tpu.memory_space<hbm>>
        tpu.wait_dma2 semaphore(%arg24 : memref<!tpu.dma_semaphore, #tpu.memory_space<semaphore_mem>>) src(%dma_wait3A_241 : memref<128xi32, #tpu.memory_space<hbm>>) dst(%arg8 : memref<128xi32, #tpu.memory_space<vmem>>)
        %dma_wait3A_242 = tpu.memref_slice %arg5[%multiple_of3A_239] : memref<320000xi32, #tpu.memory_space<hbm>> -> memref<128xi32, #tpu.memory_space<hbm>>
        %dma_wait3A_243 = tpu.memref_slice %arg5[%multiple_of3A_239] : memref<320000xi32, #tpu.memory_space<hbm>> -> memref<128xi32, #tpu.memory_space<hbm>>
        tpu.wait_dma2 semaphore(%arg24 : memref<!tpu.dma_semaphore, #tpu.memory_space<semaphore_mem>>) src(%dma_wait3A_243 : memref<128xi32, #tpu.memory_space<hbm>>) dst(%arg14 : memref<128xi32, #tpu.memory_space<vmem>>)
        %dma_start3A_244 = arith.constant 0 : i32
        %dma_start3A_245 = arith.constant 0 : i32
        %dma_start3A_246 = tpu.memref_slice %arg2[%dma_start3A_244, %dma_start3A_245] : memref<10000x128xf32, #tpu.memory_space<hbm>> -> memref<10000x128xf32, #tpu.memory_space<hbm>>
        tpu.enqueue_indirect_dma source(%dma_start3A_246 : memref<10000x128xf32, #tpu.memory_space<hbm>>) target(%arg20 : memref<128x128xf32, #tpu.memory_space<vmem>>) offsets(%arg8 : memref<128xi32, #tpu.memory_space<vmem>>) semaphore(%arg30 : memref<!tpu.dma_semaphore, #tpu.memory_space<semaphore_mem>>)
      } else {
      }
      %dma_wait3A_97 = arith.constant 0 : i32
      %dma_wait3A_98 = arith.constant 0 : i32
      %dma_wait3A_99 = tpu.memref_slice %arg2[%dma_wait3A_97, %dma_wait3A_98] : memref<10000x128xf32, #tpu.memory_space<hbm>> -> memref<10000x128xf32, #tpu.memory_space<hbm>>
      tpu.wait_indirect_dma semaphore(%arg29 : memref<!tpu.dma_semaphore, #tpu.memory_space<semaphore_mem>>) src(%dma_wait3A_99 : memref<10000x128xf32, #tpu.memory_space<hbm>>) dst(%arg19 : memref<128x128xf32, #tpu.memory_space<vmem>>)
      %dma_start3A_100 = arith.constant 0 : i32
      %dma_start3A_101 = arith.constant 0 : i32
      %dma_start3A_102 = tpu.memref_slice %arg22[%dma_start3A_100, %dma_start3A_101] : memref<10000x128xf32, #tpu.memory_space<vmem_shared>> -> memref<10000x128xf32, #tpu.memory_space<vmem_shared>>
      tpu.enqueue_indirect_dma source(%arg19 : memref<128x128xf32, #tpu.memory_space<vmem>>) target(%dma_start3A_102 : memref<10000x128xf32, #tpu.memory_space<vmem_shared>>) offsets(%arg13 : memref<128xi32, #tpu.memory_space<vmem>>) semaphore(%arg32 : memref<!tpu.dma_semaphore, #tpu.memory_space<semaphore_mem>>) {add = true}
      %add3A_103 = arith.constant 4 : i32
      %add3A_104 = arith.addi %add3A_89, %add3A_103 : i32
      %lt3A_105 = arith.constant 78 : i32
      %lt3A_106 = arith.cmpi slt, %add3A_104, %lt3A_105 : i32
      %convert_element_type3A_107 = arith.extui %lt3A_106 : i1 to i32
      %cond3A_108 = arith.constant 0 : i32
      %cond3A_109 = arith.cmpi ne, %convert_element_type3A_107, %cond3A_108 : i32
      scf.if %cond3A_109 {
        %add3A_230 = arith.addi %mul3A_4, %add3A_89 : i32
        %add3A_231 = arith.constant 4 : i32
        %add3A_232 = arith.addi %add3A_230, %add3A_231 : i32
        %mul3A_233 = arith.constant 128 : i32
        %mul3A_234 = arith.muli %add3A_232, %mul3A_233 : i32
        %multiple_of3A_235 = tpu.assume_multiple %mul3A_234, 128 : i32
        %dma_start3A_236 = tpu.memref_slice %arg4[%multiple_of3A_235] : memref<320000xi32, #tpu.memory_space<hbm>> -> memref<128xi32, #tpu.memory_space<hbm>>
        %dma_start3A_237 = tpu.memref_slice %arg4[%multiple_of3A_235] : memref<320000xi32, #tpu.memory_space<hbm>> -> memref<128xi32, #tpu.memory_space<hbm>>
        tpu.enqueue_dma source(%dma_start3A_237 : memref<128xi32, #tpu.memory_space<hbm>>) target(%arg11 : memref<128xi32, #tpu.memory_space<vmem>>) target_semaphore(%arg27 : memref<!tpu.dma_semaphore, #tpu.memory_space<semaphore_mem>>)
        %dma_start3A_238 = tpu.memref_slice %arg5[%multiple_of3A_235] : memref<320000xi32, #tpu.memory_space<hbm>> -> memref<128xi32, #tpu.memory_space<hbm>>
        %dma_start3A_239 = tpu.memref_slice %arg5[%multiple_of3A_235] : memref<320000xi32, #tpu.memory_space<hbm>> -> memref<128xi32, #tpu.memory_space<hbm>>
        tpu.enqueue_dma source(%dma_start3A_239 : memref<128xi32, #tpu.memory_space<hbm>>) target(%arg17 : memref<128xi32, #tpu.memory_space<vmem>>) target_semaphore(%arg27 : memref<!tpu.dma_semaphore, #tpu.memory_space<semaphore_mem>>)
      } else {
      }
      %mul3A_110 = arith.constant 6 : i32
      %mul3A_111 = arith.muli %scan3A_85, %mul3A_110 : i32
      %add3A_112 = arith.constant 1 : i32
      %add3A_113 = arith.addi %mul3A_111, %add3A_112 : i32
      %add3A_114 = arith.constant 1 : i32
      %add3A_115 = arith.addi %add3A_113, %add3A_114 : i32
      %lt3A_116 = arith.constant 78 : i32
      %lt3A_117 = arith.cmpi slt, %add3A_115, %lt3A_116 : i32
      %convert_element_type3A_118 = arith.extui %lt3A_117 : i1 to i32
      %cond3A_119 = arith.constant 0 : i32
      %cond3A_120 = arith.cmpi ne, %convert_element_type3A_118, %cond3A_119 : i32
      scf.if %cond3A_120 {
        %ge3A = arith.constant 2 : i32
        %ge3A_230 = arith.cmpi sge, %add3A_113, %ge3A : i32
        %convert_element_type3A_231 = arith.extui %ge3A_230 : i1 to i32
        %cond3A_232 = arith.constant 0 : i32
        %cond3A_233 = arith.cmpi ne, %convert_element_type3A_231, %cond3A_232 : i32
        scf.if %cond3A_233 {
          %dma_wait3A_247 = arith.constant 0 : i32
          %dma_wait3A_248 = arith.constant 0 : i32
          %dma_wait3A_249 = tpu.memref_slice %arg22[%dma_wait3A_247, %dma_wait3A_248] : memref<10000x128xf32, #tpu.memory_space<vmem_shared>> -> memref<10000x128xf32, #tpu.memory_space<vmem_shared>>
          tpu.wait_indirect_dma semaphore(%arg34 : memref<!tpu.dma_semaphore, #tpu.memory_space<semaphore_mem>>) src(%arg21 : memref<128x128xf32, #tpu.memory_space<vmem>>) dst(%dma_wait3A_249 : memref<10000x128xf32, #tpu.memory_space<vmem_shared>>)
        } else {
        }
        %add3A_234 = arith.addi %mul3A_4, %add3A_113 : i32
        %add3A_235 = arith.constant 1 : i32
        %add3A_236 = arith.addi %add3A_234, %add3A_235 : i32
        %mul3A_237 = arith.constant 128 : i32
        %mul3A_238 = arith.muli %add3A_236, %mul3A_237 : i32
        %multiple_of3A_239 = tpu.assume_multiple %mul3A_238, 128 : i32
        %dma_wait3A_240 = tpu.memref_slice %arg4[%multiple_of3A_239] : memref<320000xi32, #tpu.memory_space<hbm>> -> memref<128xi32, #tpu.memory_space<hbm>>
        %dma_wait3A_241 = tpu.memref_slice %arg4[%multiple_of3A_239] : memref<320000xi32, #tpu.memory_space<hbm>> -> memref<128xi32, #tpu.memory_space<hbm>>
        tpu.wait_dma2 semaphore(%arg25 : memref<!tpu.dma_semaphore, #tpu.memory_space<semaphore_mem>>) src(%dma_wait3A_241 : memref<128xi32, #tpu.memory_space<hbm>>) dst(%arg9 : memref<128xi32, #tpu.memory_space<vmem>>)
        %dma_wait3A_242 = tpu.memref_slice %arg5[%multiple_of3A_239] : memref<320000xi32, #tpu.memory_space<hbm>> -> memref<128xi32, #tpu.memory_space<hbm>>
        %dma_wait3A_243 = tpu.memref_slice %arg5[%multiple_of3A_239] : memref<320000xi32, #tpu.memory_space<hbm>> -> memref<128xi32, #tpu.memory_space<hbm>>
        tpu.wait_dma2 semaphore(%arg25 : memref<!tpu.dma_semaphore, #tpu.memory_space<semaphore_mem>>) src(%dma_wait3A_243 : memref<128xi32, #tpu.memory_space<hbm>>) dst(%arg15 : memref<128xi32, #tpu.memory_space<vmem>>)
        %dma_start3A_244 = arith.constant 0 : i32
        %dma_start3A_245 = arith.constant 0 : i32
        %dma_start3A_246 = tpu.memref_slice %arg2[%dma_start3A_244, %dma_start3A_245] : memref<10000x128xf32, #tpu.memory_space<hbm>> -> memref<10000x128xf32, #tpu.memory_space<hbm>>
        tpu.enqueue_indirect_dma source(%dma_start3A_246 : memref<10000x128xf32, #tpu.memory_space<hbm>>) target(%arg21 : memref<128x128xf32, #tpu.memory_space<vmem>>) offsets(%arg9 : memref<128xi32, #tpu.memory_space<vmem>>) semaphore(%arg31 : memref<!tpu.dma_semaphore, #tpu.memory_space<semaphore_mem>>)
      } else {
      }
      %dma_wait3A_121 = arith.constant 0 : i32
      %dma_wait3A_122 = arith.constant 0 : i32
      %dma_wait3A_123 = tpu.memref_slice %arg2[%dma_wait3A_121, %dma_wait3A_122] : memref<10000x128xf32, #tpu.memory_space<hbm>> -> memref<10000x128xf32, #tpu.memory_space<hbm>>
      tpu.wait_indirect_dma semaphore(%arg30 : memref<!tpu.dma_semaphore, #tpu.memory_space<semaphore_mem>>) src(%dma_wait3A_123 : memref<10000x128xf32, #tpu.memory_space<hbm>>) dst(%arg20 : memref<128x128xf32, #tpu.memory_space<vmem>>)
      %dma_start3A_124 = arith.constant 0 : i32
      %dma_start3A_125 = arith.constant 0 : i32
      %dma_start3A_126 = tpu.memref_slice %arg22[%dma_start3A_124, %dma_start3A_125] : memref<10000x128xf32, #tpu.memory_space<vmem_shared>> -> memref<10000x128xf32, #tpu.memory_space<vmem_shared>>
      tpu.enqueue_indirect_dma source(%arg20 : memref<128x128xf32, #tpu.memory_space<vmem>>) target(%dma_start3A_126 : memref<10000x128xf32, #tpu.memory_space<vmem_shared>>) offsets(%arg14 : memref<128xi32, #tpu.memory_space<vmem>>) semaphore(%arg33 : memref<!tpu.dma_semaphore, #tpu.memory_space<semaphore_mem>>) {add = true}
      %add3A_127 = arith.constant 4 : i32
      %add3A_128 = arith.addi %add3A_113, %add3A_127 : i32
      %lt3A_129 = arith.constant 78 : i32
      %lt3A_130 = arith.cmpi slt, %add3A_128, %lt3A_129 : i32
      %convert_element_type3A_131 = arith.extui %lt3A_130 : i1 to i32
      %cond3A_132 = arith.constant 0 : i32
      %cond3A_133 = arith.cmpi ne, %convert_element_type3A_131, %cond3A_132 : i32
      scf.if %cond3A_133 {
        %add3A_230 = arith.addi %mul3A_4, %add3A_113 : i32
        %add3A_231 = arith.constant 4 : i32
        %add3A_232 = arith.addi %add3A_230, %add3A_231 : i32
        %mul3A_233 = arith.constant 128 : i32
        %mul3A_234 = arith.muli %add3A_232, %mul3A_233 : i32
        %multiple_of3A_235 = tpu.assume_multiple %mul3A_234, 128 : i32
        %dma_start3A_236 = tpu.memref_slice %arg4[%multiple_of3A_235] : memref<320000xi32, #tpu.memory_space<hbm>> -> memref<128xi32, #tpu.memory_space<hbm>>
        %dma_start3A_237 = tpu.memref_slice %arg4[%multiple_of3A_235] : memref<320000xi32, #tpu.memory_space<hbm>> -> memref<128xi32, #tpu.memory_space<hbm>>
        tpu.enqueue_dma source(%dma_start3A_237 : memref<128xi32, #tpu.memory_space<hbm>>) target(%arg12 : memref<128xi32, #tpu.memory_space<vmem>>) target_semaphore(%arg28 : memref<!tpu.dma_semaphore, #tpu.memory_space<semaphore_mem>>)
        %dma_start3A_238 = tpu.memref_slice %arg5[%multiple_of3A_235] : memref<320000xi32, #tpu.memory_space<hbm>> -> memref<128xi32, #tpu.memory_space<hbm>>
        %dma_start3A_239 = tpu.memref_slice %arg5[%multiple_of3A_235] : memref<320000xi32, #tpu.memory_space<hbm>> -> memref<128xi32, #tpu.memory_space<hbm>>
        tpu.enqueue_dma source(%dma_start3A_239 : memref<128xi32, #tpu.memory_space<hbm>>) target(%arg18 : memref<128xi32, #tpu.memory_space<vmem>>) target_semaphore(%arg28 : memref<!tpu.dma_semaphore, #tpu.memory_space<semaphore_mem>>)
      } else {
      }
      %mul3A_134 = arith.constant 6 : i32
      %mul3A_135 = arith.muli %scan3A_85, %mul3A_134 : i32
      %add3A_136 = arith.constant 2 : i32
      %add3A_137 = arith.addi %mul3A_135, %add3A_136 : i32
      %add3A_138 = arith.constant 1 : i32
      %add3A_139 = arith.addi %add3A_137, %add3A_138 : i32
      %lt3A_140 = arith.constant 78 : i32
      %lt3A_141 = arith.cmpi slt, %add3A_139, %lt3A_140 : i32
      %convert_element_type3A_142 = arith.extui %lt3A_141 : i1 to i32
      %cond3A_143 = arith.constant 0 : i32
      %cond3A_144 = arith.cmpi ne, %convert_element_type3A_142, %cond3A_143 : i32
      scf.if %cond3A_144 {
        %ge3A = arith.constant 2 : i32
        %ge3A_230 = arith.cmpi sge, %add3A_137, %ge3A : i32
        %convert_element_type3A_231 = arith.extui %ge3A_230 : i1 to i32
        %cond3A_232 = arith.constant 0 : i32
        %cond3A_233 = arith.cmpi ne, %convert_element_type3A_231, %cond3A_232 : i32
        scf.if %cond3A_233 {
          %dma_wait3A_247 = arith.constant 0 : i32
          %dma_wait3A_248 = arith.constant 0 : i32
          %dma_wait3A_249 = tpu.memref_slice %arg22[%dma_wait3A_247, %dma_wait3A_248] : memref<10000x128xf32, #tpu.memory_space<vmem_shared>> -> memref<10000x128xf32, #tpu.memory_space<vmem_shared>>
          tpu.wait_indirect_dma semaphore(%arg32 : memref<!tpu.dma_semaphore, #tpu.memory_space<semaphore_mem>>) src(%arg19 : memref<128x128xf32, #tpu.memory_space<vmem>>) dst(%dma_wait3A_249 : memref<10000x128xf32, #tpu.memory_space<vmem_shared>>)
        } else {
        }
        %add3A_234 = arith.addi %mul3A_4, %add3A_137 : i32
        %add3A_235 = arith.constant 1 : i32
        %add3A_236 = arith.addi %add3A_234, %add3A_235 : i32
        %mul3A_237 = arith.constant 128 : i32
        %mul3A_238 = arith.muli %add3A_236, %mul3A_237 : i32
        %multiple_of3A_239 = tpu.assume_multiple %mul3A_238, 128 : i32
        %dma_wait3A_240 = tpu.memref_slice %arg4[%multiple_of3A_239] : memref<320000xi32, #tpu.memory_space<hbm>> -> memref<128xi32, #tpu.memory_space<hbm>>
        %dma_wait3A_241 = tpu.memref_slice %arg4[%multiple_of3A_239] : memref<320000xi32, #tpu.memory_space<hbm>> -> memref<128xi32, #tpu.memory_space<hbm>>
        tpu.wait_dma2 semaphore(%arg26 : memref<!tpu.dma_semaphore, #tpu.memory_space<semaphore_mem>>) src(%dma_wait3A_241 : memref<128xi32, #tpu.memory_space<hbm>>) dst(%arg10 : memref<128xi32, #tpu.memory_space<vmem>>)
        %dma_wait3A_242 = tpu.memref_slice %arg5[%multiple_of3A_239] : memref<320000xi32, #tpu.memory_space<hbm>> -> memref<128xi32, #tpu.memory_space<hbm>>
        %dma_wait3A_243 = tpu.memref_slice %arg5[%multiple_of3A_239] : memref<320000xi32, #tpu.memory_space<hbm>> -> memref<128xi32, #tpu.memory_space<hbm>>
        tpu.wait_dma2 semaphore(%arg26 : memref<!tpu.dma_semaphore, #tpu.memory_space<semaphore_mem>>) src(%dma_wait3A_243 : memref<128xi32, #tpu.memory_space<hbm>>) dst(%arg16 : memref<128xi32, #tpu.memory_space<vmem>>)
        %dma_start3A_244 = arith.constant 0 : i32
        %dma_start3A_245 = arith.constant 0 : i32
        %dma_start3A_246 = tpu.memref_slice %arg2[%dma_start3A_244, %dma_start3A_245] : memref<10000x128xf32, #tpu.memory_space<hbm>> -> memref<10000x128xf32, #tpu.memory_space<hbm>>
        tpu.enqueue_indirect_dma source(%dma_start3A_246 : memref<10000x128xf32, #tpu.memory_space<hbm>>) target(%arg19 : memref<128x128xf32, #tpu.memory_space<vmem>>) offsets(%arg10 : memref<128xi32, #tpu.memory_space<vmem>>) semaphore(%arg29 : memref<!tpu.dma_semaphore, #tpu.memory_space<semaphore_mem>>)
      } else {
      }
      %dma_wait3A_145 = arith.constant 0 : i32
      %dma_wait3A_146 = arith.constant 0 : i32
      %dma_wait3A_147 = tpu.memref_slice %arg2[%dma_wait3A_145, %dma_wait3A_146] : memref<10000x128xf32, #tpu.memory_space<hbm>> -> memref<10000x128xf32, #tpu.memory_space<hbm>>
      tpu.wait_indirect_dma semaphore(%arg31 : memref<!tpu.dma_semaphore, #tpu.memory_space<semaphore_mem>>) src(%dma_wait3A_147 : memref<10000x128xf32, #tpu.memory_space<hbm>>) dst(%arg21 : memref<128x128xf32, #tpu.memory_space<vmem>>)
      %dma_start3A_148 = arith.constant 0 : i32
      %dma_start3A_149 = arith.constant 0 : i32
      %dma_start3A_150 = tpu.memref_slice %arg22[%dma_start3A_148, %dma_start3A_149] : memref<10000x128xf32, #tpu.memory_space<vmem_shared>> -> memref<10000x128xf32, #tpu.memory_space<vmem_shared>>
      tpu.enqueue_indirect_dma source(%arg21 : memref<128x128xf32, #tpu.memory_space<vmem>>) target(%dma_start3A_150 : memref<10000x128xf32, #tpu.memory_space<vmem_shared>>) offsets(%arg15 : memref<128xi32, #tpu.memory_space<vmem>>) semaphore(%arg34 : memref<!tpu.dma_semaphore, #tpu.memory_space<semaphore_mem>>) {add = true}
      %add3A_151 = arith.constant 4 : i32
      %add3A_152 = arith.addi %add3A_137, %add3A_151 : i32
      %lt3A_153 = arith.constant 78 : i32
      %lt3A_154 = arith.cmpi slt, %add3A_152, %lt3A_153 : i32
      %convert_element_type3A_155 = arith.extui %lt3A_154 : i1 to i32
      %cond3A_156 = arith.constant 0 : i32
      %cond3A_157 = arith.cmpi ne, %convert_element_type3A_155, %cond3A_156 : i32
      scf.if %cond3A_157 {
        %add3A_230 = arith.addi %mul3A_4, %add3A_137 : i32
        %add3A_231 = arith.constant 4 : i32
        %add3A_232 = arith.addi %add3A_230, %add3A_231 : i32
        %mul3A_233 = arith.constant 128 : i32
        %mul3A_234 = arith.muli %add3A_232, %mul3A_233 : i32
        %multiple_of3A_235 = tpu.assume_multiple %mul3A_234, 128 : i32
        %dma_start3A_236 = tpu.memref_slice %arg4[%multiple_of3A_235] : memref<320000xi32, #tpu.memory_space<hbm>> -> memref<128xi32, #tpu.memory_space<hbm>>
        %dma_start3A_237 = tpu.memref_slice %arg4[%multiple_of3A_235] : memref<320000xi32, #tpu.memory_space<hbm>> -> memref<128xi32, #tpu.memory_space<hbm>>
        tpu.enqueue_dma source(%dma_start3A_237 : memref<128xi32, #tpu.memory_space<hbm>>) target(%arg7 : memref<128xi32, #tpu.memory_space<vmem>>) target_semaphore(%arg23 : memref<!tpu.dma_semaphore, #tpu.memory_space<semaphore_mem>>)
        %dma_start3A_238 = tpu.memref_slice %arg5[%multiple_of3A_235] : memref<320000xi32, #tpu.memory_space<hbm>> -> memref<128xi32, #tpu.memory_space<hbm>>
        %dma_start3A_239 = tpu.memref_slice %arg5[%multiple_of3A_235] : memref<320000xi32, #tpu.memory_space<hbm>> -> memref<128xi32, #tpu.memory_space<hbm>>
        tpu.enqueue_dma source(%dma_start3A_239 : memref<128xi32, #tpu.memory_space<hbm>>) target(%arg13 : memref<128xi32, #tpu.memory_space<vmem>>) target_semaphore(%arg23 : memref<!tpu.dma_semaphore, #tpu.memory_space<semaphore_mem>>)
      } else {
      }
      %mul3A_158 = arith.constant 6 : i32
      %mul3A_159 = arith.muli %scan3A_85, %mul3A_158 : i32
      %add3A_160 = arith.constant 3 : i32
      %add3A_161 = arith.addi %mul3A_159, %add3A_160 : i32
      %add3A_162 = arith.constant 1 : i32
      %add3A_163 = arith.addi %add3A_161, %add3A_162 : i32
      %lt3A_164 = arith.constant 78 : i32
      %lt3A_165 = arith.cmpi slt, %add3A_163, %lt3A_164 : i32
      %convert_element_type3A_166 = arith.extui %lt3A_165 : i1 to i32
      %cond3A_167 = arith.constant 0 : i32
      %cond3A_168 = arith.cmpi ne, %convert_element_type3A_166, %cond3A_167 : i32
      scf.if %cond3A_168 {
        %ge3A = arith.constant 2 : i32
        %ge3A_230 = arith.cmpi sge, %add3A_161, %ge3A : i32
        %convert_element_type3A_231 = arith.extui %ge3A_230 : i1 to i32
        %cond3A_232 = arith.constant 0 : i32
        %cond3A_233 = arith.cmpi ne, %convert_element_type3A_231, %cond3A_232 : i32
        scf.if %cond3A_233 {
          %dma_wait3A_247 = arith.constant 0 : i32
          %dma_wait3A_248 = arith.constant 0 : i32
          %dma_wait3A_249 = tpu.memref_slice %arg22[%dma_wait3A_247, %dma_wait3A_248] : memref<10000x128xf32, #tpu.memory_space<vmem_shared>> -> memref<10000x128xf32, #tpu.memory_space<vmem_shared>>
          tpu.wait_indirect_dma semaphore(%arg33 : memref<!tpu.dma_semaphore, #tpu.memory_space<semaphore_mem>>) src(%arg20 : memref<128x128xf32, #tpu.memory_space<vmem>>) dst(%dma_wait3A_249 : memref<10000x128xf32, #tpu.memory_space<vmem_shared>>)
        } else {
        }
        %add3A_234 = arith.addi %mul3A_4, %add3A_161 : i32
        %add3A_235 = arith.constant 1 : i32
        %add3A_236 = arith.addi %add3A_234, %add3A_235 : i32
        %mul3A_237 = arith.constant 128 : i32
        %mul3A_238 = arith.muli %add3A_236, %mul3A_237 : i32
        %multiple_of3A_239 = tpu.assume_multiple %mul3A_238, 128 : i32
        %dma_wait3A_240 = tpu.memref_slice %arg4[%multiple_of3A_239] : memref<320000xi32, #tpu.memory_space<hbm>> -> memref<128xi32, #tpu.memory_space<hbm>>
        %dma_wait3A_241 = tpu.memref_slice %arg4[%multiple_of3A_239] : memref<320000xi32, #tpu.memory_space<hbm>> -> memref<128xi32, #tpu.memory_space<hbm>>
        tpu.wait_dma2 semaphore(%arg27 : memref<!tpu.dma_semaphore, #tpu.memory_space<semaphore_mem>>) src(%dma_wait3A_241 : memref<128xi32, #tpu.memory_space<hbm>>) dst(%arg11 : memref<128xi32, #tpu.memory_space<vmem>>)
        %dma_wait3A_242 = tpu.memref_slice %arg5[%multiple_of3A_239] : memref<320000xi32, #tpu.memory_space<hbm>> -> memref<128xi32, #tpu.memory_space<hbm>>
        %dma_wait3A_243 = tpu.memref_slice %arg5[%multiple_of3A_239] : memref<320000xi32, #tpu.memory_space<hbm>> -> memref<128xi32, #tpu.memory_space<hbm>>
        tpu.wait_dma2 semaphore(%arg27 : memref<!tpu.dma_semaphore, #tpu.memory_space<semaphore_mem>>) src(%dma_wait3A_243 : memref<128xi32, #tpu.memory_space<hbm>>) dst(%arg17 : memref<128xi32, #tpu.memory_space<vmem>>)
        %dma_start3A_244 = arith.constant 0 : i32
        %dma_start3A_245 = arith.constant 0 : i32
        %dma_start3A_246 = tpu.memref_slice %arg2[%dma_start3A_244, %dma_start3A_245] : memref<10000x128xf32, #tpu.memory_space<hbm>> -> memref<10000x128xf32, #tpu.memory_space<hbm>>
        tpu.enqueue_indirect_dma source(%dma_start3A_246 : memref<10000x128xf32, #tpu.memory_space<hbm>>) target(%arg20 : memref<128x128xf32, #tpu.memory_space<vmem>>) offsets(%arg11 : memref<128xi32, #tpu.memory_space<vmem>>) semaphore(%arg30 : memref<!tpu.dma_semaphore, #tpu.memory_space<semaphore_mem>>)
      } else {
      }
      %dma_wait3A_169 = arith.constant 0 : i32
      %dma_wait3A_170 = arith.constant 0 : i32
      %dma_wait3A_171 = tpu.memref_slice %arg2[%dma_wait3A_169, %dma_wait3A_170] : memref<10000x128xf32, #tpu.memory_space<hbm>> -> memref<10000x128xf32, #tpu.memory_space<hbm>>
      tpu.wait_indirect_dma semaphore(%arg29 : memref<!tpu.dma_semaphore, #tpu.memory_space<semaphore_mem>>) src(%dma_wait3A_171 : memref<10000x128xf32, #tpu.memory_space<hbm>>) dst(%arg19 : memref<128x128xf32, #tpu.memory_space<vmem>>)
      %dma_start3A_172 = arith.constant 0 : i32
      %dma_start3A_173 = arith.constant 0 : i32
      %dma_start3A_174 = tpu.memref_slice %arg22[%dma_start3A_172, %dma_start3A_173] : memref<10000x128xf32, #tpu.memory_space<vmem_shared>> -> memref<10000x128xf32, #tpu.memory_space<vmem_shared>>
      tpu.enqueue_indirect_dma source(%arg19 : memref<128x128xf32, #tpu.memory_space<vmem>>) target(%dma_start3A_174 : memref<10000x128xf32, #tpu.memory_space<vmem_shared>>) offsets(%arg16 : memref<128xi32, #tpu.memory_space<vmem>>) semaphore(%arg32 : memref<!tpu.dma_semaphore, #tpu.memory_space<semaphore_mem>>) {add = true}
      %add3A_175 = arith.constant 4 : i32
      %add3A_176 = arith.addi %add3A_161, %add3A_175 : i32
      %lt3A_177 = arith.constant 78 : i32
      %lt3A_178 = arith.cmpi slt, %add3A_176, %lt3A_177 : i32
      %convert_element_type3A_179 = arith.extui %lt3A_178 : i1 to i32
      %cond3A_180 = arith.constant 0 : i32
      %cond3A_181 = arith.cmpi ne, %convert_element_type3A_179, %cond3A_180 : i32
      scf.if %cond3A_181 {
        %add3A_230 = arith.addi %mul3A_4, %add3A_161 : i32
        %add3A_231 = arith.constant 4 : i32
        %add3A_232 = arith.addi %add3A_230, %add3A_231 : i32
        %mul3A_233 = arith.constant 128 : i32
        %mul3A_234 = arith.muli %add3A_232, %mul3A_233 : i32
        %multiple_of3A_235 = tpu.assume_multiple %mul3A_234, 128 : i32
        %dma_start3A_236 = tpu.memref_slice %arg4[%multiple_of3A_235] : memref<320000xi32, #tpu.memory_space<hbm>> -> memref<128xi32, #tpu.memory_space<hbm>>
        %dma_start3A_237 = tpu.memref_slice %arg4[%multiple_of3A_235] : memref<320000xi32, #tpu.memory_space<hbm>> -> memref<128xi32, #tpu.memory_space<hbm>>
        tpu.enqueue_dma source(%dma_start3A_237 : memref<128xi32, #tpu.memory_space<hbm>>) target(%arg8 : memref<128xi32, #tpu.memory_space<vmem>>) target_semaphore(%arg24 : memref<!tpu.dma_semaphore, #tpu.memory_space<semaphore_mem>>)
        %dma_start3A_238 = tpu.memref_slice %arg5[%multiple_of3A_235] : memref<320000xi32, #tpu.memory_space<hbm>> -> memref<128xi32, #tpu.memory_space<hbm>>
        %dma_start3A_239 = tpu.memref_slice %arg5[%multiple_of3A_235] : memref<320000xi32, #tpu.memory_space<hbm>> -> memref<128xi32, #tpu.memory_space<hbm>>
        tpu.enqueue_dma source(%dma_start3A_239 : memref<128xi32, #tpu.memory_space<hbm>>) target(%arg14 : memref<128xi32, #tpu.memory_space<vmem>>) target_semaphore(%arg24 : memref<!tpu.dma_semaphore, #tpu.memory_space<semaphore_mem>>)
      } else {
      }
      %mul3A_182 = arith.constant 6 : i32
      %mul3A_183 = arith.muli %scan3A_85, %mul3A_182 : i32
      %add3A_184 = arith.constant 4 : i32
      %add3A_185 = arith.addi %mul3A_183, %add3A_184 : i32
      %add3A_186 = arith.constant 1 : i32
      %add3A_187 = arith.addi %add3A_185, %add3A_186 : i32
      %lt3A_188 = arith.constant 78 : i32
      %lt3A_189 = arith.cmpi slt, %add3A_187, %lt3A_188 : i32
      %convert_element_type3A_190 = arith.extui %lt3A_189 : i1 to i32
      %cond3A_191 = arith.constant 0 : i32
      %cond3A_192 = arith.cmpi ne, %convert_element_type3A_190, %cond3A_191 : i32
      scf.if %cond3A_192 {
        %ge3A = arith.constant 2 : i32
        %ge3A_230 = arith.cmpi sge, %add3A_185, %ge3A : i32
        %convert_element_type3A_231 = arith.extui %ge3A_230 : i1 to i32
        %cond3A_232 = arith.constant 0 : i32
        %cond3A_233 = arith.cmpi ne, %convert_element_type3A_231, %cond3A_232 : i32
        scf.if %cond3A_233 {
          %dma_wait3A_247 = arith.constant 0 : i32
          %dma_wait3A_248 = arith.constant 0 : i32
          %dma_wait3A_249 = tpu.memref_slice %arg22[%dma_wait3A_247, %dma_wait3A_248] : memref<10000x128xf32, #tpu.memory_space<vmem_shared>> -> memref<10000x128xf32, #tpu.memory_space<vmem_shared>>
          tpu.wait_indirect_dma semaphore(%arg34 : memref<!tpu.dma_semaphore, #tpu.memory_space<semaphore_mem>>) src(%arg21 : memref<128x128xf32, #tpu.memory_space<vmem>>) dst(%dma_wait3A_249 : memref<10000x128xf32, #tpu.memory_space<vmem_shared>>)
        } else {
        }
        %add3A_234 = arith.addi %mul3A_4, %add3A_185 : i32
        %add3A_235 = arith.constant 1 : i32
        %add3A_236 = arith.addi %add3A_234, %add3A_235 : i32
        %mul3A_237 = arith.constant 128 : i32
        %mul3A_238 = arith.muli %add3A_236, %mul3A_237 : i32
        %multiple_of3A_239 = tpu.assume_multiple %mul3A_238, 128 : i32
        %dma_wait3A_240 = tpu.memref_slice %arg4[%multiple_of3A_239] : memref<320000xi32, #tpu.memory_space<hbm>> -> memref<128xi32, #tpu.memory_space<hbm>>
        %dma_wait3A_241 = tpu.memref_slice %arg4[%multiple_of3A_239] : memref<320000xi32, #tpu.memory_space<hbm>> -> memref<128xi32, #tpu.memory_space<hbm>>
        tpu.wait_dma2 semaphore(%arg28 : memref<!tpu.dma_semaphore, #tpu.memory_space<semaphore_mem>>) src(%dma_wait3A_241 : memref<128xi32, #tpu.memory_space<hbm>>) dst(%arg12 : memref<128xi32, #tpu.memory_space<vmem>>)
        %dma_wait3A_242 = tpu.memref_slice %arg5[%multiple_of3A_239] : memref<320000xi32, #tpu.memory_space<hbm>> -> memref<128xi32, #tpu.memory_space<hbm>>
        %dma_wait3A_243 = tpu.memref_slice %arg5[%multiple_of3A_239] : memref<320000xi32, #tpu.memory_space<hbm>> -> memref<128xi32, #tpu.memory_space<hbm>>
        tpu.wait_dma2 semaphore(%arg28 : memref<!tpu.dma_semaphore, #tpu.memory_space<semaphore_mem>>) src(%dma_wait3A_243 : memref<128xi32, #tpu.memory_space<hbm>>) dst(%arg18 : memref<128xi32, #tpu.memory_space<vmem>>)
        %dma_start3A_244 = arith.constant 0 : i32
        %dma_start3A_245 = arith.constant 0 : i32
        %dma_start3A_246 = tpu.memref_slice %arg2[%dma_start3A_244, %dma_start3A_245] : memref<10000x128xf32, #tpu.memory_space<hbm>> -> memref<10000x128xf32, #tpu.memory_space<hbm>>
        tpu.enqueue_indirect_dma source(%dma_start3A_246 : memref<10000x128xf32, #tpu.memory_space<hbm>>) target(%arg21 : memref<128x128xf32, #tpu.memory_space<vmem>>) offsets(%arg12 : memref<128xi32, #tpu.memory_space<vmem>>) semaphore(%arg31 : memref<!tpu.dma_semaphore, #tpu.memory_space<semaphore_mem>>)
      } else {
      }
      %dma_wait3A_193 = arith.constant 0 : i32
      %dma_wait3A_194 = arith.constant 0 : i32
      %dma_wait3A_195 = tpu.memref_slice %arg2[%dma_wait3A_193, %dma_wait3A_194] : memref<10000x128xf32, #tpu.memory_space<hbm>> -> memref<10000x128xf32, #tpu.memory_space<hbm>>
      tpu.wait_indirect_dma semaphore(%arg30 : memref<!tpu.dma_semaphore, #tpu.memory_space<semaphore_mem>>) src(%dma_wait3A_195 : memref<10000x128xf32, #tpu.memory_space<hbm>>) dst(%arg20 : memref<128x128xf32, #tpu.memory_space<vmem>>)
      %dma_start3A_196 = arith.constant 0 : i32
      %dma_start3A_197 = arith.constant 0 : i32
      %dma_start3A_198 = tpu.memref_slice %arg22[%dma_start3A_196, %dma_start3A_197] : memref<10000x128xf32, #tpu.memory_space<vmem_shared>> -> memref<10000x128xf32, #tpu.memory_space<vmem_shared>>
      tpu.enqueue_indirect_dma source(%arg20 : memref<128x128xf32, #tpu.memory_space<vmem>>) target(%dma_start3A_198 : memref<10000x128xf32, #tpu.memory_space<vmem_shared>>) offsets(%arg17 : memref<128xi32, #tpu.memory_space<vmem>>) semaphore(%arg33 : memref<!tpu.dma_semaphore, #tpu.memory_space<semaphore_mem>>) {add = true}
      %add3A_199 = arith.constant 4 : i32
      %add3A_200 = arith.addi %add3A_185, %add3A_199 : i32
      %lt3A_201 = arith.constant 78 : i32
      %lt3A_202 = arith.cmpi slt, %add3A_200, %lt3A_201 : i32
      %convert_element_type3A_203 = arith.extui %lt3A_202 : i1 to i32
      %cond3A_204 = arith.constant 0 : i32
      %cond3A_205 = arith.cmpi ne, %convert_element_type3A_203, %cond3A_204 : i32
      scf.if %cond3A_205 {
        %add3A_230 = arith.addi %mul3A_4, %add3A_185 : i32
        %add3A_231 = arith.constant 4 : i32
        %add3A_232 = arith.addi %add3A_230, %add3A_231 : i32
        %mul3A_233 = arith.constant 128 : i32
        %mul3A_234 = arith.muli %add3A_232, %mul3A_233 : i32
        %multiple_of3A_235 = tpu.assume_multiple %mul3A_234, 128 : i32
        %dma_start3A_236 = tpu.memref_slice %arg4[%multiple_of3A_235] : memref<320000xi32, #tpu.memory_space<hbm>> -> memref<128xi32, #tpu.memory_space<hbm>>
        %dma_start3A_237 = tpu.memref_slice %arg4[%multiple_of3A_235] : memref<320000xi32, #tpu.memory_space<hbm>> -> memref<128xi32, #tpu.memory_space<hbm>>
        tpu.enqueue_dma source(%dma_start3A_237 : memref<128xi32, #tpu.memory_space<hbm>>) target(%arg9 : memref<128xi32, #tpu.memory_space<vmem>>) target_semaphore(%arg25 : memref<!tpu.dma_semaphore, #tpu.memory_space<semaphore_mem>>)
        %dma_start3A_238 = tpu.memref_slice %arg5[%multiple_of3A_235] : memref<320000xi32, #tpu.memory_space<hbm>> -> memref<128xi32, #tpu.memory_space<hbm>>
        %dma_start3A_239 = tpu.memref_slice %arg5[%multiple_of3A_235] : memref<320000xi32, #tpu.memory_space<hbm>> -> memref<128xi32, #tpu.memory_space<hbm>>
        tpu.enqueue_dma source(%dma_start3A_239 : memref<128xi32, #tpu.memory_space<hbm>>) target(%arg15 : memref<128xi32, #tpu.memory_space<vmem>>) target_semaphore(%arg25 : memref<!tpu.dma_semaphore, #tpu.memory_space<semaphore_mem>>)
      } else {
      }
      %mul3A_206 = arith.constant 6 : i32
      %mul3A_207 = arith.muli %scan3A_85, %mul3A_206 : i32
      %add3A_208 = arith.constant 5 : i32
      %add3A_209 = arith.addi %mul3A_207, %add3A_208 : i32
      %add3A_210 = arith.constant 1 : i32
      %add3A_211 = arith.addi %add3A_209, %add3A_210 : i32
      %lt3A_212 = arith.constant 78 : i32
      %lt3A_213 = arith.cmpi slt, %add3A_211, %lt3A_212 : i32
      %convert_element_type3A_214 = arith.extui %lt3A_213 : i1 to i32
      %cond3A_215 = arith.constant 0 : i32
      %cond3A_216 = arith.cmpi ne, %convert_element_type3A_214, %cond3A_215 : i32
      scf.if %cond3A_216 {
        %ge3A = arith.constant 2 : i32
        %ge3A_230 = arith.cmpi sge, %add3A_209, %ge3A : i32
        %convert_element_type3A_231 = arith.extui %ge3A_230 : i1 to i32
        %cond3A_232 = arith.constant 0 : i32
        %cond3A_233 = arith.cmpi ne, %convert_element_type3A_231, %cond3A_232 : i32
        scf.if %cond3A_233 {
          %dma_wait3A_247 = arith.constant 0 : i32
          %dma_wait3A_248 = arith.constant 0 : i32
          %dma_wait3A_249 = tpu.memref_slice %arg22[%dma_wait3A_247, %dma_wait3A_248] : memref<10000x128xf32, #tpu.memory_space<vmem_shared>> -> memref<10000x128xf32, #tpu.memory_space<vmem_shared>>
          tpu.wait_indirect_dma semaphore(%arg32 : memref<!tpu.dma_semaphore, #tpu.memory_space<semaphore_mem>>) src(%arg19 : memref<128x128xf32, #tpu.memory_space<vmem>>) dst(%dma_wait3A_249 : memref<10000x128xf32, #tpu.memory_space<vmem_shared>>)
        } else {
        }
        %add3A_234 = arith.addi %mul3A_4, %add3A_209 : i32
        %add3A_235 = arith.constant 1 : i32
        %add3A_236 = arith.addi %add3A_234, %add3A_235 : i32
        %mul3A_237 = arith.constant 128 : i32
        %mul3A_238 = arith.muli %add3A_236, %mul3A_237 : i32
        %multiple_of3A_239 = tpu.assume_multiple %mul3A_238, 128 : i32
        %dma_wait3A_240 = tpu.memref_slice %arg4[%multiple_of3A_239] : memref<320000xi32, #tpu.memory_space<hbm>> -> memref<128xi32, #tpu.memory_space<hbm>>
        %dma_wait3A_241 = tpu.memref_slice %arg4[%multiple_of3A_239] : memref<320000xi32, #tpu.memory_space<hbm>> -> memref<128xi32, #tpu.memory_space<hbm>>
        tpu.wait_dma2 semaphore(%arg23 : memref<!tpu.dma_semaphore, #tpu.memory_space<semaphore_mem>>) src(%dma_wait3A_241 : memref<128xi32, #tpu.memory_space<hbm>>) dst(%arg7 : memref<128xi32, #tpu.memory_space<vmem>>)
        %dma_wait3A_242 = tpu.memref_slice %arg5[%multiple_of3A_239] : memref<320000xi32, #tpu.memory_space<hbm>> -> memref<128xi32, #tpu.memory_space<hbm>>
        %dma_wait3A_243 = tpu.memref_slice %arg5[%multiple_of3A_239] : memref<320000xi32, #tpu.memory_space<hbm>> -> memref<128xi32, #tpu.memory_space<hbm>>
        tpu.wait_dma2 semaphore(%arg23 : memref<!tpu.dma_semaphore, #tpu.memory_space<semaphore_mem>>) src(%dma_wait3A_243 : memref<128xi32, #tpu.memory_space<hbm>>) dst(%arg13 : memref<128xi32, #tpu.memory_space<vmem>>)
        %dma_start3A_244 = arith.constant 0 : i32
        %dma_start3A_245 = arith.constant 0 : i32
        %dma_start3A_246 = tpu.memref_slice %arg2[%dma_start3A_244, %dma_start3A_245] : memref<10000x128xf32, #tpu.memory_space<hbm>> -> memref<10000x128xf32, #tpu.memory_space<hbm>>
        tpu.enqueue_indirect_dma source(%dma_start3A_246 : memref<10000x128xf32, #tpu.memory_space<hbm>>) target(%arg19 : memref<128x128xf32, #tpu.memory_space<vmem>>) offsets(%arg7 : memref<128xi32, #tpu.memory_space<vmem>>) semaphore(%arg29 : memref<!tpu.dma_semaphore, #tpu.memory_space<semaphore_mem>>)
      } else {
      }
      %dma_wait3A_217 = arith.constant 0 : i32
      %dma_wait3A_218 = arith.constant 0 : i32
      %dma_wait3A_219 = tpu.memref_slice %arg2[%dma_wait3A_217, %dma_wait3A_218] : memref<10000x128xf32, #tpu.memory_space<hbm>> -> memref<10000x128xf32, #tpu.memory_space<hbm>>
      tpu.wait_indirect_dma semaphore(%arg31 : memref<!tpu.dma_semaphore, #tpu.memory_space<semaphore_mem>>) src(%dma_wait3A_219 : memref<10000x128xf32, #tpu.memory_space<hbm>>) dst(%arg21 : memref<128x128xf32, #tpu.memory_space<vmem>>)
      %dma_start3A_220 = arith.constant 0 : i32
      %dma_start3A_221 = arith.constant 0 : i32
      %dma_start3A_222 = tpu.memref_slice %arg22[%dma_start3A_220, %dma_start3A_221] : memref<10000x128xf32, #tpu.memory_space<vmem_shared>> -> memref<10000x128xf32, #tpu.memory_space<vmem_shared>>
      tpu.enqueue_indirect_dma source(%arg21 : memref<128x128xf32, #tpu.memory_space<vmem>>) target(%dma_start3A_222 : memref<10000x128xf32, #tpu.memory_space<vmem_shared>>) offsets(%arg18 : memref<128xi32, #tpu.memory_space<vmem>>) semaphore(%arg34 : memref<!tpu.dma_semaphore, #tpu.memory_space<semaphore_mem>>) {add = true}
      %add3A_223 = arith.constant 4 : i32
      %add3A_224 = arith.addi %add3A_209, %add3A_223 : i32
      %lt3A_225 = arith.constant 78 : i32
      %lt3A_226 = arith.cmpi slt, %add3A_224, %lt3A_225 : i32
      %convert_element_type3A_227 = arith.extui %lt3A_226 : i1 to i32
      %cond3A_228 = arith.constant 0 : i32
      %cond3A_229 = arith.cmpi ne, %convert_element_type3A_227, %cond3A_228 : i32
      scf.if %cond3A_229 {
        %add3A_230 = arith.addi %mul3A_4, %add3A_209 : i32
        %add3A_231 = arith.constant 4 : i32
        %add3A_232 = arith.addi %add3A_230, %add3A_231 : i32
        %mul3A_233 = arith.constant 128 : i32
        %mul3A_234 = arith.muli %add3A_232, %mul3A_233 : i32
        %multiple_of3A_235 = tpu.assume_multiple %mul3A_234, 128 : i32
        %dma_start3A_236 = tpu.memref_slice %arg4[%multiple_of3A_235] : memref<320000xi32, #tpu.memory_space<hbm>> -> memref<128xi32, #tpu.memory_space<hbm>>
        %dma_start3A_237 = tpu.memref_slice %arg4[%multiple_of3A_235] : memref<320000xi32, #tpu.memory_space<hbm>> -> memref<128xi32, #tpu.memory_space<hbm>>
        tpu.enqueue_dma source(%dma_start3A_237 : memref<128xi32, #tpu.memory_space<hbm>>) target(%arg10 : memref<128xi32, #tpu.memory_space<vmem>>) target_semaphore(%arg26 : memref<!tpu.dma_semaphore, #tpu.memory_space<semaphore_mem>>)
        %dma_start3A_238 = tpu.memref_slice %arg5[%multiple_of3A_235] : memref<320000xi32, #tpu.memory_space<hbm>> -> memref<128xi32, #tpu.memory_space<hbm>>
        %dma_start3A_239 = tpu.memref_slice %arg5[%multiple_of3A_235] : memref<320000xi32, #tpu.memory_space<hbm>> -> memref<128xi32, #tpu.memory_space<hbm>>
        tpu.enqueue_dma source(%dma_start3A_239 : memref<128xi32, #tpu.memory_space<hbm>>) target(%arg16 : memref<128xi32, #tpu.memory_space<vmem>>) target_semaphore(%arg26 : memref<!tpu.dma_semaphore, #tpu.memory_space<semaphore_mem>>)
      } else {
      }
    }
    %scan3A_64 = arith.constant 13 : i32
    %dma_wait3A_65 = arith.constant 0 : i32
    %dma_wait3A_66 = arith.constant 0 : i32
    %dma_wait3A_67 = tpu.memref_slice %arg22[%dma_wait3A_65, %dma_wait3A_66] : memref<10000x128xf32, #tpu.memory_space<vmem_shared>> -> memref<10000x128xf32, #tpu.memory_space<vmem_shared>>
    tpu.wait_indirect_dma semaphore(%arg32 : memref<!tpu.dma_semaphore, #tpu.memory_space<semaphore_mem>>) src(%arg19 : memref<128x128xf32, #tpu.memory_space<vmem>>) dst(%dma_wait3A_67 : memref<10000x128xf32, #tpu.memory_space<vmem_shared>>)
    %dma_wait3A_68 = arith.constant 0 : i32
    %dma_wait3A_69 = arith.constant 0 : i32
    %dma_wait3A_70 = tpu.memref_slice %arg22[%dma_wait3A_68, %dma_wait3A_69] : memref<10000x128xf32, #tpu.memory_space<vmem_shared>> -> memref<10000x128xf32, #tpu.memory_space<vmem_shared>>
    tpu.wait_indirect_dma semaphore(%arg33 : memref<!tpu.dma_semaphore, #tpu.memory_space<semaphore_mem>>) src(%arg20 : memref<128x128xf32, #tpu.memory_space<vmem>>) dst(%dma_wait3A_70 : memref<10000x128xf32, #tpu.memory_space<vmem_shared>>)
    %dma_wait3A_71 = arith.constant 0 : i32
    %dma_wait3A_72 = arith.constant 0 : i32
    %dma_wait3A_73 = tpu.memref_slice %arg22[%dma_wait3A_71, %dma_wait3A_72] : memref<10000x128xf32, #tpu.memory_space<vmem_shared>> -> memref<10000x128xf32, #tpu.memory_space<vmem_shared>>
    tpu.wait_indirect_dma semaphore(%arg34 : memref<!tpu.dma_semaphore, #tpu.memory_space<semaphore_mem>>) src(%arg21 : memref<128x128xf32, #tpu.memory_space<vmem>>) dst(%dma_wait3A_73 : memref<10000x128xf32, #tpu.memory_space<vmem_shared>>)
    %lt3A_74 = arith.constant 4 : i32
    %lt3A_75 = arith.cmpi slt, %add3A, %lt3A_74 : i32
    %convert_element_type3A_76 = arith.extui %lt3A_75 : i1 to i32
    %cond3A_77 = arith.constant 0 : i32
    %cond3A_78 = arith.cmpi ne, %convert_element_type3A_76, %cond3A_77 : i32
    scf.if %cond3A_78 {
      %add3A_85 = arith.constant 2496 : i32
      %add3A_86 = arith.addi %add3A_85, %add3A : i32
      %mul3A_87 = arith.constant 128 : i32
      %mul3A_88 = arith.muli %add3A_86, %mul3A_87 : i32
      %multiple_of3A_89 = tpu.assume_multiple %mul3A_88, 128 : i32
      %dma_wait3A_90 = tpu.memref_slice %arg4[%multiple_of3A_89] : memref<320000xi32, #tpu.memory_space<hbm>> -> memref<128xi32, #tpu.memory_space<hbm>>
      %dma_wait3A_91 = tpu.memref_slice %arg4[%multiple_of3A_89] : memref<320000xi32, #tpu.memory_space<hbm>> -> memref<128xi32, #tpu.memory_space<hbm>>
      tpu.wait_dma2 semaphore(%arg37 : memref<!tpu.dma_semaphore, #tpu.memory_space<semaphore_mem>>) src(%dma_wait3A_91 : memref<128xi32, #tpu.memory_space<hbm>>) dst(%arg35 : memref<128xi32, #tpu.memory_space<vmem>>)
      %dma_wait3A_92 = tpu.memref_slice %arg5[%multiple_of3A_89] : memref<320000xi32, #tpu.memory_space<hbm>> -> memref<128xi32, #tpu.memory_space<hbm>>
      %dma_wait3A_93 = tpu.memref_slice %arg5[%multiple_of3A_89] : memref<320000xi32, #tpu.memory_space<hbm>> -> memref<128xi32, #tpu.memory_space<hbm>>
      tpu.wait_dma2 semaphore(%arg37 : memref<!tpu.dma_semaphore, #tpu.memory_space<semaphore_mem>>) src(%dma_wait3A_93 : memref<128xi32, #tpu.memory_space<hbm>>) dst(%arg36 : memref<128xi32, #tpu.memory_space<vmem>>)
      %dma_start3A_94 = arith.constant 0 : i32
      %dma_start3A_95 = arith.constant 0 : i32
      %dma_start3A_96 = tpu.memref_slice %arg2[%dma_start3A_94, %dma_start3A_95] : memref<10000x128xf32, #tpu.memory_space<hbm>> -> memref<10000x128xf32, #tpu.memory_space<hbm>>
      tpu.enqueue_indirect_dma source(%dma_start3A_96 : memref<10000x128xf32, #tpu.memory_space<hbm>>) target(%arg19 : memref<128x128xf32, #tpu.memory_space<vmem>>) offsets(%arg35 : memref<128xi32, #tpu.memory_space<vmem>>) semaphore(%arg29 : memref<!tpu.dma_semaphore, #tpu.memory_space<semaphore_mem>>)
      %dma_wait3A_97 = arith.constant 0 : i32
      %dma_wait3A_98 = arith.constant 0 : i32
      %dma_wait3A_99 = tpu.memref_slice %arg2[%dma_wait3A_97, %dma_wait3A_98] : memref<10000x128xf32, #tpu.memory_space<hbm>> -> memref<10000x128xf32, #tpu.memory_space<hbm>>
      tpu.wait_indirect_dma semaphore(%arg29 : memref<!tpu.dma_semaphore, #tpu.memory_space<semaphore_mem>>) src(%dma_wait3A_99 : memref<10000x128xf32, #tpu.memory_space<hbm>>) dst(%arg19 : memref<128x128xf32, #tpu.memory_space<vmem>>)
      "tpu.region"() ({
        %run_scoped3A = tpu.sem_alloc : memref<!tpu.dma_semaphore, #tpu.memory_space<semaphore_mem>>
        %dma_start3A_100 = arith.constant 0 : i32
        %dma_start3A_101 = arith.constant 0 : i32
        %dma_start3A_102 = tpu.memref_slice %arg22[%dma_start3A_100, %dma_start3A_101] : memref<10000x128xf32, #tpu.memory_space<vmem_shared>> -> memref<10000x128xf32, #tpu.memory_space<vmem_shared>>
        tpu.enqueue_indirect_dma source(%arg19 : memref<128x128xf32, #tpu.memory_space<vmem>>) target(%dma_start3A_102 : memref<10000x128xf32, #tpu.memory_space<vmem_shared>>) offsets(%arg36 : memref<128xi32, #tpu.memory_space<vmem>>) semaphore(%run_scoped3A : memref<!tpu.dma_semaphore, #tpu.memory_space<semaphore_mem>>) {add = true}
        %dma_wait3A_103 = arith.constant 0 : i32
        %dma_wait3A_104 = arith.constant 0 : i32
        %dma_wait3A_105 = tpu.memref_slice %arg22[%dma_wait3A_103, %dma_wait3A_104] : memref<10000x128xf32, #tpu.memory_space<vmem_shared>> -> memref<10000x128xf32, #tpu.memory_space<vmem_shared>>
        tpu.wait_indirect_dma semaphore(%run_scoped3A : memref<!tpu.dma_semaphore, #tpu.memory_space<semaphore_mem>>) src(%arg19 : memref<128x128xf32, #tpu.memory_space<vmem>>) dst(%dma_wait3A_105 : memref<10000x128xf32, #tpu.memory_space<vmem_shared>>)
        tpu.yield
      }) : () -> ()
    } else {
    }
    %barrier3A_79 = arith.constant 0 : index
    tpu.barrier barrier_id(%barrier3A_79)
    "tpu.region"() ({
      %run_scoped3A = tpu.sem_alloc : memref<!tpu.dma_semaphore, #tpu.memory_space<semaphore_mem>>
      %dma_start3A_85 = arith.constant 0 : i32
      %dma_start3A_86 = tpu.memref_slice %arg6[%arg0, %multiple_of3A, %dma_start3A_85] : memref<2x10000x128xf32, #tpu.memory_space<hbm>> -> memref<1x624x128xf32, #tpu.memory_space<hbm>>
      %dma_start3A_87 = tpu.memref_squeeze %dma_start3A_86 : memref<1x624x128xf32, #tpu.memory_space<hbm>> -> memref<624x128xf32, #tpu.memory_space<hbm>>
      %dma_start3A_88 = arith.constant 0 : i32
      %dma_start3A_89 = tpu.memref_slice %arg22[%multiple_of3A, %dma_start3A_88] : memref<10000x128xf32, #tpu.memory_space<vmem_shared>> -> memref<624x128xf32, #tpu.memory_space<vmem_shared>>
      tpu.enqueue_dma source(%dma_start3A_89 : memref<624x128xf32, #tpu.memory_space<vmem_shared>>) target(%dma_start3A_87 : memref<624x128xf32, #tpu.memory_space<hbm>>) target_semaphore(%run_scoped3A : memref<!tpu.dma_semaphore, #tpu.memory_space<semaphore_mem>>)
      %dma_wait3A_90 = arith.constant 0 : i32
      %dma_wait3A_91 = tpu.memref_slice %arg6[%arg0, %multiple_of3A, %dma_wait3A_90] : memref<2x10000x128xf32, #tpu.memory_space<hbm>> -> memref<1x624x128xf32, #tpu.memory_space<hbm>>
      %dma_wait3A_92 = tpu.memref_squeeze %dma_wait3A_91 : memref<1x624x128xf32, #tpu.memory_space<hbm>> -> memref<624x128xf32, #tpu.memory_space<hbm>>
      %dma_wait3A_93 = arith.constant 0 : i32
      %dma_wait3A_94 = tpu.memref_slice %arg22[%multiple_of3A, %dma_wait3A_93] : memref<10000x128xf32, #tpu.memory_space<vmem_shared>> -> memref<624x128xf32, #tpu.memory_space<vmem_shared>>
      tpu.wait_dma2 semaphore(%run_scoped3A : memref<!tpu.dma_semaphore, #tpu.memory_space<semaphore_mem>>) src(%dma_wait3A_94 : memref<624x128xf32, #tpu.memory_space<vmem_shared>>) dst(%dma_wait3A_92 : memref<624x128xf32, #tpu.memory_space<hbm>>)
      tpu.yield
    }) : () -> ()
    %eq3A_80 = arith.constant 15 : i32
    %eq3A_81 = arith.cmpi eq, %arg1, %eq3A_80 : i32
    %convert_element_type3A_82 = arith.extui %eq3A_81 : i1 to i32
    %cond3A_83 = arith.constant 0 : i32
    %cond3A_84 = arith.cmpi ne, %convert_element_type3A_82, %cond3A_83 : i32
    scf.if %cond3A_84 {
      "tpu.region"() ({
        %run_scoped3A = tpu.sem_alloc : memref<!tpu.dma_semaphore, #tpu.memory_space<semaphore_mem>>
        %dma_start3A_85 = arith.constant 9984 : i32
        %dma_start3A_86 = arith.constant 0 : i32
        %dma_start3A_87 = tpu.memref_slice %arg6[%arg0, %dma_start3A_85, %dma_start3A_86] : memref<2x10000x128xf32, #tpu.memory_space<hbm>> -> memref<1x16x128xf32, #tpu.memory_space<hbm>>
        %dma_start3A_88 = tpu.memref_squeeze %dma_start3A_87 : memref<1x16x128xf32, #tpu.memory_space<hbm>> -> memref<16x128xf32, #tpu.memory_space<hbm>>
        %dma_start3A_89 = arith.constant 9984 : i32
        %dma_start3A_90 = arith.constant 0 : i32
        %dma_start3A_91 = tpu.memref_slice %arg22[%dma_start3A_89, %dma_start3A_90] : memref<10000x128xf32, #tpu.memory_space<vmem_shared>> -> memref<16x128xf32, #tpu.memory_space<vmem_shared>>
        tpu.enqueue_dma source(%dma_start3A_91 : memref<16x128xf32, #tpu.memory_space<vmem_shared>>) target(%dma_start3A_88 : memref<16x128xf32, #tpu.memory_space<hbm>>) target_semaphore(%run_scoped3A : memref<!tpu.dma_semaphore, #tpu.memory_space<semaphore_mem>>)
        %dma_wait3A_92 = arith.constant 9984 : i32
        %dma_wait3A_93 = arith.constant 0 : i32
        %dma_wait3A_94 = tpu.memref_slice %arg6[%arg0, %dma_wait3A_92, %dma_wait3A_93] : memref<2x10000x128xf32, #tpu.memory_space<hbm>> -> memref<1x16x128xf32, #tpu.memory_space<hbm>>
        %dma_wait3A_95 = tpu.memref_squeeze %dma_wait3A_94 : memref<1x16x128xf32, #tpu.memory_space<hbm>> -> memref<16x128xf32, #tpu.memory_space<hbm>>
        %dma_wait3A_96 = arith.constant 9984 : i32
        %dma_wait3A_97 = arith.constant 0 : i32
        %dma_wait3A_98 = tpu.memref_slice %arg22[%dma_wait3A_96, %dma_wait3A_97] : memref<10000x128xf32, #tpu.memory_space<vmem_shared>> -> memref<16x128xf32, #tpu.memory_space<vmem_shared>>
        tpu.wait_dma2 semaphore(%run_scoped3A : memref<!tpu.dma_semaphore, #tpu.memory_space<semaphore_mem>>) src(%dma_wait3A_98 : memref<16x128xf32, #tpu.memory_space<vmem_shared>>) dst(%dma_wait3A_95 : memref<16x128xf32, #tpu.memory_space<hbm>>)
        tpu.yield
      }) : () -> ()
    } else {
    }
    return
  }
}

module attributes {stable_mosaic.version = 14 : i64} {
  func.func @_final_body(%arg0: i32, %arg1: memref<1x2000x128xf32, #tpu.memory_space<vmem>>, %arg2: memref<1x2000x128xf32, #tpu.memory_space<vmem>>, %arg3: memref<1x128xf32, #tpu.memory_space<vmem>>, %arg4: memref<2000x128xf32, #tpu.memory_space<vmem>>) attributes {dimension_semantics = [#tpu.dimension_semantics<arbitrary>], iteration_bounds = array<i64: 5>, scalar_prefetch = 0 : i64, scratch_operands = 0 : i64, tpu.core_type = #tpu.core_type<tc>, window_params = [{transform_indices = @transform_0, window_bounds = array<i64: 1, 2000, 128>}, {transform_indices = @transform_1, window_bounds = array<i64: 1, 2000, 128>}, {pipeline_mode = #tpu.pipeline_mode<synchronous>, transform_indices = @transform_2, window_bounds = array<i64: 1, 128>}, {transform_indices = @transform_3, window_bounds = array<i64: 2000, 128>}]} {
    %get3A = arith.constant 0 : index
    %get3A_0 = arith.constant 0 : index
    %get3A_1 = arith.constant 0 : index
    %get3A_2 = vector.load %arg1[%get3A, %get3A_0, %get3A_1] : memref<1x2000x128xf32, #tpu.memory_space<vmem>>, vector<1x2000x128xf32>
    %get3A_3 = vector.shape_cast %get3A_2 : vector<1x2000x128xf32> to vector<2000x128xf32>
    %get3A_4 = arith.constant 0 : index
    %get3A_5 = arith.constant 0 : index
    %get3A_6 = arith.constant 0 : index
    %get3A_7 = vector.load %arg2[%get3A_4, %get3A_5, %get3A_6] : memref<1x2000x128xf32, #tpu.memory_space<vmem>>, vector<1x2000x128xf32>
    %get3A_8 = vector.shape_cast %get3A_7 : vector<1x2000x128xf32> to vector<2000x128xf32>
    %add3A = arith.addf %get3A_3, %get3A_8 : vector<2000x128xf32>
    %get3A_9 = arith.constant 0 : index
    %get3A_10 = arith.constant 0 : index
    %get3A_11 = vector.load %arg3[%get3A_9, %get3A_10] : memref<1x128xf32, #tpu.memory_space<vmem>>, vector<1x128xf32>
    %add3A_12 = vector.broadcast %get3A_11 : vector<1x128xf32> to vector<2000x128xf32>
    %add3A_13 = arith.addf %add3A, %add3A_12 : vector<2000x128xf32>
    %reduce_max3A = arith.constant dense<0xFF800000> : vector<2000xf32>
    %reduce_max3A_14 = vector.multi_reduction <maximumf>, %add3A_13, %reduce_max3A [1] : vector<2000x128xf32> to vector<2000xf32>
    %broadcast_in_dim3A = vector.shape_cast %reduce_max3A_14 : vector<2000xf32> to vector<2000x1xf32>
    %sub3A = vector.broadcast %broadcast_in_dim3A : vector<2000x1xf32> to vector<2000x128xf32>
    %sub3A_15 = arith.subf %add3A_13, %sub3A : vector<2000x128xf32>
    %exp3A = math.exp %sub3A_15 : vector<2000x128xf32>
    %reduce_sum3A = arith.constant dense<0.000000e+00> : vector<2000xf32>
    %reduce_sum3A_16 = vector.multi_reduction <add>, %exp3A, %reduce_sum3A [1] : vector<2000x128xf32> to vector<2000xf32>
    %broadcast_in_dim3A_17 = vector.shape_cast %reduce_sum3A_16 : vector<2000xf32> to vector<2000x1xf32>
    %log3A = math.log %broadcast_in_dim3A_17 : vector<2000x1xf32>
    %sub3A_18 = vector.broadcast %broadcast_in_dim3A : vector<2000x1xf32> to vector<2000x128xf32>
    %sub3A_19 = arith.subf %add3A_13, %sub3A_18 : vector<2000x128xf32>
    %sub3A_20 = vector.broadcast %log3A : vector<2000x1xf32> to vector<2000x128xf32>
    %sub3A_21 = arith.subf %sub3A_19, %sub3A_20 : vector<2000x128xf32>
    %swap3A = arith.constant 0 : index
    %swap3A_22 = arith.constant 0 : index
    %swap3A_23 = vector.load %arg4[%swap3A, %swap3A_22] : memref<2000x128xf32, #tpu.memory_space<vmem>>, vector<2000x128xf32>
    tpu.vector_store %arg4[%swap3A, %swap3A_22], %sub3A_21 {strides = array<i32>} : memref<2000x128xf32, #tpu.memory_space<vmem>>, vector<2000x128xf32>,
    return
  }
  func.func @transform_0(%arg0: i32) -> (i32, i32, i32) {
    %c0_i32 = arith.constant 0 : i32
    %c0_i32_0 = arith.constant 0 : i32
    %c0_i32_1 = arith.constant 0 : i32
    return %c0_i32, %arg0, %c0_i32_0 : i32, i32, i32
  }
  func.func @transform_1(%arg0: i32) -> (i32, i32, i32) {
    %c1_i32 = arith.constant 1 : i32
    %c0_i32 = arith.constant 0 : i32
    %c0_i32_0 = arith.constant 0 : i32
    return %c1_i32, %arg0, %c0_i32 : i32, i32, i32
  }
  func.func @transform_2(%arg0: i32) -> (i32, i32) {
    %c0_i32 = arith.constant 0 : i32
    %c0_i32_0 = arith.constant 0 : i32
    %c0_i32_1 = arith.constant 0 : i32
    return %c0_i32, %c0_i32_0 : i32, i32
  }
  func.func @transform_3(%arg0: i32) -> (i32, i32) {
    %c0_i32 = arith.constant 0 : i32
    %c0_i32_0 = arith.constant 0 : i32
    return %arg0, %c0_i32 : i32, i32
  }
}

module attributes {stable_mosaic.version = 14 : i64} {
  func.func @_mlp_body(%arg0: i32, %arg1: memref<1x2000x128xf32, #tpu.memory_space<vmem>>, %arg2: memref<1x2000x128xf32, #tpu.memory_space<vmem>>, %arg3: memref<128x256xf32, #tpu.memory_space<vmem>>, %arg4: memref<1x256xf32, #tpu.memory_space<vmem>>, %arg5: memref<256x256xf32, #tpu.memory_space<vmem>>, %arg6: memref<1x256xf32, #tpu.memory_space<vmem>>, %arg7: memref<256x128xf32, #tpu.memory_space<vmem>>, %arg8: memref<2000x128xf32, #tpu.memory_space<vmem>>) attributes {dimension_semantics = [#tpu.dimension_semantics<arbitrary>], iteration_bounds = array<i64: 5>, scalar_prefetch = 0 : i64, scratch_operands = 0 : i64, tpu.core_type = #tpu.core_type<tc>, window_params = [{transform_indices = @transform_0, window_bounds = array<i64: 1, 2000, 128>}, {transform_indices = @transform_1, window_bounds = array<i64: 1, 2000, 128>}, {pipeline_mode = #tpu.pipeline_mode<synchronous>, transform_indices = @transform_2, window_bounds = array<i64: 128, 256>}, {pipeline_mode = #tpu.pipeline_mode<synchronous>, transform_indices = @transform_3, window_bounds = array<i64: 1, 256>}, {pipeline_mode = #tpu.pipeline_mode<synchronous>, transform_indices = @transform_4, window_bounds = array<i64: 256, 256>}, {pipeline_mode = #tpu.pipeline_mode<synchronous>, transform_indices = @transform_5, window_bounds = array<i64: 1, 256>}, {pipeline_mode = #tpu.pipeline_mode<synchronous>, transform_indices = @transform_6, window_bounds = array<i64: 256, 128>}, {transform_indices = @transform_7, window_bounds = array<i64: 2000, 128>}]} {
    %get3A = arith.constant 0 : index
    %get3A_0 = arith.constant 0 : index
    %get3A_1 = arith.constant 0 : index
    %get3A_2 = vector.load %arg1[%get3A, %get3A_0, %get3A_1] : memref<1x2000x128xf32, #tpu.memory_space<vmem>>, vector<1x2000x128xf32>
    %get3A_3 = vector.shape_cast %get3A_2 : vector<1x2000x128xf32> to vector<2000x128xf32>
    %get3A_4 = arith.constant 0 : index
    %get3A_5 = arith.constant 0 : index
    %get3A_6 = arith.constant 0 : index
    %get3A_7 = vector.load %arg2[%get3A_4, %get3A_5, %get3A_6] : memref<1x2000x128xf32, #tpu.memory_space<vmem>>, vector<1x2000x128xf32>
    %get3A_8 = vector.shape_cast %get3A_7 : vector<1x2000x128xf32> to vector<2000x128xf32>
    %add3A = arith.addf %get3A_3, %get3A_8 : vector<2000x128xf32>
    %convert_element_type3A = arith.truncf %add3A : vector<2000x128xf32> to vector<2000x128xbf16>
    %get3A_9 = arith.constant 0 : index
    %get3A_10 = arith.constant 0 : index
    %get3A_11 = vector.load %arg3[%get3A_9, %get3A_10] : memref<128x256xf32, #tpu.memory_space<vmem>>, vector<128x256xf32>
    %convert_element_type3A_12 = arith.truncf %get3A_11 : vector<128x256xf32> to vector<128x256xbf16>
    %dot_general3A = arith.constant dense<0.000000e+00> : vector<2000x256xf32>
    %dot_general3A_13 = tpu.matmul %convert_element_type3A, %convert_element_type3A_12, %dot_general3A {dimension_numbers = #tpu.dot_dimension_numbers<[1], [0], [0], [1], [0, 0, 1, 1], [], []>, transpose_lhs_hint = false} : vector<2000x128xbf16>, vector<128x256xbf16>, vector<2000x256xf32> -> vector<2000x256xf32>
    %get3A_14 = arith.constant 0 : index
    %get3A_15 = arith.constant 0 : index
    %get3A_16 = vector.load %arg4[%get3A_14, %get3A_15] : memref<1x256xf32, #tpu.memory_space<vmem>>, vector<1x256xf32>
    %add3A_17 = vector.broadcast %get3A_16 : vector<1x256xf32> to vector<2000x256xf32>
    %add3A_18 = arith.addf %dot_general3A_13, %add3A_17 : vector<2000x256xf32>
    %max3A = arith.constant 0.000000e+00 : f32
    %max3A_19 = vector.broadcast %max3A : f32 to vector<2000x256xf32>
    %max3A_20 = arith.maximumf %add3A_18, %max3A_19 : vector<2000x256xf32>
    %convert_element_type3A_21 = arith.truncf %max3A_20 : vector<2000x256xf32> to vector<2000x256xbf16>
    %get3A_22 = arith.constant 0 : index
    %get3A_23 = arith.constant 0 : index
    %get3A_24 = vector.load %arg5[%get3A_22, %get3A_23] : memref<256x256xf32, #tpu.memory_space<vmem>>, vector<256x256xf32>
    %convert_element_type3A_25 = arith.truncf %get3A_24 : vector<256x256xf32> to vector<256x256xbf16>
    %dot_general3A_26 = arith.constant dense<0.000000e+00> : vector<2000x256xf32>
    %dot_general3A_27 = tpu.matmul %convert_element_type3A_21, %convert_element_type3A_25, %dot_general3A_26 {dimension_numbers = #tpu.dot_dimension_numbers<[1], [0], [0], [1], [0, 0, 1, 1], [], []>, transpose_lhs_hint = false} : vector<2000x256xbf16>, vector<256x256xbf16>, vector<2000x256xf32> -> vector<2000x256xf32>
    %get3A_28 = arith.constant 0 : index
    %get3A_29 = arith.constant 0 : index
    %get3A_30 = vector.load %arg6[%get3A_28, %get3A_29] : memref<1x256xf32, #tpu.memory_space<vmem>>, vector<1x256xf32>
    %add3A_31 = vector.broadcast %get3A_30 : vector<1x256xf32> to vector<2000x256xf32>
    %add3A_32 = arith.addf %dot_general3A_27, %add3A_31 : vector<2000x256xf32>
    %max3A_33 = arith.constant 0.000000e+00 : f32
    %max3A_34 = vector.broadcast %max3A_33 : f32 to vector<2000x256xf32>
    %max3A_35 = arith.maximumf %add3A_32, %max3A_34 : vector<2000x256xf32>
    %convert_element_type3A_36 = arith.truncf %max3A_35 : vector<2000x256xf32> to vector<2000x256xbf16>
    %get3A_37 = arith.constant 0 : index
    %get3A_38 = arith.constant 0 : index
    %get3A_39 = vector.load %arg7[%get3A_37, %get3A_38] : memref<256x128xf32, #tpu.memory_space<vmem>>, vector<256x128xf32>
    %convert_element_type3A_40 = arith.truncf %get3A_39 : vector<256x128xf32> to vector<256x128xbf16>
    %dot_general3A_41 = arith.constant dense<0.000000e+00> : vector<2000x128xf32>
    %dot_general3A_42 = tpu.matmul %convert_element_type3A_36, %convert_element_type3A_40, %dot_general3A_41 {dimension_numbers = #tpu.dot_dimension_numbers<[1], [0], [0], [1], [0, 0, 1, 1], [], []>, transpose_lhs_hint = false} : vector<2000x256xbf16>, vector<256x128xbf16>, vector<2000x128xf32> -> vector<2000x128xf32>
    %swap3A = arith.constant 0 : index
    %swap3A_43 = arith.constant 0 : index
    %swap3A_44 = vector.load %arg8[%swap3A, %swap3A_43] : memref<2000x128xf32, #tpu.memory_space<vmem>>, vector<2000x128xf32>
    tpu.vector_store %arg8[%swap3A, %swap3A_43], %dot_general3A_42 {strides = array<i32>} : memref<2000x128xf32, #tpu.memory_space<vmem>>, vector<2000x128xf32>,
    return
  }
  func.func @transform_0(%arg0: i32) -> (i32, i32, i32) {
    %c0_i32 = arith.constant 0 : i32
    %c0_i32_0 = arith.constant 0 : i32
    %c0_i32_1 = arith.constant 0 : i32
    return %c0_i32, %arg0, %c0_i32_0 : i32, i32, i32
  }
  func.func @transform_1(%arg0: i32) -> (i32, i32, i32) {
    %c1_i32 = arith.constant 1 : i32
    %c0_i32 = arith.constant 0 : i32
    %c0_i32_0 = arith.constant 0 : i32
    return %c1_i32, %arg0, %c0_i32 : i32, i32, i32
  }
  func.func @transform_2(%arg0: i32) -> (i32, i32) {
    %c0_i32 = arith.constant 0 : i32
    %c0_i32_0 = arith.constant 0 : i32
    %c0_i32_1 = arith.constant 0 : i32
    return %c0_i32, %c0_i32_0 : i32, i32
  }
  func.func @transform_3(%arg0: i32) -> (i32, i32) {
    %c0_i32 = arith.constant 0 : i32
    %c0_i32_0 = arith.constant 0 : i32
    %c0_i32_1 = arith.constant 0 : i32
    return %c0_i32, %c0_i32_0 : i32, i32
  }
  func.func @transform_4(%arg0: i32) -> (i32, i32) {
    %c0_i32 = arith.constant 0 : i32
    %c0_i32_0 = arith.constant 0 : i32
    %c0_i32_1 = arith.constant 0 : i32
    return %c0_i32, %c0_i32_0 : i32, i32
  }
  func.func @transform_5(%arg0: i32) -> (i32, i32) {
    %c0_i32 = arith.constant 0 : i32
    %c0_i32_0 = arith.constant 0 : i32
    %c0_i32_1 = arith.constant 0 : i32
    return %c0_i32, %c0_i32_0 : i32, i32
  }
  func.func @transform_6(%arg0: i32) -> (i32, i32) {
    %c0_i32 = arith.constant 0 : i32
    %c0_i32_0 = arith.constant 0 : i32
    %c0_i32_1 = arith.constant 0 : i32
    return %c0_i32, %c0_i32_0 : i32, i32
  }
  func.func @transform_7(%arg0: i32) -> (i32, i32) {
    %c0_i32 = arith.constant 0 : i32
    %c0_i32_0 = arith.constant 0 : i32
    return %arg0, %c0_i32 : i32, i32
  }
}

</mosaic_0001>

<sc_bundles>
// kernel: kernel.6.cloned.1.call-start
scs
__scs_entry_jumppad:
0x0: {  	(pc) =	sbr.rel $0x88, $3  }
0x1: {  	(tag) =	ssettag $0x0;
	lr =	simm.s32 $0x1  }
0x2: {  	[smem:$0x3F99] =	sst lr;
	_ =	strace $0xD0000000  }
0x3: {  	_ = 	snop  }
0x4: {  	_ = 	snop  }
0x5: {  	_ = 	snop  }
0x6: {  	_ = 	snop  }
0x7: {  	_ = 	snop  }
__scs_overlays_trampoline_lowered:
0x8: {  	[smem:$0x3FA8] =	sst s0  }
0x9: {  	[smem:$0x3FA9] =	sst s1  }
0xa: {  	[smem:$0x3FAA] =	sst s2  }
0xb: {  	[smem:$0x3FAB] =	sst s3  }
0xc: {  	[smem:$0x3FAC] =	sst s4  }
0xd: {  	[smem:$0x3FAD] =	sst s5  }
0xe: {  	[smem:$0x3FAE] =	sst s6  }
0xf: {  	[smem:$0x3FAF] =	sst s7  }
0x10: {  	[smem:$0x3FB0] =	sst s8  }
0x11: {  	[smem:$0x3FB1] =	sst s9;
	s0 =	simm.s32 @!p0 $0x0  }
0x12: {  	s1 =	sld [smem:$0x3F97];
	s0 =	simm.s32 @p0 $0x1  }
0x13: {  	[smem:$0x3FB2] =	sst s0;
	s0 =	simm.s32 @!p1 $0x0  }
0x14: {  	s2 =	sld [smem:$0x3F96];
	s0 =	simm.s32 @p1 $0x1  }
0x15: {  	[smem:$0x3FB3] =	sst s0;
	s0 =	simm.s32 @!p2 $0x0  }
0x16: {  	s3 =	sld [smem:$0x3FDB];
	s0 =	simm.s32 @p2 $0x1  }
0x17: {  	s4 =	simm.s32 $0x1BF5;
	[smem:$0x3FB5] =	sst s0  }
0x18: {  	s0 =	sld [smem:$0x3F98];
	_ =	swait.ge [sflag:s4], $0x0  }
0x19: {  	s7 =	sld [smem:$0x3F99]  }
0x1a: {  	s8 =	sadd.s32 $0xFFFFE003, lr  }
0x1b: {  	s9 =	sadd.s32 $0xFFFFFEF7, lr;
	s5 =	simm.s32 $0xFFFFFFFF;
	p2 =	slt.u32 s8, $0xFFFFF086  }
0x1c: {  	p1 =	slt.u32 s9, $0xF7A;
	s5 =	simm.s32 @!p2 $0x0  }
0x1d: {  	s5 =	simm.s32 @p1 $0x1;
	p0 =	seq.s32 s7, s2  }
0x1e: {  	s7 =	smul.u32 @!p0 $0xF7A, s2;
	p2 =	seq.s32 @!p0 s5, $0x0  }
0x1f: {  	s9 =	smul.u32 $0xF7A, s1;
	s8 =	simm.s32 @!p0 $0x1BF5;
	p2 =	por !p2, p0  }
0x20: {  	[sflag:s8] =	ssyncset.s32 @!p0 $0xFFFFF086;
	s6 =	sadd.s32 @!p0 s3, s7;
	s7 =	simm.s32 @!p0 $0x108  }
0x21: {  	s3 =	sadd.s32 s3, s9;
	s6 =	sadd.s32 @!p0 $0x88, s6;
	s7 =	simm.s32 @p2 $0x1082  }
0x22: {  	[simem:s7], [sflag:s8] =	dma.local @!p0 [hbm:s6], $0xF7A  }
0x23: {  	s9 =	sor.u32 $0xD0000000, s2;
	s6 =	simm.s32 $0x108;
	_ =	swait.ge @!p0 [sflag:s8], $0x0  }
0x24: {  	s3 =	sadd.s32 $0x88, s3;
	s6 =	simm.s32 @!p1 $0x1082;
	[sflag:s4] =	ssyncset.s32 $0xFFFFF086  }
0x25: {  	[simem:s6], [sflag:s4] =	dma.local [hbm:s3], $0xF7A  }
0x26: {  	[smem:$0x3F99] =	sst s1;
	(tag) =	ssettag s2;
	_ =	strace s9  }
0x27: {  	s1 =	sld [smem:$0x3FA9]  }
0x28: {  	s2 =	sld [smem:$0x3FAA]  }
0x29: {  	s4 =	sld [smem:$0x3FAC]  }
0x2a: {  	p0 =	seq.s32 s5, $0x0;
	s5 =	sld [smem:$0x3FAD]  }
0x2b: {  	s6 =	sld [smem:$0x3FAE]  }
0x2c: {  	s7 =	sld [smem:$0x3FAF]  }
0x2d: {  	s3 =	simm.s32 $0x108;
	s8 =	sld [smem:$0x3FB0]  }
0x2e: {  	s3 =	simm.s32 @!p0 $0x1082;
	s9 =	sld [smem:$0x3FB1]  }
0x2f: {  	lr =	sadd.s32 s0, s3;
	s0 =	sld [smem:$0x3FA8]  }
0x30: {  	s3 =	sld [smem:$0x3FAB]  }
0x31: {  	[smem:$0x3FB4] =	sst s10  }
0x32: {  	s10 =	sld [smem:$0x3FB2];
	_ =	sdelay $0x3  }
0x33: {  	p0 =	seq.s32 s10, $0x1;
	s10 =	sld [smem:$0x3FB4];
	_ =	sdelay $0x3  }
0x34: {  	[smem:$0x3FB4] =	sst s10  }
0x35: {  	s10 =	sld [smem:$0x3FB3];
	_ =	sdelay $0x3  }
0x36: {  	p1 =	seq.s32 s10, $0x1;
	s10 =	sld [smem:$0x3FB4];
	_ =	sdelay $0x3  }
0x37: {  	[smem:$0x3FB4] =	sst s10  }
0x38: {  	s10 =	sld [smem:$0x3FB5]  }
0x39: {  	_ = 	snop;
	(pc) =	sbr.ind lr, $3  }
0x3a: {  	_ = 	snop  }
0x3b: {  	_ = 	snop  }
0x3c: {  	p2 =	seq.s32 s10, $0x1;
	s10 =	sld [smem:$0x3FB4]  }
0x3d: {  	_ =	shalt  }
0x3e: {  	_ =	shalt  }
0x3f: {  	_ =	shalt  }
0x40: {  	_ =	shalt  }
0x41: {  	_ =	shalt  }
0x42: {  	_ =	shalt  }
0x43: {  	_ =	shalt  }
0x44: {  	_ =	shalt  }
0x45: {  	_ =	shalt  }
0x46: {  	_ =	shalt  }
0x47: {  	_ =	shalt  }
0x48: {  	_ =	shalt  }
0x49: {  	_ =	shalt  }
0x4a: {  	_ =	shalt  }
0x4b: {  	_ =	shalt  }
0x4c: {  	_ =	shalt  }
0x4d: {  	_ =	shalt  }
0x4e: {  	_ =	shalt  }
0x4f: {  	_ =	shalt  }
0x50: {  	_ =	shalt  }
0x51: {  	_ =	shalt  }
0x52: {  	_ =	shalt  }
0x53: {  	_ =	shalt  }
0x54: {  	_ =	shalt  }
0x55: {  	_ =	shalt  }
0x56: {  	_ =	shalt  }
0x57: {  	_ =	shalt  }
0x58: {  	_ =	shalt  }
0x59: {  	_ =	shalt  }
0x5a: {  	_ =	shalt  }
0x5b: {  	_ =	shalt  }
0x5c: {  	_ =	shalt  }
0x5d: {  	_ =	shalt  }
0x5e: {  	_ =	shalt  }
0x5f: {  	_ =	shalt  }
0x60: {  	_ =	shalt  }
0x61: {  	_ =	shalt  }
0x62: {  	_ =	shalt  }
0x63: {  	_ =	shalt  }
0x64: {  	_ =	shalt  }
0x65: {  	_ =	shalt  }
0x66: {  	_ =	shalt  }
0x67: {  	_ =	shalt  }
0x68: {  	_ =	shalt  }
0x69: {  	_ =	shalt  }
0x6a: {  	_ =	shalt  }
0x6b: {  	_ =	shalt  }
0x6c: {  	_ =	shalt  }
0x6d: {  	_ =	shalt  }
0x6e: {  	_ =	shalt  }
0x6f: {  	_ =	shalt  }
0x70: {  	_ =	shalt  }
0x71: {  	_ =	shalt  }
0x72: {  	_ =	shalt  }
0x73: {  	_ =	shalt  }
0x74: {  	_ =	shalt  }
0x75: {  	_ =	shalt  }
0x76: {  	_ =	shalt  }
0x77: {  	_ =	shalt  }
0x78: {  	_ =	shalt  }
0x79: {  	_ =	shalt  }
0x7a: {  	_ =	shalt  }
0x7b: {  	_ =	shalt  }
0x7c: {  	_ =	shalt  }
0x7d: {  	_ =	shalt  }
0x7e: {  	_ =	shalt  }
0x7f: {  	_ =	shalt  }
0x80: {  	_ =	shalt  }
0x81: {  	_ =	shalt  }
0x82: {  	_ =	shalt  }
0x83: {  	_ =	shalt  }
0x84: {  	_ =	shalt  }
0x85: {  	_ =	shalt  }
0x86: {  	_ =	shalt  }
0x87: {  	_ =	shalt  }
.Lfunc_end0:
.L_simem_size_0:
called_computation_lowered:
.L_overlay_start_0:
0x88: {  	s2 =	sld [smem:$0x3FD9]  }
0x89: {  	s3 =	sld [smem:$0x3FFE];
	_ =	sdelay $0x1  }
0x8a: {  	s1 =	srdreg.scid  }
0x8b: {  	s0 =	sand.u32 $0x1, s1  }
0x8c: {  	s17 =	sshll.u32 s0, $0xA;
	s2 =	sadd.s32 s3, s2  }
0x8d: {  	s2 =	sadd.s32 s2, s17  }
0x8e: {  	[smem:$0x3FC0] =	sst s2  }
0x8f: {  	_ = 	snop  }
0x90: {  	s2 =	sld [smem:$0x3FC9]  }
0x91: {  	s18 =	sld [smem:$0x3FD0];
	(tm) =	ssettm $0x1  }
0x92: {  	s4 =	sld [smem:$0x3FFB];
	_ =	sdelay $0x3  }
0x93: {  	_ =	strace s4  }
0x94: {  	s4 =	sld [smem:$0x3FFC];
	_ =	sdelay $0x3  }
0x95: {  	_ =	strace s4  }
0x96: {  	s4 =	sld [smem:$0x3FFD];
	_ =	sdelay $0x3  }
0x97: {  	_ =	strace s4  }
0x98: {  	_ =	strace $0x8FFFFFFF  }
0x99: {  	s19 =	sld [smem:$0x3FDB];
	_ =	sdelay $0x1  }
0x9a: {  	s5 =	simm.s32 $_scs_section_size  }
0x9b: {  	s6 =	simm.s32 $_size__tile_overlayer_lowered;
	s7 =	simm.s32 $_tile_overlayer_lowered  }
0x9c: {  	s22 =	simm.s32 $0x1BFF;
	s21 =	sshll.u32 s7, $0x1;
	s4 =	sadd.s32 s5, s19  }
0x9d: {  	s8 =	simm.s32 $0x0;
	s20 =	sshll.u32 s6, $0x1;
	s6 =	sadd.s32 s21, s4  }
0x9e: {  	[timem:s8], [sflag:s22] =	dma.local [hbm:s6], s20  }
0x9f: {  	_ =	swait.ge [sflag:s22], s20  }
0xa0: {  	s5 =	ssub.s32 $0x0, s20;
	[sflag:s22] =	ssyncset.done $0x0  }
0xa1: {  	[sflag:s22] =	ssyncadd.s32 s5;
	_ =	sdelay $0x1  }
0xa2: {  	s23 =	simm.s32 $0x1B8B  }
0xa3: {  	_ =	swait.ge [sflag:s23], $0x1  }
0xa4: {  	[sflag:s23] =	ssyncset.done $0x0  }
0xa5: {  	s25 =	simm.s32 $0x1B8E;
	s24 =	sld [smem:$0x3FFE];
	[sflag:s23] =	ssyncadd.s32 $0xFFFFFFFF  }
0xa6: {  	s26 =	simm.s32 $execute0_lowered;
	[smem:$0x3FD2] =	sst s25  }
0xa7: {  	s6 =	sshll.u32 s26, $0x1;
	_ =	strace $0x80000046;
	[dreg:$0x1] =	wrdreg $0xFFFFFFFF  }
0xa8: {  	s28 =	simm.s32 $_size_execute0_lowered;
	s4 =	sadd.s32 s4, s6;
	[dreg:$0x0] =	wrdreg $0x0  }
0xa9: {  	s6 =	sshll.u32 s28, $0x1;
	[dreg:$0x2] =	wrdreg s4  }
0xaa: {  	[dreg:$0x3] =	wrdreg s6  }
0xab: {  	[dreg:$0x4] =	wrdreg $0xC0  }
0xac: {  	_ =	task [dreg:s8], $0x5FFFF  }
0xad: {  	[dreg:$0x1] =	wrdreg $0xFFFFFFFF  }
0xae: {  	[dreg:$0x0] =	wrdreg $0x60  }
0xaf: {  	[dreg:$0x2] =	wrdreg s2  }
0xb0: {  	[dreg:$0x3] =	wrdreg s18  }
0xb1: {  	[dreg:$0x4] =	wrdreg s24  }
0xb2: {  	[dreg:$0x5] =	wrdreg $0xC6000  }
0xb3: {  	[dreg:$0x6] =	wrdreg $0x9  }
0xb4: {  	_ =	task.clear_ibuf [dreg:s8], $0x7FFFF;
	_ =	strace $0x90000046  }
0xb5: {  	s29 =	simm.s32 $0x9;
	_ =	strace $0x80000048  }
0xb6: {  	_ =	swait.ge [sflag:s29], $0x1  }
0xb7: {  	[sflag:s29] =	ssyncadd.s32 $0xFFFFFFFF  }
0xb8: {  	_ =	strace $0x90000048  }
0xb9: {  	_ =	sfence  }
0xba: {  	s30 =	sld [smem:$0x0];
	_ =	sdelay $0x2  }
0xbb: {  	s31 =	sshll.u32 s1, $0xD;
	s1 =	sshrl.u32 s1, $0x2  }
0xbc: {  	s3 =	sand.u32 $0x4000, s31;
	s1 =	sadd.s32 s1, s30  }
0xbd: {  	s0 =	sor.u32 s3, s0;
	s1 =	sshll.u32 s1, $0x11  }
0xbe: {  	s0 =	sor.u32 s1, s0  }
0xbf: {  	s0 =	sadd.s32 $0x8F2B, s0  }
0xc0: {  	[sflag:s0] =	ssyncadd.remote.s32 $0x1  }
0xc1: {  	_ =	sfence.sel $0xFFFF  }
0xc2: {  	[dreg:$0x0] =	wrdreg $0xFFFFFFFF;
	(pc) =	sbr.abs _section_cstart, $3  }
0xc3: {  	[dreg:$0x1] =	wrdreg $0xFFFFFFFF  }
0xc4: {  	_ =	task.clear_ibuf [dreg:s8], $0x2FFFF;
	_ =	strace $0x9FFFFFFF  }
0xc5: {  	(tm) =	ssettm $0x7FFFFFFF  }
tec
execute0_lowered:
.L_overlay_start_1:
0x0: {  	(tag) =	ssettag $0x1  }
0x1: {  	s1 =	rddreg [dreg:$0x0]  }
0x2: {  	s14 =	rddreg [dreg:$0x1]  }
0x3: {  	s0 =	rddreg [dreg:$0x2]  }
0x4: {  	s3 =	rddreg [dreg:$0x3]  }
0x5: {  	s2 =	srdreg.scid;
	s15 =	stileid.u32  }
0x6: {  	s5 =	simm.s32 $0x0;
	s31 =	simm.s32 $0x580;
	s20 =	smul.u32 $0x4E000, s15  }
0x7: {  	s2 =	sand.u32 $0x1, s2;
	[smem:$0x7FF] =	sst s5;
	s22 =	smul.u32 $0x13800, s15  }
0x8: {  	s6 =	sadd.s32 $0xB000, s0;
	s9 =	sadd.s32 $0x1200, s0;
	s24 =	smul.u32 $0x2700, s15  }
0x9: {  	s0 =	sadd.s32 $0x14E00, s0;
	s21 =	sshll.u32 s15, $0x4;
	s25 =	smul.u32 $0x4E0, s15  }
0xa: {  	s28 =	sadd.s32 $0x138000, s3;
	p2 =	sne.s32 s15, $0xF;
	p3 =	seq.s32 s15, $0xF  }
0xb: {  	s4 =	sshll.u32 s2, $0x4;
	_ =	strace $0x80000047;
	s7 =	ssub.s32 $0x2, s2  }
0xc: {  	p0 =	seq.s32 s2, $0x1;
	[dreg:$0x12] =	wrdreg s28;
	s4 =	sor.u32 s15, s4  }
0xd: {  	s10 =	sshrl.u32 s7, $0x1;
	s26 =	sadd.s32 s1, s24;
	s29 =	sadd.s32 s14, s24  }
0xe: {  	s14 =	simm.s32 $0x180;
	s15 =	simm.s32 $0xA;
	s8 =	smul.u32 $0x4E0, s4  }
0xf: {  	s24 =	simm.s32 $0x5;
	s11 =	smul.u32 $0x2700, s4;
	[dreg:$0x11] =	wrdreg s26  }
0x10: {  	s7 =	ssub.s32 s7, s10;
	[dreg:$0x13] =	wrdreg s29;
	p1 =	sgt.u32 s4, $0x3  }
0x11: {  	s26 =	simm.s32 $0x80;
	s4 =	simm.s32 $0x2;
	s30 =	smax.u32 s7, $0x1  }
0x12: {  	s7 =	simm.s32 $0x7;
	s12 =	sadd.s32 s6, s8;
	s13 =	sadd.s32 s9, s8  }
0x13: {  	s8 =	sor.u32 $0x10, s8;
	s16 =	sshrl.u32 s11, $0x3;
	[dreg:$0x15] =	wrdreg s30  }
0x14: {  	s11 =	sor.u32 $0x9C00, s21;
	s21 =	simm.s32 $0x480;
	[dreg:$0x5] =	wrdreg s12  }
0x15: {  	[dreg:$0x6] =	wrdreg s13;
	s17 =	sadd.s32 s6, s8;
	s8 =	sadd.s32 s9, s8  }
0x16: {  	s18 =	sadd.s32 $0x20, s16;
	s10 =	sadd.s32 $0x30, s16;
	[dreg:$0x7] =	wrdreg s17  }
0x17: {  	s12 =	smul.u32 $0x138800, s2;
	s23 =	sadd.s32 s6, s11;
	[dreg:$0x8] =	wrdreg s8  }
0x18: {  	s2 =	smul.u32 $0x4E00, s2;
	s11 =	sadd.s32 s9, s11;
	[dreg:$0xd] =	wrdreg s23  }
0x19: {  	s16 =	simm.s32 $0x4;
	s19 =	sadd.s32 s6, s18;
	[dreg:$0xf] =	wrdreg s11  }
0x1a: {  	s8 =	sadd.s32 s9, s18;
	s13 =	sadd.s32 s6, s10;
	[dreg:$0x9] =	wrdreg s19  }
0x1b: {  	s10 =	sadd.s32 s9, s10;
	s23 =	simm.s32 $0xE;
	[dreg:$0xa] =	wrdreg s8  }
0x1c: {  	s18 =	simm.s32 $0x1;
	s11 =	simm.s32 $0x8600;
	[dreg:$0xb] =	wrdreg s13  }
0x1d: {  	s17 =	simm.s32 $0x9;
	[dreg:$0xc] =	wrdreg s10;
	s8 =	sshrl.u32 s20, $0x2  }
0x1e: {  	s13 =	sadd.s32 s22, s12;
	s12 =	sshrl.u32 s12, $0x3;
	s6 =	sadd.s32 s2, s6  }
0x1f: {  	s2 =	sadd.s32 s2, s9;
	s9 =	simm.s32 $0x100;
	s10 =	simm.s32 $0x3  }
0x20: {  	s19 =	simm.s32 $0x0;
	s13 =	sshrl.u32 s13, $0x3;
	s8 =	sadd.s32 s8, s3  }
.Ltmp0:
0x21: {  	s6 =	sadd.s32 s25, s6;
	[dreg:$0x10] =	wrdreg s8;
	(pc) =	sbr.rel .LBB2_1-.Ltmp0, $4  }
0x22: {  	s2 =	sadd.s32 s25, s2;
	s13 =	sadd.s32 s0, s13;
	[dreg:$0x16] =	wrdreg s6  }
0x23: {  	s0 =	sadd.s32 s0, s12;
	[dreg:$0x17] =	wrdreg s2;
	s6 =	simm.s32 $0x4600  }
0x24: {  	s12 =	simm.s32 $0x8;
	[dreg:$0xe] =	wrdreg s13;
	s0 =	sadd.s32 $0x27000, s0  }
0x25: {  	s2 =	simm.s32 $0x6;
	s13 =	simm.s32 $0x400;
	[dreg:$0x14] =	wrdreg s0  }
.LBB2_8:
0x26: {  	_ =	swait.ge [sflag:s17], $0x4000  }
0x27: {  	[sflag:s17] =	ssyncset.done $0x0  }
0x28: {  	[sflag:s17] =	ssyncadd.s32 $0xFFFFC000  }
0x29: {  	[spmem:s3] =	stream.indirect.scatter.add.f32 [tilespmem:s11], [sflag:$0xC], $0x80, s22, s26, $0xb8;
	[tilespmem:$0x1FF80] =	vst v63  }
0x2a: {  	_ =	swait.ge [sflag:s15], $0x4000  }
0x2b: {  	[sflag:s15] =	ssyncset.done $0x0  }
0x2c: {  	s0 =	simm.s32 $0xB;
	[sflag:s15] =	ssyncadd.s32 $0xFFFFC000  }
0x2d: {  	_ =	swait.ge [sflag:s0], $0x4000  }
0x2e: {  	[sflag:s0] =	ssyncset.done $0x0  }
0x2f: {  	s23 =	simm.s32 $0xC;
	[sflag:s0] =	ssyncadd.s32 $0xFFFFC000  }
0x30: {  	_ =	swait.ge [sflag:s23], $0x4000  }
0x31: {  	[sflag:s23] =	ssyncset.done $0x0  }
0x32: {  	s0 =	simm.s32 @!p1 $0xD;
	[sflag:s23] =	ssyncadd.s32 $0xFFFFC000  }
0x33: {  	_ =	swait.ge @!p1 [sflag:s0], $0x80  }
0x34: {  	[sflag:s0] =	ssyncset.done @!p1 $0x0  }
0x35: {  	[sflag:s0] =	ssyncadd.s32 @!p1 $0xFFFFFF80  }
0x36: {  	_ =	swait.ge @!p1 [sflag:s0], $0x80  }
0x37: {  	s8 =	simm.s32 @!p1 $0x1FE80;
	[sflag:s0] =	ssyncset.done @!p1 $0x0  }
0x38: {  	s9 =	simm.s32 @!p1 $0x600;
	[sflag:s0] =	ssyncadd.s32 @!p1 $0xFFFFFF80;
	s0 =	simm.s32 @!p1 $0x80  }
0x39: {  	[tilespmem:s9], [sflag:$0x7] =	stream.indirect.gather @!p1 [hbm4b:s1+s0], $0x80, s8, s0, $0xb8;
	[tilespmem:$0x1FF80] =	vst v63  }
0x3a: {  	s8 =	simm.s32 @!p1 $0x7  }
0x3b: {  	_ =	swait.ge @!p1 [sflag:s8], $0x4000  }
0x3c: {  	[sflag:s8] =	ssyncset.done @!p1 $0x0  }
0x3d: {  	[sflag:s8] =	ssyncadd.s32 @!p1 $0xFFFFC000;
	s8 =	simm.s32 @!p1 $0x1FF00  }
0x3e: {  	[spmem:s3] =	stream.indirect.scatter.add.f32 @!p1 [tilespmem:s9], [sflag:$0xE], $0x80, s8, s0, $0xb8;
	[tilespmem:$0x1FF80] =	vst v63  }
0x3f: {  	s0 =	simm.s32 @!p1 $0xE  }
0x40: {  	_ =	swait.ge @!p1 [sflag:s0], $0x4000  }
0x41: {  	[sflag:s0] =	ssyncset.done @!p1 $0x0  }
0x42: {  	[sflag:s0] =	ssyncadd.s32 @!p1 $0xFFFFC000  }
0x43: {  	[bflag:$0x0] =	sbarrier.arrive $0xFFFF  }
0x44: {  	s25 =	rddreg [dreg:$0x19]  }
0x45: {  	s28 =	rddreg [dreg:$0xe]  }
0x46: {  	s23 =	simm.s32 $0xE;
	s29 =	rddreg [dreg:$0x1a];
	s0 =	sor.u32 $0x1C0E, s25  }
0x47: {  	[hbm:s28], [sflag:s0] =	dma.local [spmem:s29], $0x2700  }
0x48: {  	_ =	swait.ge [sflag:s23], $0x2700  }
0x49: {  	[sflag:s23] =	ssyncset.done $0x0;
	s8 =	rddreg [dreg:$0x12]  }
0x4a: {  	s9 =	rddreg [dreg:$0x14];
	[sflag:s23] =	ssyncadd.s32 $0xFFFFD900;
	s8 =	sshrl.u32 @!p2 s8, $0x3  }
0x4b: {  	[hbm:s9], [sflag:s0] =	dma.local @!p2 [spmem:s8], $0x100  }
0x4c: {  	s0 =	simm.s32 @!p2 $0xE  }
0x4d: {  	_ =	swait.ge @!p2 [sflag:s0], $0x100  }
0x4e: {  	s19 =	rddreg [dreg:$0x18]  }
0x4f: {  	s30 =	rddreg [dreg:$0x15];
	s19 =	sadd.s32 $0x1, s19  }
0x50: {  	p4 =	sne.s32 s19, s30  }
.Ltmp1:
0x51: {  	_ = 	snop;
	(pc) =	sbr.rel @!p4 .LBB2_9-.Ltmp1, $4  }
0x52: {  	_ = 	snop  }
0x53: {  	s13 =	simm.s32 $0x400  }
0x54: {  	s14 =	simm.s32 $0x180;
	s21 =	simm.s32 $0x480;
	[sflag:s0] =	ssyncset.done @!p2 $0x0  }
0x55: {  	s31 =	simm.s32 $0x580;
	s9 =	simm.s32 $0x100;
	[sflag:s0] =	ssyncadd.s32 @!p2 $0xFFFFFF00  }
.LBB2_1:
0x56: {  	s0 =	rddreg [dreg:$0x5]  }
0x57: {  	s25 =	rddreg [dreg:$0x6]  }
0x58: {  	s28 =	rddreg [dreg:$0x7]  }
0x59: {  	s29 =	rddreg [dreg:$0x8]  }
0x5a: {  	s20 =	rddreg [dreg:$0x9]  }
0x5b: {  	[tilespmem:s5], [sflag:$0x1] =	stream.linear.gather [hbm4b:s0+s5], $0x80, $0x38;
	[tilespmem:$0x1FF80] =	vst v63  }
0x5c: {  	s8 =	simm.s32 $0x300;
	s22 =	rddreg [dreg:$0xa]  }
0x5d: {  	[tilespmem:s8], [sflag:$0x1] =	stream.linear.gather [hbm4b:s25+s5], $0x80, $0x38;
	[tilespmem:$0x1FF80] =	vst v63  }
0x5e: {  	[dreg:$0x18] =	wrdreg s19  }
0x5f: {  	[tilespmem:s26], [sflag:$0x2] =	stream.linear.gather [hbm4b:s28+s5], $0x80, $0x38;
	[tilespmem:$0x1FF80] =	vst v63  }
0x60: {  	s30 =	simm.s32 $0x380;
	s0 =	rddreg [dreg:$0xd]  }
0x61: {  	[tilespmem:s30], [sflag:$0x2] =	stream.linear.gather [hbm4b:s29+s5], $0x80, $0x38;
	[tilespmem:$0x1FF80] =	vst v63  }
0x62: {  	s25 =	rddreg [dreg:$0xb]  }
0x63: {  	[tilespmem:s9], [sflag:$0x3] =	stream.linear.gather [hbm4b:s20+s5], $0x80, $0x38;
	[tilespmem:$0x1FF80] =	vst v63  }
0x64: {  	s28 =	rddreg [dreg:$0xc];
	s29 =	stileid.u32  }
0x65: {  	[tilespmem:s13], [sflag:$0x3] =	stream.linear.gather [hbm4b:s22+s5], $0x80, $0x38;
	[tilespmem:$0x1FF80] =	vst v63  }
0x66: {  	s30 =	rddreg [dreg:$0x10];
	s8 =	sshll.u32 s29, $0x6  }
0x67: {  	[tilespmem:s14], [sflag:$0x4] =	stream.linear.gather [hbm4b:s25+s5], $0x80, $0x38;
	[tilespmem:$0x1FF80] =	vst v63  }
0x68: {  	[dreg:$0x19] =	wrdreg s8  }
0x69: {  	[tilespmem:s21], [sflag:$0x4] =	stream.linear.gather [hbm4b:s28+s5], $0x80, $0x38;
	[tilespmem:$0x1FF80] =	vst v63  }
.Ltmp2:
0x6a: {  	s25 =	simm.s32 @!p1 $0x0;
	s28 =	simm.s32 @!p1 $0x1FE80;
	(pc) =	sbr.rel @!p0 .LBB2_2-.Ltmp2, $4  }
0x6b: {  	[tilespmem:s28], [sflag:$0xD] =	stream.linear.gather @!p1 [hbm4b:s0+s25], $0x80, $0x38;
	[tilespmem:$0x1FF80] =	vst v63  }
0x6c: {  	s20 =	sshrl.u32 s30, $0x3;
	s28 =	simm.s32 @!p1 $0x1FF00;
	s0 =	rddreg [dreg:$0xf]  }
0x6d: {  	[tilespmem:s28], [sflag:$0xD] =	stream.linear.gather @!p1 [hbm4b:s0+s25], $0x80, $0x38;
	[tilespmem:$0x1FF80] =	vst v63  }
0x6e: {  	[dreg:$0x1a] =	wrdreg s20;
	s25 =	sor.u32 $0x1C0E, s8  }
0x6f: {  	s25 =	sor.u32 $0x1C0E, s8;
	s0 =	rddreg [dreg:$0x13]  }
0x70: {  	[spmem:s20], [sflag:s25] =	dma.local [hbm:s0], $0x2700  }
.Ltmp3:
0x71: {  	_ = 	snop;
	(pc) =	sbr.rel @p2 .LBB2_5-.Ltmp3, $4  }
.Ltmp4:
0x72: {  	_ =	swait.ge [sflag:s23], $0x2700;
	(pc) =	sbr.rel @!p2 .LBB2_4-.Ltmp4, $4  }
0x73: {  	[sflag:s23] =	ssyncset.done $0x0  }
0x74: {  	[sflag:s23] =	ssyncadd.s32 $0xFFFFD900  }
0x75: {  	s21 =	simm.s32 $0x600;
	s28 =	rddreg [dreg:$0x1]  }
0x76: {  	_ = 	snop  }
.LBB2_2:
.Ltmp5:
0x77: {  	s0 =	rddreg [dreg:$0x11];
	(pc) =	sbr.rel @!p3 .LBB2_5-.Ltmp5, $4  }
0x78: {  	[spmem:s20], [sflag:s25] =	dma.local [hbm:s0], $0x2700  }
0x79: {  	_ =	swait.ge [sflag:s23], $0x2700  }
0x7a: {  	[sflag:s23] =	ssyncset.done $0x0  }
0x7b: {  	s28 =	smov.u32 s1;
	s21 =	simm.s32 $0x600;
	[sflag:s23] =	ssyncadd.s32 $0xFFFFD900  }
.LBB2_4:
0x7c: {  	s0 =	rddreg [dreg:$0x12]  }
0x7d: {  	s28 =	sadd.s32 $0x27000, s28;
	s29 =	sshrl.u32 s0, $0x3  }
0x7e: {  	[spmem:s29], [sflag:s25] =	dma.local [hbm:s28], $0x100  }
0x7f: {  	_ =	swait.ge [sflag:s23], $0x100  }
0x80: {  	[sflag:s23] =	ssyncset.done $0x0  }
0x81: {  	[sflag:s23] =	ssyncadd.s32 $0xFFFFFF00  }
.LBB2_5:
0x82: {  	_ =	swait.ge [sflag:s18], $0x80  }
0x83: {  	[sflag:s18] =	ssyncset.done $0x0  }
0x84: {  	[sflag:s18] =	ssyncadd.s32 $0xFFFFFF80  }
0x85: {  	_ =	swait.ge [sflag:s18], $0x80  }
0x86: {  	[sflag:s18] =	ssyncset.done $0x0  }
0x87: {  	s25 =	simm.s32 $0x0;
	[sflag:s18] =	ssyncadd.s32 $0xFFFFFF80  }
0x88: {  	[tilespmem:s21], [sflag:$0x7] =	stream.indirect.gather [hbm4b:s1+s26], $0x80, s25, s26, $0xb8;
	[tilespmem:$0x1FF80] =	vst v63  }
0x89: {  	[bflag:$0x0] =	sbarrier.arrive $0xFFFF  }
.LBB2_6:
0x8a: {  	p4 =	seq.s32 s25, $0x0  }
0x8b: {  	s28 =	simm.s32 @!p4 $0xB  }
0x8c: {  	_ =	swait.ge @!p4 [sflag:s28], $0x4000  }
0x8d: {  	[sflag:s28] =	ssyncset.done @!p4 $0x0  }
0x8e: {  	[sflag:s28] =	ssyncadd.s32 @!p4 $0xFFFFC000  }
0x8f: {  	_ =	swait.ge [sflag:s4], $0x80  }
0x90: {  	[sflag:s4] =	ssyncset.done $0x0  }
0x91: {  	[sflag:s4] =	ssyncadd.s32 $0xFFFFFF80  }
0x92: {  	_ =	swait.ge [sflag:s4], $0x80  }
0x93: {  	[sflag:s4] =	ssyncset.done $0x0  }
0x94: {  	[sflag:s4] =	ssyncadd.s32 $0xFFFFFF80  }
0x95: {  	[tilespmem:s6], [sflag:$0x8] =	stream.indirect.gather [hbm4b:s1+s26], $0x80, s26, s26, $0xb8;
	[tilespmem:$0x1FF80] =	vst v63  }
0x96: {  	_ =	swait.ge [sflag:s7], $0x4000  }
0x97: {  	[sflag:s7] =	ssyncset.done $0x0;
	s8 =	rddreg [dreg:$0x16]  }
0x98: {  	s0 =	simm.s32 $0x300;
	[sflag:s7] =	ssyncadd.s32 $0xFFFFC000;
	s28 =	sadd.s32 s25, s8  }
0x99: {  	[spmem:s3] =	stream.indirect.scatter.add.f32 [tilespmem:s21], [sflag:$0xA], $0x80, s0, s26, $0xb8;
	[tilespmem:$0x1FF80] =	vst v63  }
0x9a: {  	s23 =	rddreg [dreg:$0x17];
	s29 =	sadd.s32 $0x40, s28;
	s21 =	simm.s32 $0x200  }
0x9b: {  	[tilespmem:s21], [sflag:$0x5] =	stream.linear.gather [hbm4b:s29+s5], $0x80, $0x38;
	[tilespmem:$0x1FF80] =	vst v63  }
0x9c: {  	s29 =	sadd.s32 s25, s23  }
0x9d: {  	s19 =	simm.s32 $0x500;
	s30 =	sadd.s32 $0x40, s29  }
0x9e: {  	[tilespmem:s19], [sflag:$0x5] =	stream.linear.gather [hbm4b:s30+s5], $0x80, $0x38;
	[tilespmem:$0x1FF80] =	vst v63  }
0x9f: {  	s30 =	simm.s32 @!p4 $0xC  }
0xa0: {  	_ =	swait.ge @!p4 [sflag:s30], $0x4000  }
0xa1: {  	[sflag:s30] =	ssyncset.done @!p4 $0x0  }
0xa2: {  	[sflag:s30] =	ssyncadd.s32 @!p4 $0xFFFFC000  }
0xa3: {  	_ =	swait.ge [sflag:s10], $0x80  }
0xa4: {  	[sflag:s10] =	ssyncset.done $0x0  }
0xa5: {  	[sflag:s10] =	ssyncadd.s32 $0xFFFFFF80  }
0xa6: {  	_ =	swait.ge [sflag:s10], $0x80  }
0xa7: {  	[sflag:s10] =	ssyncset.done $0x0  }
0xa8: {  	[sflag:s10] =	ssyncadd.s32 $0xFFFFFF80  }
0xa9: {  	[tilespmem:s11], [sflag:$0x9] =	stream.indirect.gather [hbm4b:s1+s26], $0x80, s9, s26, $0xb8;
	[tilespmem:$0x1FF80] =	vst v63  }
0xaa: {  	_ =	swait.ge [sflag:s12], $0x4000  }
0xab: {  	[sflag:s12] =	ssyncset.done $0x0  }
0xac: {  	s30 =	simm.s32 $0x380;
	[sflag:s12] =	ssyncadd.s32 $0xFFFFC000  }
0xad: {  	[spmem:s3] =	stream.indirect.scatter.add.f32 [tilespmem:s6], [sflag:$0xB], $0x80, s30, s26, $0xb8;
	[tilespmem:$0x1FF80] =	vst v63  }
0xae: {  	s20 =	simm.s32 $0x280;
	s9 =	sadd.s32 $0x50, s28  }
0xaf: {  	[tilespmem:s20], [sflag:$0x6] =	stream.linear.gather [hbm4b:s9+s5], $0x80, $0x38;
	[tilespmem:$0x1FF80] =	vst v63  }
0xb0: {  	s0 =	sadd.s32 $0x50, s29  }
0xb1: {  	[tilespmem:s31], [sflag:$0x6] =	stream.linear.gather [hbm4b:s0+s5], $0x80, $0x38;
	[tilespmem:$0x1FF80] =	vst v63  }
0xb2: {  	_ =	swait.ge [sflag:s15], $0x4000  }
0xb3: {  	[sflag:s15] =	ssyncset.done $0x0  }
0xb4: {  	[sflag:s15] =	ssyncadd.s32 $0xFFFFC000  }
0xb5: {  	_ =	swait.ge [sflag:s16], $0x80  }
0xb6: {  	[sflag:s16] =	ssyncset.done $0x0  }
0xb7: {  	[sflag:s16] =	ssyncadd.s32 $0xFFFFFF80  }
0xb8: {  	_ =	swait.ge [sflag:s16], $0x80  }
0xb9: {  	[sflag:s16] =	ssyncset.done $0x0  }
0xba: {  	s22 =	simm.s32 $0x600;
	[sflag:s16] =	ssyncadd.s32 $0xFFFFFF80  }
0xbb: {  	[tilespmem:s22], [sflag:$0x7] =	stream.indirect.gather [hbm4b:s1+s26], $0x80, s14, s26, $0xb8;
	[tilespmem:$0x1FF80] =	vst v63  }
0xbc: {  	_ =	swait.ge [sflag:s17], $0x4000  }
0xbd: {  	p4 =	seq.s32 s25, $0x480;
	[sflag:s17] =	ssyncset.done $0x0  }
0xbe: {  	s30 =	sadd.s32 @!p4 s25, s8;
	[sflag:s17] =	ssyncadd.s32 $0xFFFFC000  }
0xbf: {  	[spmem:s3] =	stream.indirect.scatter.add.f32 [tilespmem:s11], [sflag:$0xC], $0x80, s13, s26, $0xb8;
	[tilespmem:$0x1FF80] =	vst v63  }
0xc0: {  	s31 =	sadd.s32 @!p4 $0x60, s30;
	s0 =	simm.s32 @!p4 $0x0  }
0xc1: {  	[tilespmem:s0], [sflag:$0x1] =	stream.linear.gather @!p4 [hbm4b:s31+s0], $0x80, $0x38;
	[tilespmem:$0x1FF80] =	vst v63  }
0xc2: {  	s31 =	sadd.s32 @!p4 s25, s23  }
0xc3: {  	s9 =	simm.s32 @!p4 $0x300;
	s8 =	sadd.s32 @!p4 $0x60, s31  }
0xc4: {  	[tilespmem:s9], [sflag:$0x1] =	stream.linear.gather @!p4 [hbm4b:s8+s0], $0x80, $0x38;
	[tilespmem:$0x1FF80] =	vst v63  }
0xc5: {  	s9 =	simm.s32 $0xB  }
0xc6: {  	_ =	swait.ge [sflag:s9], $0x4000  }
0xc7: {  	[sflag:s9] =	ssyncset.done $0x0  }
0xc8: {  	[sflag:s9] =	ssyncadd.s32 $0xFFFFC000  }
0xc9: {  	_ =	swait.ge [sflag:s24], $0x80  }
0xca: {  	[sflag:s24] =	ssyncset.done $0x0  }
0xcb: {  	[sflag:s24] =	ssyncadd.s32 $0xFFFFFF80  }
0xcc: {  	_ =	swait.ge [sflag:s24], $0x80  }
0xcd: {  	[sflag:s24] =	ssyncset.done $0x0  }
0xce: {  	[sflag:s24] =	ssyncadd.s32 $0xFFFFFF80  }
0xcf: {  	[tilespmem:s6], [sflag:$0x8] =	stream.indirect.gather [hbm4b:s1+s26], $0x80, s21, s26, $0xb8;
	[tilespmem:$0x1FF80] =	vst v63  }
0xd0: {  	_ =	swait.ge [sflag:s7], $0x4000  }
0xd1: {  	[sflag:s7] =	ssyncset.done $0x0  }
0xd2: {  	s9 =	simm.s32 $0x480;
	s21 =	simm.s32 $0x600;
	[sflag:s7] =	ssyncadd.s32 $0xFFFFC000  }
0xd3: {  	[spmem:s3] =	stream.indirect.scatter.add.f32 [tilespmem:s21], [sflag:$0xA], $0x80, s9, s26, $0xb8;
	[tilespmem:$0x1FF80] =	vst v63  }
0xd4: {  	s8 =	sadd.s32 @!p4 $0x70, s30;
	s9 =	simm.s32 @!p4 $0x80  }
0xd5: {  	[tilespmem:s9], [sflag:$0x2] =	stream.linear.gather @!p4 [hbm4b:s8+s0], $0x80, $0x38;
	[tilespmem:$0x1FF80] =	vst v63  }
0xd6: {  	s8 =	sadd.s32 @!p4 $0x70, s31;
	s9 =	simm.s32 @!p4 $0x380;
	s31 =	simm.s32 $0xC  }
0xd7: {  	[tilespmem:s9], [sflag:$0x2] =	stream.linear.gather @!p4 [hbm4b:s8+s0], $0x80, $0x38;
	[tilespmem:$0x1FF80] =	vst v63  }
0xd8: {  	_ =	swait.ge [sflag:s31], $0x4000  }
0xd9: {  	[sflag:s31] =	ssyncset.done $0x0  }
0xda: {  	[sflag:s31] =	ssyncadd.s32 $0xFFFFC000  }
0xdb: {  	_ =	swait.ge [sflag:s2], $0x80  }
0xdc: {  	[sflag:s2] =	ssyncset.done $0x0  }
0xdd: {  	[sflag:s2] =	ssyncadd.s32 $0xFFFFFF80  }
0xde: {  	_ =	swait.ge [sflag:s2], $0x80  }
0xdf: {  	[sflag:s2] =	ssyncset.done $0x0  }
0xe0: {  	[sflag:s2] =	ssyncadd.s32 $0xFFFFFF80  }
0xe1: {  	[tilespmem:s11], [sflag:$0x9] =	stream.indirect.gather [hbm4b:s1+s26], $0x80, s20, s26, $0xb8;
	[tilespmem:$0x1FF80] =	vst v63  }
.Ltmp6:
0xe2: {  	_ = 	snop;
	(pc) =	sbr.rel @p4 .LBB2_8-.Ltmp6, $4  }
0xe3: {  	_ =	swait.ge [sflag:s12], $0x4000  }
0xe4: {  	s22 =	simm.s32 $0x580;
	s14 =	simm.s32 $0x400;
	[sflag:s12] =	ssyncset.done $0x0  }
0xe5: {  	s13 =	simm.s32 $0x100;
	s23 =	simm.s32 $0x180;
	[sflag:s12] =	ssyncadd.s32 $0xFFFFC000  }
0xe6: {  	[spmem:s3] =	stream.indirect.scatter.add.f32 [tilespmem:s6], [sflag:$0xB], $0x80, s19, s26, $0xb8;
	[tilespmem:$0x1FF80] =	vst v63  }
0xe7: {  	s0 =	sadd.s32 $0x80, s28  }
0xe8: {  	[tilespmem:s13], [sflag:$0x3] =	stream.linear.gather [hbm4b:s0+s5], $0x80, $0x38;
	[tilespmem:$0x1FF80] =	vst v63  }
0xe9: {  	s20 =	sadd.s32 $0x80, s29  }
0xea: {  	[tilespmem:s14], [sflag:$0x3] =	stream.linear.gather [hbm4b:s20+s5], $0x80, $0x38;
	[tilespmem:$0x1FF80] =	vst v63  }
0xeb: {  	_ =	swait.ge [sflag:s15], $0x4000  }
0xec: {  	[sflag:s15] =	ssyncset.done $0x0  }
0xed: {  	[sflag:s15] =	ssyncadd.s32 $0xFFFFC000  }
0xee: {  	_ =	swait.ge [sflag:s18], $0x80  }
0xef: {  	[sflag:s18] =	ssyncset.done $0x0  }
0xf0: {  	[sflag:s18] =	ssyncadd.s32 $0xFFFFFF80  }
0xf1: {  	_ =	swait.ge [sflag:s18], $0x80  }
0xf2: {  	[sflag:s18] =	ssyncset.done $0x0  }
0xf3: {  	[sflag:s18] =	ssyncadd.s32 $0xFFFFFF80  }
0xf4: {  	[tilespmem:s21], [sflag:$0x7] =	stream.indirect.gather [hbm4b:s1+s26], $0x80, s5, s26, $0xb8;
	[tilespmem:$0x1FF80] =	vst v63  }
0xf5: {  	_ =	swait.ge [sflag:s17], $0x4000  }
0xf6: {  	[sflag:s17] =	ssyncset.done $0x0  }
0xf7: {  	[sflag:s17] =	ssyncadd.s32 $0xFFFFC000  }
0xf8: {  	[spmem:s3] =	stream.indirect.scatter.add.f32 [tilespmem:s11], [sflag:$0xC], $0x80, s22, s26, $0xb8;
	[tilespmem:$0x1FF80] =	vst v63  }
.Ltmp7:
0xf9: {  	s28 =	sadd.s32 $0x90, s28;
	s30 =	sadd.s32 $0x90, s29;
	(pc) =	sbr.rel .LBB2_6-.Ltmp7, $4  }
0xfa: {  	s8 =	simm.s32 $0x480;
	s25 =	sadd.s32 $0x60, s25;
	s9 =	simm.s32 $0x100  }
0xfb: {  	[tilespmem:s23], [sflag:$0x4] =	stream.linear.gather [hbm4b:s28+s5], $0x80, $0x38;
	[tilespmem:$0x1FF80] =	vst v63  }
0xfc: {  	s31 =	simm.s32 $0x580;
	s13 =	simm.s32 $0x400;
	s14 =	simm.s32 $0x180  }
0xfd: {  	[tilespmem:s8], [sflag:$0x4] =	stream.linear.gather [hbm4b:s30+s5], $0x80, $0x38;
	[tilespmem:$0x1FF80] =	vst v63  }
.LBB2_9:
0xfe: {  	_ =	sfence.sel $0x180000  }
0xff: {  	[bflag:$0x0] =	sbarrier.arrive $0xFFFF  }
0x100: {  	_ =	strace $0x90000047  }
0x101: {  	s0 =	stileid.u32;
	[bflag:$0x2] =	sbarrier.arrive $0xFFFF  }
0x102: {  	p0 =	sne.s32 s0, $0x0;
	s0 =	rddreg [dreg:$0x4]  }
0x103: {  	s0 =	sadd.s32 @!p0 $0x100000, s0  }
0x104: {  	[sflag:s0] =	ssyncadd.tile.s32 @!p0 $0x1;
	_ =	shalt  }
.Lfunc_end2:
_tile_overlayer_lowered:
.L_overlay_start_2:
0x105: {  	(tag) =	ssettag $0x2  }
0x106: {  	s0 =	rddreg [dreg:$0x0];
	s2 =	stileid.u32  }
0x107: {  	s1 =	rddreg [dreg:$0x1];
	p0 =	sne.s32 s2, $0x0  }
0x108: {  	s3 =	rddreg [dreg:$0x2];
	[bflag:$0x3] =	sbarrier.arrive $0xFFFF;
	s2 =	simm.s32 @!p0 $0x1C0E  }
0x109: {  	[timem:s3], [sflag:s2] =	dma.local @!p0 [hbm:s0], s1  }
0x10a: {  	s0 =	simm.s32 @!p0 $0xE  }
0x10b: {  	_ =	swait.ge @!p0 [sflag:s0], s1  }
0x10c: {  	s1 =	ssub.s32 @!p0 $0x0, s1;
	[sflag:s0] =	ssyncset.done @!p0 $0x0  }
0x10d: {  	[sflag:s0] =	ssyncadd.s32 @!p0 s1  }
0x10e: {  	[bflag:$0x3] =	sbarrier.arrive $0xFFFF  }
0x10f: {  	_ =	shalt  }

// kernel: kernel.9.cloned.1.call-start
scs
__scs_entry_jumppad:
0x0: {  	(pc) =	sbr.rel $0x88, $3  }
0x1: {  	(tag) =	ssettag $0x0;
	lr =	simm.s32 $0x1  }
0x2: {  	[smem:$0x3F99] =	sst lr;
	_ =	strace $0xD0000000  }
0x3: {  	_ = 	snop  }
0x4: {  	_ = 	snop  }
0x5: {  	_ = 	snop  }
0x6: {  	_ = 	snop  }
0x7: {  	_ = 	snop  }
__scs_overlays_trampoline_lowered:
0x8: {  	[smem:$0x3FA8] =	sst s0  }
0x9: {  	[smem:$0x3FA9] =	sst s1  }
0xa: {  	[smem:$0x3FAA] =	sst s2  }
0xb: {  	[smem:$0x3FAB] =	sst s3  }
0xc: {  	[smem:$0x3FAC] =	sst s4  }
0xd: {  	[smem:$0x3FAD] =	sst s5  }
0xe: {  	[smem:$0x3FAE] =	sst s6  }
0xf: {  	[smem:$0x3FAF] =	sst s7  }
0x10: {  	[smem:$0x3FB0] =	sst s8  }
0x11: {  	[smem:$0x3FB1] =	sst s9;
	s0 =	simm.s32 @!p0 $0x0  }
0x12: {  	s1 =	sld [smem:$0x3F97];
	s0 =	simm.s32 @p0 $0x1  }
0x13: {  	[smem:$0x3FB2] =	sst s0;
	s0 =	simm.s32 @!p1 $0x0  }
0x14: {  	s2 =	sld [smem:$0x3F96];
	s0 =	simm.s32 @p1 $0x1  }
0x15: {  	[smem:$0x3FB3] =	sst s0;
	s0 =	simm.s32 @!p2 $0x0  }
0x16: {  	s3 =	sld [smem:$0x3FDB];
	s0 =	simm.s32 @p2 $0x1  }
0x17: {  	s4 =	simm.s32 $0x1BF5;
	[smem:$0x3FB5] =	sst s0  }
0x18: {  	s0 =	sld [smem:$0x3F98];
	_ =	swait.ge [sflag:s4], $0x0  }
0x19: {  	s7 =	sld [smem:$0x3F99]  }
0x1a: {  	s8 =	sadd.s32 $0xFFFFE003, lr  }
0x1b: {  	s9 =	sadd.s32 $0xFFFFFEF7, lr;
	s5 =	simm.s32 $0xFFFFFFFF;
	p2 =	slt.u32 s8, $0xFFFFF086  }
0x1c: {  	p1 =	slt.u32 s9, $0xF7A;
	s5 =	simm.s32 @!p2 $0x0  }
0x1d: {  	s5 =	simm.s32 @p1 $0x1;
	p0 =	seq.s32 s7, s2  }
0x1e: {  	s7 =	smul.u32 @!p0 $0xF7A, s2;
	p2 =	seq.s32 @!p0 s5, $0x0  }
0x1f: {  	s9 =	smul.u32 $0xF7A, s1;
	s8 =	simm.s32 @!p0 $0x1BF5;
	p2 =	por !p2, p0  }
0x20: {  	[sflag:s8] =	ssyncset.s32 @!p0 $0xFFFFF086;
	s6 =	sadd.s32 @!p0 s3, s7;
	s7 =	simm.s32 @!p0 $0x108  }
0x21: {  	s3 =	sadd.s32 s3, s9;
	s6 =	sadd.s32 @!p0 $0x88, s6;
	s7 =	simm.s32 @p2 $0x1082  }
0x22: {  	[simem:s7], [sflag:s8] =	dma.local @!p0 [hbm:s6], $0xF7A  }
0x23: {  	s9 =	sor.u32 $0xD0000000, s2;
	s6 =	simm.s32 $0x108;
	_ =	swait.ge @!p0 [sflag:s8], $0x0  }
0x24: {  	s3 =	sadd.s32 $0x88, s3;
	s6 =	simm.s32 @!p1 $0x1082;
	[sflag:s4] =	ssyncset.s32 $0xFFFFF086  }
0x25: {  	[simem:s6], [sflag:s4] =	dma.local [hbm:s3], $0xF7A  }
0x26: {  	[smem:$0x3F99] =	sst s1;
	(tag) =	ssettag s2;
	_ =	strace s9  }
0x27: {  	s1 =	sld [smem:$0x3FA9]  }
0x28: {  	s2 =	sld [smem:$0x3FAA]  }
0x29: {  	s4 =	sld [smem:$0x3FAC]  }
0x2a: {  	p0 =	seq.s32 s5, $0x0;
	s5 =	sld [smem:$0x3FAD]  }
0x2b: {  	s6 =	sld [smem:$0x3FAE]  }
0x2c: {  	s7 =	sld [smem:$0x3FAF]  }
0x2d: {  	s3 =	simm.s32 $0x108;
	s8 =	sld [smem:$0x3FB0]  }
0x2e: {  	s3 =	simm.s32 @!p0 $0x1082;
	s9 =	sld [smem:$0x3FB1]  }
0x2f: {  	lr =	sadd.s32 s0, s3;
	s0 =	sld [smem:$0x3FA8]  }
0x30: {  	s3 =	sld [smem:$0x3FAB]  }
0x31: {  	[smem:$0x3FB4] =	sst s10  }
0x32: {  	s10 =	sld [smem:$0x3FB2];
	_ =	sdelay $0x3  }
0x33: {  	p0 =	seq.s32 s10, $0x1;
	s10 =	sld [smem:$0x3FB4];
	_ =	sdelay $0x3  }
0x34: {  	[smem:$0x3FB4] =	sst s10  }
0x35: {  	s10 =	sld [smem:$0x3FB3];
	_ =	sdelay $0x3  }
0x36: {  	p1 =	seq.s32 s10, $0x1;
	s10 =	sld [smem:$0x3FB4];
	_ =	sdelay $0x3  }
0x37: {  	[smem:$0x3FB4] =	sst s10  }
0x38: {  	s10 =	sld [smem:$0x3FB5]  }
0x39: {  	_ = 	snop;
	(pc) =	sbr.ind lr, $3  }
0x3a: {  	_ = 	snop  }
0x3b: {  	_ = 	snop  }
0x3c: {  	p2 =	seq.s32 s10, $0x1;
	s10 =	sld [smem:$0x3FB4]  }
0x3d: {  	_ =	shalt  }
0x3e: {  	_ =	shalt  }
0x3f: {  	_ =	shalt  }
0x40: {  	_ =	shalt  }
0x41: {  	_ =	shalt  }
0x42: {  	_ =	shalt  }
0x43: {  	_ =	shalt  }
0x44: {  	_ =	shalt  }
0x45: {  	_ =	shalt  }
0x46: {  	_ =	shalt  }
0x47: {  	_ =	shalt  }
0x48: {  	_ =	shalt  }
0x49: {  	_ =	shalt  }
0x4a: {  	_ =	shalt  }
0x4b: {  	_ =	shalt  }
0x4c: {  	_ =	shalt  }
0x4d: {  	_ =	shalt  }
0x4e: {  	_ =	shalt  }
0x4f: {  	_ =	shalt  }
0x50: {  	_ =	shalt  }
0x51: {  	_ =	shalt  }
0x52: {  	_ =	shalt  }
0x53: {  	_ =	shalt  }
0x54: {  	_ =	shalt  }
0x55: {  	_ =	shalt  }
0x56: {  	_ =	shalt  }
0x57: {  	_ =	shalt  }
0x58: {  	_ =	shalt  }
0x59: {  	_ =	shalt  }
0x5a: {  	_ =	shalt  }
0x5b: {  	_ =	shalt  }
0x5c: {  	_ =	shalt  }
0x5d: {  	_ =	shalt  }
0x5e: {  	_ =	shalt  }
0x5f: {  	_ =	shalt  }
0x60: {  	_ =	shalt  }
0x61: {  	_ =	shalt  }
0x62: {  	_ =	shalt  }
0x63: {  	_ =	shalt  }
0x64: {  	_ =	shalt  }
0x65: {  	_ =	shalt  }
0x66: {  	_ =	shalt  }
0x67: {  	_ =	shalt  }
0x68: {  	_ =	shalt  }
0x69: {  	_ =	shalt  }
0x6a: {  	_ =	shalt  }
0x6b: {  	_ =	shalt  }
0x6c: {  	_ =	shalt  }
0x6d: {  	_ =	shalt  }
0x6e: {  	_ =	shalt  }
0x6f: {  	_ =	shalt  }
0x70: {  	_ =	shalt  }
0x71: {  	_ =	shalt  }
0x72: {  	_ =	shalt  }
0x73: {  	_ =	shalt  }
0x74: {  	_ =	shalt  }
0x75: {  	_ =	shalt  }
0x76: {  	_ =	shalt  }
0x77: {  	_ =	shalt  }
0x78: {  	_ =	shalt  }
0x79: {  	_ =	shalt  }
0x7a: {  	_ =	shalt  }
0x7b: {  	_ =	shalt  }
0x7c: {  	_ =	shalt  }
0x7d: {  	_ =	shalt  }
0x7e: {  	_ =	shalt  }
0x7f: {  	_ =	shalt  }
0x80: {  	_ =	shalt  }
0x81: {  	_ =	shalt  }
0x82: {  	_ =	shalt  }
0x83: {  	_ =	shalt  }
0x84: {  	_ =	shalt  }
0x85: {  	_ =	shalt  }
0x86: {  	_ =	shalt  }
0x87: {  	_ =	shalt  }
.Lfunc_end0:
.L_simem_size_0:
called_computation.1_lowered:
.L_overlay_start_0:
0x88: {  	s2 =	sld [smem:$0x3FD9]  }
0x89: {  	s3 =	sld [smem:$0x3FFE];
	_ =	sdelay $0x1  }
0x8a: {  	s1 =	srdreg.scid  }
0x8b: {  	s0 =	sand.u32 $0x1, s1  }
0x8c: {  	s17 =	sshll.u32 s0, $0xA;
	s2 =	sadd.s32 s3, s2  }
0x8d: {  	s2 =	sadd.s32 s2, s17  }
0x8e: {  	[smem:$0x3FC0] =	sst s2  }
0x8f: {  	_ = 	snop  }
0x90: {  	s2 =	sld [smem:$0x3FD0];
	(tm) =	ssettm $0x1  }
0x91: {  	s18 =	sld [smem:$0x3FFB];
	_ =	sdelay $0x3  }
0x92: {  	_ =	strace s18  }
0x93: {  	s3 =	sld [smem:$0x3FFC];
	_ =	sdelay $0x3  }
0x94: {  	_ =	strace s3  }
0x95: {  	s3 =	sld [smem:$0x3FFD];
	_ =	sdelay $0x3  }
0x96: {  	_ =	strace s3  }
0x97: {  	_ =	strace $0x8FFFFFFF  }
0x98: {  	s19 =	sld [smem:$0x3FDB];
	_ =	sdelay $0x1  }
0x99: {  	s4 =	simm.s32 $_scs_section_size  }
0x9a: {  	s5 =	simm.s32 $_size__tile_overlayer_lowered;
	s6 =	simm.s32 $_tile_overlayer_lowered  }
0x9b: {  	s22 =	simm.s32 $0x1BFF;
	s21 =	sshll.u32 s6, $0x1;
	s3 =	sadd.s32 s4, s19  }
0x9c: {  	s7 =	simm.s32 $0x0;
	s20 =	sshll.u32 s5, $0x1;
	s5 =	sadd.s32 s21, s3  }
0x9d: {  	[timem:s7], [sflag:s22] =	dma.local [hbm:s5], s20  }
0x9e: {  	_ =	swait.ge [sflag:s22], s20  }
0x9f: {  	s4 =	ssub.s32 $0x0, s20;
	[sflag:s22] =	ssyncset.done $0x0  }
0xa0: {  	[sflag:s22] =	ssyncadd.s32 s4;
	_ =	sdelay $0x1  }
0xa1: {  	s23 =	simm.s32 $0x1B8B  }
0xa2: {  	_ =	swait.ge [sflag:s23], $0x1  }
0xa3: {  	[sflag:s23] =	ssyncset.done $0x0  }
0xa4: {  	s25 =	simm.s32 $0x1B8E;
	s24 =	sld [smem:$0x3FFE];
	[sflag:s23] =	ssyncadd.s32 $0xFFFFFFFF  }
0xa5: {  	s26 =	simm.s32 $execute0_lowered;
	[smem:$0x3FD2] =	sst s25  }
0xa6: {  	s5 =	sshll.u32 s26, $0x1;
	_ =	strace $0x80000049;
	[dreg:$0x1] =	wrdreg $0xFFFFFFFF  }
0xa7: {  	s28 =	simm.s32 $_size_execute0_lowered;
	s3 =	sadd.s32 s3, s5;
	[dreg:$0x0] =	wrdreg $0x0  }
0xa8: {  	s5 =	sshll.u32 s28, $0x1;
	[dreg:$0x2] =	wrdreg s3  }
0xa9: {  	[dreg:$0x3] =	wrdreg s5  }
0xaa: {  	[dreg:$0x4] =	wrdreg $0xC0  }
0xab: {  	_ =	task [dreg:s7], $0x5FFFF  }
0xac: {  	[dreg:$0x1] =	wrdreg $0xFFFFFFFF  }
0xad: {  	[dreg:$0x0] =	wrdreg $0x60  }
0xae: {  	[dreg:$0x2] =	wrdreg s24  }
0xaf: {  	[dreg:$0x3] =	wrdreg s2  }
0xb0: {  	[dreg:$0x4] =	wrdreg $0xC6000  }
0xb1: {  	[dreg:$0x5] =	wrdreg $0x9  }
0xb2: {  	_ =	task.clear_ibuf [dreg:s7], $0x6FFFF;
	_ =	strace $0x90000049  }
0xb3: {  	s29 =	simm.s32 $0x9;
	_ =	strace $0x8000004B  }
0xb4: {  	_ =	swait.ge [sflag:s29], $0x1  }
0xb5: {  	[sflag:s29] =	ssyncadd.s32 $0xFFFFFFFF  }
0xb6: {  	_ =	strace $0x9000004B  }
0xb7: {  	_ =	sfence  }
0xb8: {  	s30 =	sld [smem:$0x0];
	_ =	sdelay $0x2  }
0xb9: {  	s31 =	sshll.u32 s1, $0xD;
	s1 =	sshrl.u32 s1, $0x2  }
0xba: {  	s3 =	sand.u32 $0x4000, s31;
	s1 =	sadd.s32 s1, s30  }
0xbb: {  	s0 =	sor.u32 s3, s0;
	s1 =	sshll.u32 s1, $0x11  }
0xbc: {  	s0 =	sor.u32 s1, s0  }
0xbd: {  	s0 =	sadd.s32 $0x8F2B, s0  }
0xbe: {  	[sflag:s0] =	ssyncadd.remote.s32 $0x1  }
0xbf: {  	_ =	sfence.sel $0xFFFF  }
0xc0: {  	[dreg:$0x0] =	wrdreg $0xFFFFFFFF;
	(pc) =	sbr.abs _section_cstart, $3  }
0xc1: {  	[dreg:$0x1] =	wrdreg $0xFFFFFFFF  }
0xc2: {  	_ =	task.clear_ibuf [dreg:s7], $0x2FFFF;
	_ =	strace $0x9FFFFFFF  }
0xc3: {  	(tm) =	ssettm $0x7FFFFFFF  }
tec
execute0_lowered:
.L_overlay_start_1:
0x0: {  	(tag) =	ssettag $0x1  }
0x1: {  	s0 =	rddreg [dreg:$0x0]  }
0x2: {  	s14 =	rddreg [dreg:$0x1]  }
0x3: {  	s2 =	rddreg [dreg:$0x2]  }
0x4: {  	s1 =	srdreg.scid;
	s4 =	simm.s32 $0x0;
	s15 =	stileid.u32  }
0x5: {  	s31 =	simm.s32 $0x580;
	s1 =	sand.u32 $0x1, s1;
	s20 =	smul.u32 $0x4E000, s15  }
0x6: {  	[smem:$0x7FF] =	sst s4;
	s5 =	sadd.s32 $0x14E00, s0;
	s22 =	smul.u32 $0x13800, s15  }
0x7: {  	s6 =	sadd.s32 $0xB000, s0;
	s9 =	sadd.s32 $0x1200, s0;
	s24 =	smul.u32 $0x2700, s15  }
0x8: {  	s0 =	sadd.s32 $0x3C000, s0;
	s21 =	sshll.u32 s15, $0x4;
	s25 =	smul.u32 $0x4E0, s15  }
0x9: {  	s28 =	sadd.s32 $0x138000, s2;
	p2 =	sne.s32 s15, $0xF;
	p3 =	seq.s32 s15, $0xF  }
0xa: {  	s3 =	sshll.u32 s1, $0x4;
	_ =	strace $0x8000004A;
	s7 =	ssub.s32 $0x2, s1  }
0xb: {  	p0 =	seq.s32 s1, $0x1;
	[dreg:$0x11] =	wrdreg s28;
	s3 =	sor.u32 s15, s3  }
0xc: {  	s10 =	sshrl.u32 s7, $0x1;
	s26 =	sadd.s32 s5, s24;
	s29 =	sadd.s32 s14, s24  }
0xd: {  	s14 =	simm.s32 $0x180;
	s15 =	simm.s32 $0xA;
	s8 =	smul.u32 $0x4E0, s3  }
0xe: {  	s24 =	simm.s32 $0x5;
	s11 =	smul.u32 $0x2700, s3;
	[dreg:$0x10] =	wrdreg s26  }
0xf: {  	s7 =	ssub.s32 s7, s10;
	[dreg:$0x12] =	wrdreg s29;
	p1 =	sgt.u32 s3, $0x3  }
0x10: {  	s26 =	simm.s32 $0x80;
	s3 =	simm.s32 $0x2;
	s30 =	smax.u32 s7, $0x1  }
0x11: {  	s7 =	simm.s32 $0x7;
	s12 =	sadd.s32 s6, s8;
	s13 =	sadd.s32 s9, s8  }
0x12: {  	s8 =	sor.u32 $0x10, s8;
	s16 =	sshrl.u32 s11, $0x3;
	[dreg:$0x14] =	wrdreg s30  }
0x13: {  	s11 =	sor.u32 $0x9C00, s21;
	s21 =	simm.s32 $0x480;
	[dreg:$0x4] =	wrdreg s12  }
0x14: {  	[dreg:$0x5] =	wrdreg s13;
	s17 =	sadd.s32 s6, s8;
	s8 =	sadd.s32 s9, s8  }
0x15: {  	s18 =	sadd.s32 $0x20, s16;
	s10 =	sadd.s32 $0x30, s16;
	[dreg:$0x6] =	wrdreg s17  }
0x16: {  	s12 =	smul.u32 $0x138800, s1;
	s23 =	sadd.s32 s6, s11;
	[dreg:$0x7] =	wrdreg s8  }
0x17: {  	s1 =	smul.u32 $0x4E00, s1;
	s11 =	sadd.s32 s9, s11;
	[dreg:$0xc] =	wrdreg s23  }
0x18: {  	s16 =	simm.s32 $0x4;
	s19 =	sadd.s32 s6, s18;
	[dreg:$0xe] =	wrdreg s11  }
0x19: {  	s8 =	sadd.s32 s9, s18;
	s13 =	sadd.s32 s6, s10;
	[dreg:$0x8] =	wrdreg s19  }
0x1a: {  	s10 =	sadd.s32 s9, s10;
	s23 =	simm.s32 $0xE;
	[dreg:$0x9] =	wrdreg s8  }
0x1b: {  	s18 =	simm.s32 $0x1;
	s11 =	simm.s32 $0x8600;
	[dreg:$0xa] =	wrdreg s13  }
0x1c: {  	s17 =	simm.s32 $0x9;
	[dreg:$0xb] =	wrdreg s10;
	s8 =	sshrl.u32 s20, $0x2  }
0x1d: {  	s13 =	sadd.s32 s22, s12;
	s12 =	sshrl.u32 s12, $0x3;
	s6 =	sadd.s32 s1, s6  }
0x1e: {  	s1 =	sadd.s32 s1, s9;
	s9 =	simm.s32 $0x100;
	s10 =	simm.s32 $0x3  }
0x1f: {  	s19 =	simm.s32 $0x0;
	s13 =	sshrl.u32 s13, $0x3;
	s8 =	sadd.s32 s8, s2  }
.Ltmp0:
0x20: {  	s6 =	sadd.s32 s25, s6;
	[dreg:$0xf] =	wrdreg s8;
	(pc) =	sbr.rel .LBB2_1-.Ltmp0, $4  }
0x21: {  	s1 =	sadd.s32 s25, s1;
	s13 =	sadd.s32 s0, s13;
	[dreg:$0x15] =	wrdreg s6  }
0x22: {  	s0 =	sadd.s32 s0, s12;
	[dreg:$0x16] =	wrdreg s1;
	s6 =	simm.s32 $0x4600  }
0x23: {  	s12 =	simm.s32 $0x8;
	[dreg:$0xd] =	wrdreg s13;
	s0 =	sadd.s32 $0x27000, s0  }
0x24: {  	s1 =	simm.s32 $0x6;
	s13 =	simm.s32 $0x400;
	[dreg:$0x13] =	wrdreg s0  }
.LBB2_8:
0x25: {  	_ =	swait.ge [sflag:s17], $0x4000  }
0x26: {  	[sflag:s17] =	ssyncset.done $0x0  }
0x27: {  	[sflag:s17] =	ssyncadd.s32 $0xFFFFC000  }
0x28: {  	[spmem:s2] =	stream.indirect.scatter.add.f32 [tilespmem:s11], [sflag:$0xC], $0x80, s22, s26, $0xb8;
	[tilespmem:$0x1FF80] =	vst v63  }
0x29: {  	_ =	swait.ge [sflag:s15], $0x4000  }
0x2a: {  	[sflag:s15] =	ssyncset.done $0x0  }
0x2b: {  	s0 =	simm.s32 $0xB;
	[sflag:s15] =	ssyncadd.s32 $0xFFFFC000  }
0x2c: {  	_ =	swait.ge [sflag:s0], $0x4000  }
0x2d: {  	[sflag:s0] =	ssyncset.done $0x0  }
0x2e: {  	s23 =	simm.s32 $0xC;
	[sflag:s0] =	ssyncadd.s32 $0xFFFFC000  }
0x2f: {  	_ =	swait.ge [sflag:s23], $0x4000  }
0x30: {  	[sflag:s23] =	ssyncset.done $0x0  }
0x31: {  	s0 =	simm.s32 @!p1 $0xD;
	[sflag:s23] =	ssyncadd.s32 $0xFFFFC000  }
0x32: {  	_ =	swait.ge @!p1 [sflag:s0], $0x80  }
0x33: {  	[sflag:s0] =	ssyncset.done @!p1 $0x0  }
0x34: {  	[sflag:s0] =	ssyncadd.s32 @!p1 $0xFFFFFF80  }
0x35: {  	_ =	swait.ge @!p1 [sflag:s0], $0x80  }
0x36: {  	s8 =	simm.s32 @!p1 $0x1FE80;
	[sflag:s0] =	ssyncset.done @!p1 $0x0  }
0x37: {  	s9 =	simm.s32 @!p1 $0x600;
	[sflag:s0] =	ssyncadd.s32 @!p1 $0xFFFFFF80;
	s0 =	simm.s32 @!p1 $0x80  }
0x38: {  	[tilespmem:s9], [sflag:$0x7] =	stream.indirect.gather @!p1 [hbm4b:s5+s0], $0x80, s8, s0, $0xb8;
	[tilespmem:$0x1FF80] =	vst v63  }
0x39: {  	s8 =	simm.s32 @!p1 $0x7  }
0x3a: {  	_ =	swait.ge @!p1 [sflag:s8], $0x4000  }
0x3b: {  	[sflag:s8] =	ssyncset.done @!p1 $0x0  }
0x3c: {  	[sflag:s8] =	ssyncadd.s32 @!p1 $0xFFFFC000;
	s8 =	simm.s32 @!p1 $0x1FF00  }
0x3d: {  	[spmem:s2] =	stream.indirect.scatter.add.f32 @!p1 [tilespmem:s9], [sflag:$0xE], $0x80, s8, s0, $0xb8;
	[tilespmem:$0x1FF80] =	vst v63  }
0x3e: {  	s0 =	simm.s32 @!p1 $0xE  }
0x3f: {  	_ =	swait.ge @!p1 [sflag:s0], $0x4000  }
0x40: {  	[sflag:s0] =	ssyncset.done @!p1 $0x0  }
0x41: {  	[sflag:s0] =	ssyncadd.s32 @!p1 $0xFFFFC000  }
0x42: {  	[bflag:$0x0] =	sbarrier.arrive $0xFFFF  }
0x43: {  	s25 =	rddreg [dreg:$0x18]  }
0x44: {  	s28 =	rddreg [dreg:$0xd]  }
0x45: {  	s23 =	simm.s32 $0xE;
	s29 =	rddreg [dreg:$0x19];
	s0 =	sor.u32 $0x1C0E, s25  }
0x46: {  	[hbm:s28], [sflag:s0] =	dma.local [spmem:s29], $0x2700  }
0x47: {  	_ =	swait.ge [sflag:s23], $0x2700  }
0x48: {  	[sflag:s23] =	ssyncset.done $0x0;
	s8 =	rddreg [dreg:$0x11]  }
0x49: {  	s9 =	rddreg [dreg:$0x13];
	[sflag:s23] =	ssyncadd.s32 $0xFFFFD900;
	s8 =	sshrl.u32 @!p2 s8, $0x3  }
0x4a: {  	[hbm:s9], [sflag:s0] =	dma.local @!p2 [spmem:s8], $0x100  }
0x4b: {  	s0 =	simm.s32 @!p2 $0xE  }
0x4c: {  	_ =	swait.ge @!p2 [sflag:s0], $0x100  }
0x4d: {  	s19 =	rddreg [dreg:$0x17]  }
0x4e: {  	s30 =	rddreg [dreg:$0x14];
	s19 =	sadd.s32 $0x1, s19  }
0x4f: {  	p4 =	sne.s32 s19, s30  }
.Ltmp1:
0x50: {  	_ = 	snop;
	(pc) =	sbr.rel @!p4 .LBB2_9-.Ltmp1, $4  }
0x51: {  	_ = 	snop  }
0x52: {  	s13 =	simm.s32 $0x400  }
0x53: {  	s14 =	simm.s32 $0x180;
	s21 =	simm.s32 $0x480;
	[sflag:s0] =	ssyncset.done @!p2 $0x0  }
0x54: {  	s31 =	simm.s32 $0x580;
	s9 =	simm.s32 $0x100;
	[sflag:s0] =	ssyncadd.s32 @!p2 $0xFFFFFF00  }
.LBB2_1:
0x55: {  	s0 =	rddreg [dreg:$0x4]  }
0x56: {  	s25 =	rddreg [dreg:$0x5]  }
0x57: {  	s28 =	rddreg [dreg:$0x6]  }
0x58: {  	s29 =	rddreg [dreg:$0x7]  }
0x59: {  	s20 =	rddreg [dreg:$0x8]  }
0x5a: {  	[tilespmem:s4], [sflag:$0x1] =	stream.linear.gather [hbm4b:s0+s4], $0x80, $0x38;
	[tilespmem:$0x1FF80] =	vst v63  }
0x5b: {  	s8 =	simm.s32 $0x300;
	s22 =	rddreg [dreg:$0x9]  }
0x5c: {  	[tilespmem:s8], [sflag:$0x1] =	stream.linear.gather [hbm4b:s25+s4], $0x80, $0x38;
	[tilespmem:$0x1FF80] =	vst v63  }
0x5d: {  	[dreg:$0x17] =	wrdreg s19  }
0x5e: {  	[tilespmem:s26], [sflag:$0x2] =	stream.linear.gather [hbm4b:s28+s4], $0x80, $0x38;
	[tilespmem:$0x1FF80] =	vst v63  }
0x5f: {  	s30 =	simm.s32 $0x380;
	s0 =	rddreg [dreg:$0xc]  }
0x60: {  	[tilespmem:s30], [sflag:$0x2] =	stream.linear.gather [hbm4b:s29+s4], $0x80, $0x38;
	[tilespmem:$0x1FF80] =	vst v63  }
0x61: {  	s25 =	rddreg [dreg:$0xa]  }
0x62: {  	[tilespmem:s9], [sflag:$0x3] =	stream.linear.gather [hbm4b:s20+s4], $0x80, $0x38;
	[tilespmem:$0x1FF80] =	vst v63  }
0x63: {  	s28 =	rddreg [dreg:$0xb];
	s29 =	stileid.u32  }
0x64: {  	[tilespmem:s13], [sflag:$0x3] =	stream.linear.gather [hbm4b:s22+s4], $0x80, $0x38;
	[tilespmem:$0x1FF80] =	vst v63  }
0x65: {  	s30 =	rddreg [dreg:$0xf];
	s8 =	sshll.u32 s29, $0x6  }
0x66: {  	[tilespmem:s14], [sflag:$0x4] =	stream.linear.gather [hbm4b:s25+s4], $0x80, $0x38;
	[tilespmem:$0x1FF80] =	vst v63  }
0x67: {  	[dreg:$0x18] =	wrdreg s8  }
0x68: {  	[tilespmem:s21], [sflag:$0x4] =	stream.linear.gather [hbm4b:s28+s4], $0x80, $0x38;
	[tilespmem:$0x1FF80] =	vst v63  }
.Ltmp2:
0x69: {  	s25 =	simm.s32 @!p1 $0x0;
	s28 =	simm.s32 @!p1 $0x1FE80;
	(pc) =	sbr.rel @!p0 .LBB2_2-.Ltmp2, $4  }
0x6a: {  	[tilespmem:s28], [sflag:$0xD] =	stream.linear.gather @!p1 [hbm4b:s0+s25], $0x80, $0x38;
	[tilespmem:$0x1FF80] =	vst v63  }
0x6b: {  	s20 =	sshrl.u32 s30, $0x3;
	s28 =	simm.s32 @!p1 $0x1FF00;
	s0 =	rddreg [dreg:$0xe]  }
0x6c: {  	[tilespmem:s28], [sflag:$0xD] =	stream.linear.gather @!p1 [hbm4b:s0+s25], $0x80, $0x38;
	[tilespmem:$0x1FF80] =	vst v63  }
0x6d: {  	[dreg:$0x19] =	wrdreg s20;
	s25 =	sor.u32 $0x1C0E, s8  }
0x6e: {  	s25 =	sor.u32 $0x1C0E, s8;
	s0 =	rddreg [dreg:$0x12]  }
0x6f: {  	[spmem:s20], [sflag:s25] =	dma.local [hbm:s0], $0x2700  }
.Ltmp3:
0x70: {  	_ = 	snop;
	(pc) =	sbr.rel @p2 .LBB2_5-.Ltmp3, $4  }
.Ltmp4:
0x71: {  	_ =	swait.ge [sflag:s23], $0x2700;
	(pc) =	sbr.rel @!p2 .LBB2_4-.Ltmp4, $4  }
0x72: {  	[sflag:s23] =	ssyncset.done $0x0  }
0x73: {  	[sflag:s23] =	ssyncadd.s32 $0xFFFFD900  }
0x74: {  	s21 =	simm.s32 $0x600;
	s28 =	rddreg [dreg:$0x1]  }
0x75: {  	_ = 	snop  }
.LBB2_2:
.Ltmp5:
0x76: {  	s0 =	rddreg [dreg:$0x10];
	(pc) =	sbr.rel @!p3 .LBB2_5-.Ltmp5, $4  }
0x77: {  	[spmem:s20], [sflag:s25] =	dma.local [hbm:s0], $0x2700  }
0x78: {  	_ =	swait.ge [sflag:s23], $0x2700  }
0x79: {  	[sflag:s23] =	ssyncset.done $0x0  }
0x7a: {  	s28 =	smov.u32 s5;
	s21 =	simm.s32 $0x600;
	[sflag:s23] =	ssyncadd.s32 $0xFFFFD900  }
.LBB2_4:
0x7b: {  	s0 =	rddreg [dreg:$0x11]  }
0x7c: {  	s28 =	sadd.s32 $0x27000, s28;
	s29 =	sshrl.u32 s0, $0x3  }
0x7d: {  	[spmem:s29], [sflag:s25] =	dma.local [hbm:s28], $0x100  }
0x7e: {  	_ =	swait.ge [sflag:s23], $0x100  }
0x7f: {  	[sflag:s23] =	ssyncset.done $0x0  }
0x80: {  	[sflag:s23] =	ssyncadd.s32 $0xFFFFFF00  }
.LBB2_5:
0x81: {  	_ =	swait.ge [sflag:s18], $0x80  }
0x82: {  	[sflag:s18] =	ssyncset.done $0x0  }
0x83: {  	[sflag:s18] =	ssyncadd.s32 $0xFFFFFF80  }
0x84: {  	_ =	swait.ge [sflag:s18], $0x80  }
0x85: {  	[sflag:s18] =	ssyncset.done $0x0  }
0x86: {  	s25 =	simm.s32 $0x0;
	[sflag:s18] =	ssyncadd.s32 $0xFFFFFF80  }
0x87: {  	[tilespmem:s21], [sflag:$0x7] =	stream.indirect.gather [hbm4b:s5+s26], $0x80, s25, s26, $0xb8;
	[tilespmem:$0x1FF80] =	vst v63  }
0x88: {  	[bflag:$0x0] =	sbarrier.arrive $0xFFFF  }
.LBB2_6:
0x89: {  	p4 =	seq.s32 s25, $0x0  }
0x8a: {  	s28 =	simm.s32 @!p4 $0xB  }
0x8b: {  	_ =	swait.ge @!p4 [sflag:s28], $0x4000  }
0x8c: {  	[sflag:s28] =	ssyncset.done @!p4 $0x0  }
0x8d: {  	[sflag:s28] =	ssyncadd.s32 @!p4 $0xFFFFC000  }
0x8e: {  	_ =	swait.ge [sflag:s3], $0x80  }
0x8f: {  	[sflag:s3] =	ssyncset.done $0x0  }
0x90: {  	[sflag:s3] =	ssyncadd.s32 $0xFFFFFF80  }
0x91: {  	_ =	swait.ge [sflag:s3], $0x80  }
0x92: {  	[sflag:s3] =	ssyncset.done $0x0  }
0x93: {  	[sflag:s3] =	ssyncadd.s32 $0xFFFFFF80  }
0x94: {  	[tilespmem:s6], [sflag:$0x8] =	stream.indirect.gather [hbm4b:s5+s26], $0x80, s26, s26, $0xb8;
	[tilespmem:$0x1FF80] =	vst v63  }
0x95: {  	_ =	swait.ge [sflag:s7], $0x4000  }
0x96: {  	[sflag:s7] =	ssyncset.done $0x0;
	s8 =	rddreg [dreg:$0x15]  }
0x97: {  	s0 =	simm.s32 $0x300;
	[sflag:s7] =	ssyncadd.s32 $0xFFFFC000;
	s28 =	sadd.s32 s25, s8  }
0x98: {  	[spmem:s2] =	stream.indirect.scatter.add.f32 [tilespmem:s21], [sflag:$0xA], $0x80, s0, s26, $0xb8;
	[tilespmem:$0x1FF80] =	vst v63  }
0x99: {  	s23 =	rddreg [dreg:$0x16];
	s29 =	sadd.s32 $0x40, s28;
	s21 =	simm.s32 $0x200  }
0x9a: {  	[tilespmem:s21], [sflag:$0x5] =	stream.linear.gather [hbm4b:s29+s4], $0x80, $0x38;
	[tilespmem:$0x1FF80] =	vst v63  }
0x9b: {  	s29 =	sadd.s32 s25, s23  }
0x9c: {  	s19 =	simm.s32 $0x500;
	s30 =	sadd.s32 $0x40, s29  }
0x9d: {  	[tilespmem:s19], [sflag:$0x5] =	stream.linear.gather [hbm4b:s30+s4], $0x80, $0x38;
	[tilespmem:$0x1FF80] =	vst v63  }
0x9e: {  	s30 =	simm.s32 @!p4 $0xC  }
0x9f: {  	_ =	swait.ge @!p4 [sflag:s30], $0x4000  }
0xa0: {  	[sflag:s30] =	ssyncset.done @!p4 $0x0  }
0xa1: {  	[sflag:s30] =	ssyncadd.s32 @!p4 $0xFFFFC000  }
0xa2: {  	_ =	swait.ge [sflag:s10], $0x80  }
0xa3: {  	[sflag:s10] =	ssyncset.done $0x0  }
0xa4: {  	[sflag:s10] =	ssyncadd.s32 $0xFFFFFF80  }
0xa5: {  	_ =	swait.ge [sflag:s10], $0x80  }
0xa6: {  	[sflag:s10] =	ssyncset.done $0x0  }
0xa7: {  	[sflag:s10] =	ssyncadd.s32 $0xFFFFFF80  }
0xa8: {  	[tilespmem:s11], [sflag:$0x9] =	stream.indirect.gather [hbm4b:s5+s26], $0x80, s9, s26, $0xb8;
	[tilespmem:$0x1FF80] =	vst v63  }
0xa9: {  	_ =	swait.ge [sflag:s12], $0x4000  }
0xaa: {  	[sflag:s12] =	ssyncset.done $0x0  }
0xab: {  	s30 =	simm.s32 $0x380;
	[sflag:s12] =	ssyncadd.s32 $0xFFFFC000  }
0xac: {  	[spmem:s2] =	stream.indirect.scatter.add.f32 [tilespmem:s6], [sflag:$0xB], $0x80, s30, s26, $0xb8;
	[tilespmem:$0x1FF80] =	vst v63  }
0xad: {  	s20 =	simm.s32 $0x280;
	s9 =	sadd.s32 $0x50, s28  }
0xae: {  	[tilespmem:s20], [sflag:$0x6] =	stream.linear.gather [hbm4b:s9+s4], $0x80, $0x38;
	[tilespmem:$0x1FF80] =	vst v63  }
0xaf: {  	s0 =	sadd.s32 $0x50, s29  }
0xb0: {  	[tilespmem:s31], [sflag:$0x6] =	stream.linear.gather [hbm4b:s0+s4], $0x80, $0x38;
	[tilespmem:$0x1FF80] =	vst v63  }
0xb1: {  	_ =	swait.ge [sflag:s15], $0x4000  }
0xb2: {  	[sflag:s15] =	ssyncset.done $0x0  }
0xb3: {  	[sflag:s15] =	ssyncadd.s32 $0xFFFFC000  }
0xb4: {  	_ =	swait.ge [sflag:s16], $0x80  }
0xb5: {  	[sflag:s16] =	ssyncset.done $0x0  }
0xb6: {  	[sflag:s16] =	ssyncadd.s32 $0xFFFFFF80  }
0xb7: {  	_ =	swait.ge [sflag:s16], $0x80  }
0xb8: {  	[sflag:s16] =	ssyncset.done $0x0  }
0xb9: {  	s22 =	simm.s32 $0x600;
	[sflag:s16] =	ssyncadd.s32 $0xFFFFFF80  }
0xba: {  	[tilespmem:s22], [sflag:$0x7] =	stream.indirect.gather [hbm4b:s5+s26], $0x80, s14, s26, $0xb8;
	[tilespmem:$0x1FF80] =	vst v63  }
0xbb: {  	_ =	swait.ge [sflag:s17], $0x4000  }
0xbc: {  	p4 =	seq.s32 s25, $0x480;
	[sflag:s17] =	ssyncset.done $0x0  }
0xbd: {  	s30 =	sadd.s32 @!p4 s25, s8;
	[sflag:s17] =	ssyncadd.s32 $0xFFFFC000  }
0xbe: {  	[spmem:s2] =	stream.indirect.scatter.add.f32 [tilespmem:s11], [sflag:$0xC], $0x80, s13, s26, $0xb8;
	[tilespmem:$0x1FF80] =	vst v63  }
0xbf: {  	s31 =	sadd.s32 @!p4 $0x60, s30;
	s0 =	simm.s32 @!p4 $0x0  }
0xc0: {  	[tilespmem:s0], [sflag:$0x1] =	stream.linear.gather @!p4 [hbm4b:s31+s0], $0x80, $0x38;
	[tilespmem:$0x1FF80] =	vst v63  }
0xc1: {  	s31 =	sadd.s32 @!p4 s25, s23  }
0xc2: {  	s9 =	simm.s32 @!p4 $0x300;
	s8 =	sadd.s32 @!p4 $0x60, s31  }
0xc3: {  	[tilespmem:s9], [sflag:$0x1] =	stream.linear.gather @!p4 [hbm4b:s8+s0], $0x80, $0x38;
	[tilespmem:$0x1FF80] =	vst v63  }
0xc4: {  	s9 =	simm.s32 $0xB  }
0xc5: {  	_ =	swait.ge [sflag:s9], $0x4000  }
0xc6: {  	[sflag:s9] =	ssyncset.done $0x0  }
0xc7: {  	[sflag:s9] =	ssyncadd.s32 $0xFFFFC000  }
0xc8: {  	_ =	swait.ge [sflag:s24], $0x80  }
0xc9: {  	[sflag:s24] =	ssyncset.done $0x0  }
0xca: {  	[sflag:s24] =	ssyncadd.s32 $0xFFFFFF80  }
0xcb: {  	_ =	swait.ge [sflag:s24], $0x80  }
0xcc: {  	[sflag:s24] =	ssyncset.done $0x0  }
0xcd: {  	[sflag:s24] =	ssyncadd.s32 $0xFFFFFF80  }
0xce: {  	[tilespmem:s6], [sflag:$0x8] =	stream.indirect.gather [hbm4b:s5+s26], $0x80, s21, s26, $0xb8;
	[tilespmem:$0x1FF80] =	vst v63  }
0xcf: {  	_ =	swait.ge [sflag:s7], $0x4000  }
0xd0: {  	[sflag:s7] =	ssyncset.done $0x0  }
0xd1: {  	s9 =	simm.s32 $0x480;
	s21 =	simm.s32 $0x600;
	[sflag:s7] =	ssyncadd.s32 $0xFFFFC000  }
0xd2: {  	[spmem:s2] =	stream.indirect.scatter.add.f32 [tilespmem:s21], [sflag:$0xA], $0x80, s9, s26, $0xb8;
	[tilespmem:$0x1FF80] =	vst v63  }
0xd3: {  	s8 =	sadd.s32 @!p4 $0x70, s30;
	s9 =	simm.s32 @!p4 $0x80  }
0xd4: {  	[tilespmem:s9], [sflag:$0x2] =	stream.linear.gather @!p4 [hbm4b:s8+s0], $0x80, $0x38;
	[tilespmem:$0x1FF80] =	vst v63  }
0xd5: {  	s8 =	sadd.s32 @!p4 $0x70, s31;
	s9 =	simm.s32 @!p4 $0x380;
	s31 =	simm.s32 $0xC  }
0xd6: {  	[tilespmem:s9], [sflag:$0x2] =	stream.linear.gather @!p4 [hbm4b:s8+s0], $0x80, $0x38;
	[tilespmem:$0x1FF80] =	vst v63  }
0xd7: {  	_ =	swait.ge [sflag:s31], $0x4000  }
0xd8: {  	[sflag:s31] =	ssyncset.done $0x0  }
0xd9: {  	[sflag:s31] =	ssyncadd.s32 $0xFFFFC000  }
0xda: {  	_ =	swait.ge [sflag:s1], $0x80  }
0xdb: {  	[sflag:s1] =	ssyncset.done $0x0  }
0xdc: {  	[sflag:s1] =	ssyncadd.s32 $0xFFFFFF80  }
0xdd: {  	_ =	swait.ge [sflag:s1], $0x80  }
0xde: {  	[sflag:s1] =	ssyncset.done $0x0  }
0xdf: {  	[sflag:s1] =	ssyncadd.s32 $0xFFFFFF80  }
0xe0: {  	[tilespmem:s11], [sflag:$0x9] =	stream.indirect.gather [hbm4b:s5+s26], $0x80, s20, s26, $0xb8;
	[tilespmem:$0x1FF80] =	vst v63  }
.Ltmp6:
0xe1: {  	_ = 	snop;
	(pc) =	sbr.rel @p4 .LBB2_8-.Ltmp6, $4  }
0xe2: {  	_ =	swait.ge [sflag:s12], $0x4000  }
0xe3: {  	s22 =	simm.s32 $0x580;
	s14 =	simm.s32 $0x400;
	[sflag:s12] =	ssyncset.done $0x0  }
0xe4: {  	s13 =	simm.s32 $0x100;
	s23 =	simm.s32 $0x180;
	[sflag:s12] =	ssyncadd.s32 $0xFFFFC000  }
0xe5: {  	[spmem:s2] =	stream.indirect.scatter.add.f32 [tilespmem:s6], [sflag:$0xB], $0x80, s19, s26, $0xb8;
	[tilespmem:$0x1FF80] =	vst v63  }
0xe6: {  	s0 =	sadd.s32 $0x80, s28  }
0xe7: {  	[tilespmem:s13], [sflag:$0x3] =	stream.linear.gather [hbm4b:s0+s4], $0x80, $0x38;
	[tilespmem:$0x1FF80] =	vst v63  }
0xe8: {  	s20 =	sadd.s32 $0x80, s29  }
0xe9: {  	[tilespmem:s14], [sflag:$0x3] =	stream.linear.gather [hbm4b:s20+s4], $0x80, $0x38;
	[tilespmem:$0x1FF80] =	vst v63  }
0xea: {  	_ =	swait.ge [sflag:s15], $0x4000  }
0xeb: {  	[sflag:s15] =	ssyncset.done $0x0  }
0xec: {  	[sflag:s15] =	ssyncadd.s32 $0xFFFFC000  }
0xed: {  	_ =	swait.ge [sflag:s18], $0x80  }
0xee: {  	[sflag:s18] =	ssyncset.done $0x0  }
0xef: {  	[sflag:s18] =	ssyncadd.s32 $0xFFFFFF80  }
0xf0: {  	_ =	swait.ge [sflag:s18], $0x80  }
0xf1: {  	[sflag:s18] =	ssyncset.done $0x0  }
0xf2: {  	[sflag:s18] =	ssyncadd.s32 $0xFFFFFF80  }
0xf3: {  	[tilespmem:s21], [sflag:$0x7] =	stream.indirect.gather [hbm4b:s5+s26], $0x80, s4, s26, $0xb8;
	[tilespmem:$0x1FF80] =	vst v63  }
0xf4: {  	_ =	swait.ge [sflag:s17], $0x4000  }
0xf5: {  	[sflag:s17] =	ssyncset.done $0x0  }
0xf6: {  	[sflag:s17] =	ssyncadd.s32 $0xFFFFC000  }
0xf7: {  	[spmem:s2] =	stream.indirect.scatter.add.f32 [tilespmem:s11], [sflag:$0xC], $0x80, s22, s26, $0xb8;
	[tilespmem:$0x1FF80] =	vst v63  }
.Ltmp7:
0xf8: {  	s28 =	sadd.s32 $0x90, s28;
	s30 =	sadd.s32 $0x90, s29;
	(pc) =	sbr.rel .LBB2_6-.Ltmp7, $4  }
0xf9: {  	s8 =	simm.s32 $0x480;
	s25 =	sadd.s32 $0x60, s25;
	s9 =	simm.s32 $0x100  }
0xfa: {  	[tilespmem:s23], [sflag:$0x4] =	stream.linear.gather [hbm4b:s28+s4], $0x80, $0x38;
	[tilespmem:$0x1FF80] =	vst v63  }
0xfb: {  	s31 =	simm.s32 $0x580;
	s13 =	simm.s32 $0x400;
	s14 =	simm.s32 $0x180  }
0xfc: {  	[tilespmem:s8], [sflag:$0x4] =	stream.linear.gather [hbm4b:s30+s4], $0x80, $0x38;
	[tilespmem:$0x1FF80] =	vst v63  }
.LBB2_9:
0xfd: {  	_ =	sfence.sel $0x180000  }
0xfe: {  	[bflag:$0x0] =	sbarrier.arrive $0xFFFF  }
0xff: {  	_ =	strace $0x9000004A  }
0x100: {  	s0 =	stileid.u32;
	[bflag:$0x2] =	sbarrier.arrive $0xFFFF  }
0x101: {  	p0 =	sne.s32 s0, $0x0;
	s0 =	rddreg [dreg:$0x3]  }
0x102: {  	s0 =	sadd.s32 @!p0 $0x100000, s0  }
0x103: {  	[sflag:s0] =	ssyncadd.tile.s32 @!p0 $0x1;
	_ =	shalt  }
.Lfunc_end2:
_tile_overlayer_lowered:
.L_overlay_start_2:
0x104: {  	(tag) =	ssettag $0x2  }
0x105: {  	s0 =	rddreg [dreg:$0x0];
	s2 =	stileid.u32  }
0x106: {  	s1 =	rddreg [dreg:$0x1];
	p0 =	sne.s32 s2, $0x0  }
0x107: {  	s3 =	rddreg [dreg:$0x2];
	[bflag:$0x3] =	sbarrier.arrive $0xFFFF;
	s2 =	simm.s32 @!p0 $0x1C0E  }
0x108: {  	[timem:s3], [sflag:s2] =	dma.local @!p0 [hbm:s0], s1  }
0x109: {  	s0 =	simm.s32 @!p0 $0xE  }
0x10a: {  	_ =	swait.ge @!p0 [sflag:s0], s1  }
0x10b: {  	s1 =	ssub.s32 @!p0 $0x0, s1;
	[sflag:s0] =	ssyncset.done @!p0 $0x0  }
0x10c: {  	[sflag:s0] =	ssyncadd.s32 @!p0 s1  }
0x10d: {  	[bflag:$0x3] =	sbarrier.arrive $0xFFFF  }
0x10e: {  	_ =	shalt  }

</sc_bundles>
